<compile_context>
chip_gen: v7x
topology: tpu7x:2x2x1
jax: 0.10.2.dev20260603
libtpu: 0.0.44.dev20260713+nightly
codegen_flags: <defaults>
</compile_context>

<pallas_src>
import jax
import jax.numpy as jnp
from jax import lax
from jax.experimental import pallas as pl
from jax.experimental.pallas import tpu as pltpu
from jax.experimental.pallas import tpu_sc as plsc

N = 10000
E = 160000
D = 128
C = 128
NCHUNK = E // C
NSUB = 16
ROWS_PER_TILE = 632
NPAD = NSUB * ROWS_PER_TILE
ITERS = (NCHUNK + NSUB - 1) // NSUB


def _edge_accumulate(s, x_hbm, src_hbm, dst_hbm, srcb, dstall, rows, acc_sh,
                     semG, semIs):
    pltpu.sync_copy(src_hbm.at[pl.ds(s * C, C)], srcb[0])
    pltpu.sync_copy(dst_hbm.at[pl.ds(s * C, C)], dstall.at[0])
    @pl.when(s + NSUB < NCHUNK)
    def _():
        off = (s + NSUB) * C
        pltpu.async_copy(src_hbm.at[pl.ds(off, C)], srcb[1], semIs[1])
        pltpu.async_copy(dst_hbm.at[pl.ds(off, C)], dstall.at[1], semIs[1])
    pltpu.async_copy(x_hbm.at[srcb[0]], rows[0], semG)

    def body(kk, carry):
        for b in (0, 1):
            k = 2 * kk + b
            g = k * NSUB + s
            @pl.when(g < NCHUNK)
            def _():
                pltpu.make_async_copy(x_hbm.at[srcb[b]], rows[b], semG).wait()
                @pl.when(g + 2 * NSUB < NCHUNK)
                def _():
                    off = (g + 2 * NSUB) * C
                    pltpu.async_copy(src_hbm.at[pl.ds(off, C)], srcb[b],
                                     semIs[b])
                    pltpu.async_copy(dst_hbm.at[pl.ds(off, C)],
                                     dstall.at[k + 2], semIs[b])
                @pl.when(g + NSUB < NCHUNK)
                def _():
                    off = (g + NSUB) * C
                    pltpu.make_async_copy(src_hbm.at[pl.ds(off, C)],
                                          srcb[1 - b], semIs[1 - b]).wait()
                    pltpu.make_async_copy(dst_hbm.at[pl.ds(off, C)],
                                          dstall.at[k + 1], semIs[1 - b]).wait()
                    pltpu.async_copy(x_hbm.at[srcb[1 - b]], rows[1 - b], semG)
                pltpu.sync_copy(rows[b], acc_sh.at[dstall.at[k]], add=True)
        return carry
    lax.fori_loop(0, (ITERS + 1) // 2, body, 0)


def _edge_count(s, dstall, ones_v, acc_sh, semA):
    def body(kk, carry):
        for b in (0, 1):
            k = 2 * kk + b
            g = k * NSUB + s
            @pl.when(g < NCHUNK)
            def _():
                pltpu.async_copy(ones_v, acc_sh.at[dstall.at[k]], semA,
                                 add=True)
                @pl.when(k >= 2)
                def _():
                    pltpu.make_async_copy(ones_v, acc_sh.at[dstall.at[0]],
                                          semA).wait()
        return carry
    lax.fori_loop(0, (ITERS + 1) // 2, body, 0)
    pltpu.make_async_copy(ones_v, acc_sh.at[dstall.at[0]], semA).wait()
    pltpu.make_async_copy(ones_v, acc_sh.at[dstall.at[0]], semA).wait()


def _zero_acc(base, rows_v, acc_sh):
    for j in range(0, ROWS_PER_TILE, C):
        r = min(C, ROWS_PER_TILE - j)
        pltpu.sync_copy(rows_v.at[pl.ds(0, r)], acc_sh.at[pl.ds(base + j, r)])


def _writeout_acc(base, rows_v, acc_sh, out):
    for j in range(0, ROWS_PER_TILE, C):
        r = min(C, ROWS_PER_TILE - j)
        pltpu.sync_copy(acc_sh.at[pl.ds(base + j, r)], rows_v.at[pl.ds(0, r)])
        pltpu.sync_copy(rows_v.at[pl.ds(0, r)], out.at[pl.ds(base + j, r)])


def _sc_body(x_user, x_item, su, du, si, di, zrow, ones,
             s_item, cnt_item, s_user, cnt_user,
             acc_sh, dstall, src0, src1, rows0, rows1, semG, semA, semI0,
             semI1):
    c = lax.axis_index("c")
    s = lax.axis_index("s")
    base = s * ROWS_PER_TILE
    srcb = (src0, src1)
    rows = (rows0, rows1)
    semIs = (semI0, semI1)

    pltpu.sync_copy(zrow, rows0)
    _zero_acc(base, rows0, acc_sh)
    plsc.subcore_barrier()

    @pl.when(c == 0)
    def _():
        _edge_accumulate(s, x_user, su, du, srcb, dstall, rows, acc_sh,
                         semG, semIs)

    @pl.when(c == 1)
    def _():
        _edge_accumulate(s, x_item, si, di, srcb, dstall, rows, acc_sh,
                         semG, semIs)

    plsc.subcore_barrier()

    @pl.when(c == 0)
    def _():
        _writeout_acc(base, rows0, acc_sh, s_item)

    @pl.when(c == 1)
    def _():
        _writeout_acc(base, rows0, acc_sh, s_user)

    pltpu.sync_copy(zrow, rows0)
    _zero_acc(base, rows0, acc_sh)
    pltpu.sync_copy(ones, rows0)
    plsc.subcore_barrier()

    _edge_count(s, dstall, rows0, acc_sh, semA)

    plsc.subcore_barrier()

    @pl.when(c == 0)
    def _():
        _writeout_acc(base, rows1, acc_sh, cnt_item)

    @pl.when(c == 1)
    def _():
        _writeout_acc(base, rows1, acc_sh, cnt_user)


def _sc_segment_sums(x_user, x_item, su, du, si, di):
    zrow = jnp.zeros((C, D), jnp.float32)
    ones = jnp.ones((C, D), jnp.float32)
    f = pl.kernel(
        _sc_body,
        out_type=(
            jax.ShapeDtypeStruct((NPAD, D), jnp.float32),
            jax.ShapeDtypeStruct((NPAD, D), jnp.float32),
            jax.ShapeDtypeStruct((NPAD, D), jnp.float32),
            jax.ShapeDtypeStruct((NPAD, D), jnp.float32),
        ),
        mesh=plsc.VectorSubcoreMesh(core_axis_name="c", subcore_axis_name="s"),
        scratch_types=[
            pltpu.VMEM_SHARED((NPAD, D), jnp.float32),
            pltpu.VMEM((ITERS, C), jnp.int32),
            pltpu.VMEM((C,), jnp.int32),
            pltpu.VMEM((C,), jnp.int32),
            pltpu.VMEM((C, D), jnp.float32),
            pltpu.VMEM((C, D), jnp.float32),
            pltpu.SemaphoreType.DMA,
            pltpu.SemaphoreType.DMA,
            pltpu.SemaphoreType.DMA,
            pltpu.SemaphoreType.DMA,
        ],
    )
    return f(x_user, x_item, su, du, si, di, zrow, ones)


def _dense_body(s_ref, cnt_ref, x_ref, wl_ref, bl_ref, wr_ref, g_ref, b_ref,
                o_ref):
    cnt = cnt_ref[:, 0:1]
    mean = s_ref[...] / jnp.maximum(cnt, 1.0)
    h = lax.dot_general(mean, wl_ref[...], (((1,), (1,)), ((), ())),
                        preferred_element_type=jnp.float32)
    h = h + lax.dot_general(x_ref[...], wr_ref[...], (((1,), (1,)), ((), ())),
                            preferred_element_type=jnp.float32)
    h = h + bl_ref[...]
    nrm = jnp.sqrt(jnp.sum(h * h, axis=-1, keepdims=True))
    h = h / jnp.maximum(nrm, 1e-12)
    y = h + x_ref[...]
    m = jnp.mean(y, axis=-1, keepdims=True)
    v = jnp.mean((y - m) ** 2, axis=-1, keepdims=True)
    o_ref[...] = jnp.maximum(
        (y - m) * lax.rsqrt(v + 1e-5) * g_ref[...] + b_ref[...], 0.0)


def _dense_tail(seg, cnt, x, Wl, bl, Wr, g, b):
    R = 1000
    return pl.pallas_call(
        _dense_body,
        grid=(N // R,),
        in_specs=[
            pl.BlockSpec((R, D), lambda i: (i, 0)),
            pl.BlockSpec((R, D), lambda i: (i, 0)),
            pl.BlockSpec((R, D), lambda i: (i, 0)),
            pl.BlockSpec((D, D), lambda i: (0, 0)),
            pl.BlockSpec((1, D), lambda i: (0, 0)),
            pl.BlockSpec((D, D), lambda i: (0, 0)),
            pl.BlockSpec((1, D), lambda i: (0, 0)),
            pl.BlockSpec((1, D), lambda i: (0, 0)),
        ],
        out_specs=pl.BlockSpec((R, D), lambda i: (i, 0)),
        out_shape=jax.ShapeDtypeStruct((N, D), jnp.float32),
    )(seg, cnt, x, Wl, bl.reshape(1, D), Wr, g.reshape(1, D), b.reshape(1, D))


def kernel(x_user, x_item, Wl_u2i, bl_u2i, Wr_u2i, Wl_i2u, bl_i2u, Wr_i2u,
           g_user, beta_user, g_item, beta_item, edge_index_u2i,
           edge_index_i2u):
    su = edge_index_u2i[0].astype(jnp.int32)
    du = edge_index_u2i[1].astype(jnp.int32)
    si = edge_index_i2u[0].astype(jnp.int32)
    di = edge_index_i2u[1].astype(jnp.int32)
    s_item, cnt_item, s_user, cnt_user = _sc_segment_sums(
        x_user, x_item, su, du, si, di)
    out_item = _dense_tail(s_item, cnt_item, x_item, Wl_u2i, bl_u2i, Wr_u2i,
                           g_item, beta_item)
    out_user = _dense_tail(s_user, cnt_user, x_user, Wl_i2u, bl_i2u, Wr_i2u,
                           g_user, beta_user)
    return (out_user, out_item)

# --- scband reference (transcript-rebuilt; emitter-appended) ---
"""Pipeline reference for scband-hgatlayer-84859963835142 (READ-ONLY COPY).

The authoritative reference and input builder live on the scoring server;
editing this copy changes nothing except your own understanding.
"""

import jax, jax.numpy as jnp
import numpy as np

N = 10000
E = 160000
D = 128


def _sage(x_src, x_dst, edge_index, Wl, bl, Wr):
    # PyG SAGEConv(normalize=True): out = lin_l(mean_aggr(x_src over neighbors)) + lin_r(x_dst); l2-normalize
    src = edge_index[0]
    dst = edge_index[1]
    msg = jnp.take(x_src, src, axis=0)
    s = jax.ops.segment_sum(msg, dst, num_segments=x_dst.shape[0])
    cnt = jax.ops.segment_sum(jnp.ones((msg.shape[0],), dtype=x_src.dtype), dst, num_segments=x_dst.shape[0])
    mean = s / jnp.clip(cnt, 1.0)[:, None]
    out = mean @ Wl.T + bl + x_dst @ Wr.T
    nrm = jnp.sqrt(jnp.sum(out * out, axis=-1, keepdims=True))
    return out / jnp.maximum(nrm, 1e-12)


def _ln(x, g, b):
    m = jnp.mean(x, axis=-1, keepdims=True)
    v = jnp.mean((x - m) ** 2, axis=-1, keepdims=True)
    return (x - m) / jnp.sqrt(v + 1e-5) * g + b


def setup_inputs(seed: int = 0):
    key = jax.random.key(seed)
    ks = jax.random.split(key, 14)
    s = 1.0 / np.sqrt(D)
    inp = {}
    inp['x_user'] = jax.random.normal(ks[0], (N, D), dtype=jnp.float32)
    inp['x_item'] = jax.random.normal(ks[1], (N, D), dtype=jnp.float32)
    # SAGEConv params per edge type: lin_l (neighbors, with bias), lin_r (root, no bias)
    inp['Wl_u2i'] = jax.random.uniform(ks[2], (D, D), jnp.float32, -s, s)
    inp['bl_u2i'] = jax.random.uniform(ks[3], (D,), jnp.float32, -s, s)
    inp['Wr_u2i'] = jax.random.uniform(ks[4], (D, D), jnp.float32, -s, s)
    inp['Wl_i2u'] = jax.random.uniform(ks[5], (D, D), jnp.float32, -s, s)
    inp['bl_i2u'] = jax.random.uniform(ks[6], (D,), jnp.float32, -s, s)
    inp['Wr_i2u'] = jax.random.uniform(ks[7], (D, D), jnp.float32, -s, s)
    # LayerNorm params per node type
    inp['g_user'] = jnp.ones((D,), dtype=jnp.float32)
    inp['beta_user'] = jnp.zeros((D,), dtype=jnp.float32)
    inp['g_item'] = jnp.ones((D,), dtype=jnp.float32)
    inp['beta_item'] = jnp.zeros((D,), dtype=jnp.float32)
    inp['edge_index_u2i'] = jax.random.randint(ks[8], (2, E), 0, N, dtype=jnp.int64 if jax.config.jax_enable_x64 else jnp.int32)
    inp['edge_index_i2u'] = jax.random.randint(ks[9], (2, E), 0, N, dtype=jnp.int64 if jax.config.jax_enable_x64 else jnp.int32)
    return inp


def reference(x_user, x_item, Wl_u2i, bl_u2i, Wr_u2i, Wl_i2u, bl_i2u, Wr_i2u, g_user, beta_user, g_item, beta_item, edge_index_u2i, edge_index_i2u):
    # HeteroConv with SAGEConv per edge type; aggr='mean' (single edge type per dst -> identity)
    item_agg = _sage(x_user, x_item, edge_index_u2i, Wl_u2i, bl_u2i, Wr_u2i)
    user_agg = _sage(x_item, x_user, edge_index_i2u, Wl_i2u, bl_i2u, Wr_i2u)
    # residual (in_dim == out_dim), layernorm, relu; dropout is identity at inference
    out_user = jax.nn.relu(_ln(user_agg + x_user, g_user, beta_user))
    out_item = jax.nn.relu(_ln(item_agg + x_item, g_item, beta_item))
    return (out_user, out_item)

if __name__ == "__main__":
    import jax
    _d = setup_inputs()
    print(jax.jit(kernel)(*tuple(_d.values())))

</pallas_src>

<mosaic_0001>
#map = affine_map<(d0, d1) -> (0, 0)>
#map1 = affine_map<(d0, d1) -> (0)>
module attributes {stable_mosaic.version = 14 : i64} {
  func.func @_sc_body(%arg0: i32, %arg1: i32, %arg2: memref<10000x128xf32, #tpu.memory_space<hbm>>, %arg3: memref<10000x128xf32, #tpu.memory_space<hbm>>, %arg4: memref<160000xi32, #tpu.memory_space<hbm>>, %arg5: memref<160000xi32, #tpu.memory_space<hbm>>, %arg6: memref<160000xi32, #tpu.memory_space<hbm>>, %arg7: memref<160000xi32, #tpu.memory_space<hbm>>, %arg8: memref<128x128xf32, #tpu.memory_space<hbm>>, %arg9: memref<128x128xf32, #tpu.memory_space<hbm>>, %arg10: memref<10112x128xf32, #tpu.memory_space<hbm>>, %arg11: memref<10112x128xf32, #tpu.memory_space<hbm>>, %arg12: memref<10112x128xf32, #tpu.memory_space<hbm>>, %arg13: memref<10112x128xf32, #tpu.memory_space<hbm>>, %arg14: memref<10112x128xf32, #tpu.memory_space<vmem_shared>>, %arg15: memref<79x128xi32, #tpu.memory_space<vmem>>, %arg16: memref<128xi32, #tpu.memory_space<vmem>>, %arg17: memref<128xi32, #tpu.memory_space<vmem>>, %arg18: memref<128x128xf32, #tpu.memory_space<vmem>>, %arg19: memref<128x128xf32, #tpu.memory_space<vmem>>, %arg20: memref<!tpu.dma_semaphore, #tpu.memory_space<semaphore_mem>>, %arg21: memref<!tpu.dma_semaphore, #tpu.memory_space<semaphore_mem>>, %arg22: memref<!tpu.dma_semaphore, #tpu.memory_space<semaphore_mem>>, %arg23: memref<!tpu.dma_semaphore, #tpu.memory_space<semaphore_mem>>) attributes {dimension_semantics = [#tpu.dimension_semantics<core_parallel>, #tpu.dimension_semantics<subcore_parallel>], iteration_bounds = array<i64: 2, 16>, scalar_prefetch = 0 : i64, scratch_operands = 10 : i64, tpu.core_type = #tpu.core_type<sc_vector_subcore>, window_params = [{transform_indices = #map}, {transform_indices = #map}, {transform_indices = #map1}, {transform_indices = #map1}, {transform_indices = #map1}, {transform_indices = #map1}, {transform_indices = #map}, {transform_indices = #map}, {transform_indices = #map}, {transform_indices = #map}, {transform_indices = #map}, {transform_indices = #map}]} {
    %mul3A = arith.constant 632 : i32
    %mul3A_0 = arith.muli %arg1, %mul3A : i32
    "tpu.region"() ({
      %run_scoped3A = tpu.sem_alloc : memref<!tpu.dma_semaphore, #tpu.memory_space<semaphore_mem>>
      tpu.enqueue_dma source(%arg8 : memref<128x128xf32, #tpu.memory_space<hbm>>) target(%arg18 : memref<128x128xf32, #tpu.memory_space<vmem>>) target_semaphore(%run_scoped3A : memref<!tpu.dma_semaphore, #tpu.memory_space<semaphore_mem>>)
      tpu.wait_dma2 semaphore(%run_scoped3A : memref<!tpu.dma_semaphore, #tpu.memory_space<semaphore_mem>>) src(%arg8 : memref<128x128xf32, #tpu.memory_space<hbm>>) dst(%arg18 : memref<128x128xf32, #tpu.memory_space<vmem>>)
      tpu.yield
    }) : () -> ()
    %add3A = arith.constant 0 : i32
    %add3A_1 = arith.addi %mul3A_0, %add3A : i32
    "tpu.region"() ({
      %run_scoped3A = tpu.sem_alloc : memref<!tpu.dma_semaphore, #tpu.memory_space<semaphore_mem>>
      %dma_start3A = arith.constant 0 : i32
      %dma_start3A_68 = arith.constant 0 : i32
      %dma_start3A_69 = tpu.memref_slice %arg18[%dma_start3A, %dma_start3A_68] : memref<128x128xf32, #tpu.memory_space<vmem>> -> memref<128x128xf32, #tpu.memory_space<vmem>>
      %dma_start3A_70 = arith.constant 0 : i32
      %dma_start3A_71 = tpu.memref_slice %arg14[%add3A_1, %dma_start3A_70] : memref<10112x128xf32, #tpu.memory_space<vmem_shared>> -> memref<128x128xf32, #tpu.memory_space<vmem_shared>>
      %dma_start3A_72 = arith.constant 0 : i32
      %dma_start3A_73 = tpu.memref_slice %arg14[%add3A_1, %dma_start3A_72] : memref<10112x128xf32, #tpu.memory_space<vmem_shared>> -> memref<128x128xf32, #tpu.memory_space<vmem_shared>>
      %dma_start3A_74 = arith.constant 0 : i32
      %dma_start3A_75 = arith.constant 0 : i32
      %dma_start3A_76 = tpu.memref_slice %arg18[%dma_start3A_74, %dma_start3A_75] : memref<128x128xf32, #tpu.memory_space<vmem>> -> memref<128x128xf32, #tpu.memory_space<vmem>>
      tpu.enqueue_dma source(%dma_start3A_76 : memref<128x128xf32, #tpu.memory_space<vmem>>) target(%dma_start3A_73 : memref<128x128xf32, #tpu.memory_space<vmem_shared>>) target_semaphore(%run_scoped3A : memref<!tpu.dma_semaphore, #tpu.memory_space<semaphore_mem>>)
      %dma_wait3A_77 = arith.constant 0 : i32
      %dma_wait3A_78 = arith.constant 0 : i32
      %dma_wait3A_79 = tpu.memref_slice %arg18[%dma_wait3A_77, %dma_wait3A_78] : memref<128x128xf32, #tpu.memory_space<vmem>> -> memref<128x128xf32, #tpu.memory_space<vmem>>
      %dma_wait3A_80 = arith.constant 0 : i32
      %dma_wait3A_81 = tpu.memref_slice %arg14[%add3A_1, %dma_wait3A_80] : memref<10112x128xf32, #tpu.memory_space<vmem_shared>> -> memref<128x128xf32, #tpu.memory_space<vmem_shared>>
      %dma_wait3A_82 = arith.constant 0 : i32
      %dma_wait3A_83 = tpu.memref_slice %arg14[%add3A_1, %dma_wait3A_82] : memref<10112x128xf32, #tpu.memory_space<vmem_shared>> -> memref<128x128xf32, #tpu.memory_space<vmem_shared>>
      %dma_wait3A_84 = arith.constant 0 : i32
      %dma_wait3A_85 = arith.constant 0 : i32
      %dma_wait3A_86 = tpu.memref_slice %arg18[%dma_wait3A_84, %dma_wait3A_85] : memref<128x128xf32, #tpu.memory_space<vmem>> -> memref<128x128xf32, #tpu.memory_space<vmem>>
      tpu.wait_dma2 semaphore(%run_scoped3A : memref<!tpu.dma_semaphore, #tpu.memory_space<semaphore_mem>>) src(%dma_wait3A_86 : memref<128x128xf32, #tpu.memory_space<vmem>>) dst(%dma_wait3A_83 : memref<128x128xf32, #tpu.memory_space<vmem_shared>>)
      tpu.yield
    }) : () -> ()
    %add3A_2 = arith.constant 128 : i32
    %add3A_3 = arith.addi %mul3A_0, %add3A_2 : i32
    "tpu.region"() ({
      %run_scoped3A = tpu.sem_alloc : memref<!tpu.dma_semaphore, #tpu.memory_space<semaphore_mem>>
      %dma_start3A = arith.constant 0 : i32
      %dma_start3A_68 = arith.constant 0 : i32
      %dma_start3A_69 = tpu.memref_slice %arg18[%dma_start3A, %dma_start3A_68] : memref<128x128xf32, #tpu.memory_space<vmem>> -> memref<128x128xf32, #tpu.memory_space<vmem>>
      %dma_start3A_70 = arith.constant 0 : i32
      %dma_start3A_71 = tpu.memref_slice %arg14[%add3A_3, %dma_start3A_70] : memref<10112x128xf32, #tpu.memory_space<vmem_shared>> -> memref<128x128xf32, #tpu.memory_space<vmem_shared>>
      %dma_start3A_72 = arith.constant 0 : i32
      %dma_start3A_73 = tpu.memref_slice %arg14[%add3A_3, %dma_start3A_72] : memref<10112x128xf32, #tpu.memory_space<vmem_shared>> -> memref<128x128xf32, #tpu.memory_space<vmem_shared>>
      %dma_start3A_74 = arith.constant 0 : i32
      %dma_start3A_75 = arith.constant 0 : i32
      %dma_start3A_76 = tpu.memref_slice %arg18[%dma_start3A_74, %dma_start3A_75] : memref<128x128xf32, #tpu.memory_space<vmem>> -> memref<128x128xf32, #tpu.memory_space<vmem>>
      tpu.enqueue_dma source(%dma_start3A_76 : memref<128x128xf32, #tpu.memory_space<vmem>>) target(%dma_start3A_73 : memref<128x128xf32, #tpu.memory_space<vmem_shared>>) target_semaphore(%run_scoped3A : memref<!tpu.dma_semaphore, #tpu.memory_space<semaphore_mem>>)
      %dma_wait3A_77 = arith.constant 0 : i32
      %dma_wait3A_78 = arith.constant 0 : i32
      %dma_wait3A_79 = tpu.memref_slice %arg18[%dma_wait3A_77, %dma_wait3A_78] : memref<128x128xf32, #tpu.memory_space<vmem>> -> memref<128x128xf32, #tpu.memory_space<vmem>>
      %dma_wait3A_80 = arith.constant 0 : i32
      %dma_wait3A_81 = tpu.memref_slice %arg14[%add3A_3, %dma_wait3A_80] : memref<10112x128xf32, #tpu.memory_space<vmem_shared>> -> memref<128x128xf32, #tpu.memory_space<vmem_shared>>
      %dma_wait3A_82 = arith.constant 0 : i32
      %dma_wait3A_83 = tpu.memref_slice %arg14[%add3A_3, %dma_wait3A_82] : memref<10112x128xf32, #tpu.memory_space<vmem_shared>> -> memref<128x128xf32, #tpu.memory_space<vmem_shared>>
      %dma_wait3A_84 = arith.constant 0 : i32
      %dma_wait3A_85 = arith.constant 0 : i32
      %dma_wait3A_86 = tpu.memref_slice %arg18[%dma_wait3A_84, %dma_wait3A_85] : memref<128x128xf32, #tpu.memory_space<vmem>> -> memref<128x128xf32, #tpu.memory_space<vmem>>
      tpu.wait_dma2 semaphore(%run_scoped3A : memref<!tpu.dma_semaphore, #tpu.memory_space<semaphore_mem>>) src(%dma_wait3A_86 : memref<128x128xf32, #tpu.memory_space<vmem>>) dst(%dma_wait3A_83 : memref<128x128xf32, #tpu.memory_space<vmem_shared>>)
      tpu.yield
    }) : () -> ()
    %add3A_4 = arith.constant 256 : i32
    %add3A_5 = arith.addi %mul3A_0, %add3A_4 : i32
    "tpu.region"() ({
      %run_scoped3A = tpu.sem_alloc : memref<!tpu.dma_semaphore, #tpu.memory_space<semaphore_mem>>
      %dma_start3A = arith.constant 0 : i32
      %dma_start3A_68 = arith.constant 0 : i32
      %dma_start3A_69 = tpu.memref_slice %arg18[%dma_start3A, %dma_start3A_68] : memref<128x128xf32, #tpu.memory_space<vmem>> -> memref<128x128xf32, #tpu.memory_space<vmem>>
      %dma_start3A_70 = arith.constant 0 : i32
      %dma_start3A_71 = tpu.memref_slice %arg14[%add3A_5, %dma_start3A_70] : memref<10112x128xf32, #tpu.memory_space<vmem_shared>> -> memref<128x128xf32, #tpu.memory_space<vmem_shared>>
      %dma_start3A_72 = arith.constant 0 : i32
      %dma_start3A_73 = tpu.memref_slice %arg14[%add3A_5, %dma_start3A_72] : memref<10112x128xf32, #tpu.memory_space<vmem_shared>> -> memref<128x128xf32, #tpu.memory_space<vmem_shared>>
      %dma_start3A_74 = arith.constant 0 : i32
      %dma_start3A_75 = arith.constant 0 : i32
      %dma_start3A_76 = tpu.memref_slice %arg18[%dma_start3A_74, %dma_start3A_75] : memref<128x128xf32, #tpu.memory_space<vmem>> -> memref<128x128xf32, #tpu.memory_space<vmem>>
      tpu.enqueue_dma source(%dma_start3A_76 : memref<128x128xf32, #tpu.memory_space<vmem>>) target(%dma_start3A_73 : memref<128x128xf32, #tpu.memory_space<vmem_shared>>) target_semaphore(%run_scoped3A : memref<!tpu.dma_semaphore, #tpu.memory_space<semaphore_mem>>)
      %dma_wait3A_77 = arith.constant 0 : i32
      %dma_wait3A_78 = arith.constant 0 : i32
      %dma_wait3A_79 = tpu.memref_slice %arg18[%dma_wait3A_77, %dma_wait3A_78] : memref<128x128xf32, #tpu.memory_space<vmem>> -> memref<128x128xf32, #tpu.memory_space<vmem>>
      %dma_wait3A_80 = arith.constant 0 : i32
      %dma_wait3A_81 = tpu.memref_slice %arg14[%add3A_5, %dma_wait3A_80] : memref<10112x128xf32, #tpu.memory_space<vmem_shared>> -> memref<128x128xf32, #tpu.memory_space<vmem_shared>>
      %dma_wait3A_82 = arith.constant 0 : i32
      %dma_wait3A_83 = tpu.memref_slice %arg14[%add3A_5, %dma_wait3A_82] : memref<10112x128xf32, #tpu.memory_space<vmem_shared>> -> memref<128x128xf32, #tpu.memory_space<vmem_shared>>
      %dma_wait3A_84 = arith.constant 0 : i32
      %dma_wait3A_85 = arith.constant 0 : i32
      %dma_wait3A_86 = tpu.memref_slice %arg18[%dma_wait3A_84, %dma_wait3A_85] : memref<128x128xf32, #tpu.memory_space<vmem>> -> memref<128x128xf32, #tpu.memory_space<vmem>>
      tpu.wait_dma2 semaphore(%run_scoped3A : memref<!tpu.dma_semaphore, #tpu.memory_space<semaphore_mem>>) src(%dma_wait3A_86 : memref<128x128xf32, #tpu.memory_space<vmem>>) dst(%dma_wait3A_83 : memref<128x128xf32, #tpu.memory_space<vmem_shared>>)
      tpu.yield
    }) : () -> ()
    %add3A_6 = arith.constant 384 : i32
    %add3A_7 = arith.addi %mul3A_0, %add3A_6 : i32
    "tpu.region"() ({
      %run_scoped3A = tpu.sem_alloc : memref<!tpu.dma_semaphore, #tpu.memory_space<semaphore_mem>>
      %dma_start3A = arith.constant 0 : i32
      %dma_start3A_68 = arith.constant 0 : i32
      %dma_start3A_69 = tpu.memref_slice %arg18[%dma_start3A, %dma_start3A_68] : memref<128x128xf32, #tpu.memory_space<vmem>> -> memref<128x128xf32, #tpu.memory_space<vmem>>
      %dma_start3A_70 = arith.constant 0 : i32
      %dma_start3A_71 = tpu.memref_slice %arg14[%add3A_7, %dma_start3A_70] : memref<10112x128xf32, #tpu.memory_space<vmem_shared>> -> memref<128x128xf32, #tpu.memory_space<vmem_shared>>
      %dma_start3A_72 = arith.constant 0 : i32
      %dma_start3A_73 = tpu.memref_slice %arg14[%add3A_7, %dma_start3A_72] : memref<10112x128xf32, #tpu.memory_space<vmem_shared>> -> memref<128x128xf32, #tpu.memory_space<vmem_shared>>
      %dma_start3A_74 = arith.constant 0 : i32
      %dma_start3A_75 = arith.constant 0 : i32
      %dma_start3A_76 = tpu.memref_slice %arg18[%dma_start3A_74, %dma_start3A_75] : memref<128x128xf32, #tpu.memory_space<vmem>> -> memref<128x128xf32, #tpu.memory_space<vmem>>
      tpu.enqueue_dma source(%dma_start3A_76 : memref<128x128xf32, #tpu.memory_space<vmem>>) target(%dma_start3A_73 : memref<128x128xf32, #tpu.memory_space<vmem_shared>>) target_semaphore(%run_scoped3A : memref<!tpu.dma_semaphore, #tpu.memory_space<semaphore_mem>>)
      %dma_wait3A_77 = arith.constant 0 : i32
      %dma_wait3A_78 = arith.constant 0 : i32
      %dma_wait3A_79 = tpu.memref_slice %arg18[%dma_wait3A_77, %dma_wait3A_78] : memref<128x128xf32, #tpu.memory_space<vmem>> -> memref<128x128xf32, #tpu.memory_space<vmem>>
      %dma_wait3A_80 = arith.constant 0 : i32
      %dma_wait3A_81 = tpu.memref_slice %arg14[%add3A_7, %dma_wait3A_80] : memref<10112x128xf32, #tpu.memory_space<vmem_shared>> -> memref<128x128xf32, #tpu.memory_space<vmem_shared>>
      %dma_wait3A_82 = arith.constant 0 : i32
      %dma_wait3A_83 = tpu.memref_slice %arg14[%add3A_7, %dma_wait3A_82] : memref<10112x128xf32, #tpu.memory_space<vmem_shared>> -> memref<128x128xf32, #tpu.memory_space<vmem_shared>>
      %dma_wait3A_84 = arith.constant 0 : i32
      %dma_wait3A_85 = arith.constant 0 : i32
      %dma_wait3A_86 = tpu.memref_slice %arg18[%dma_wait3A_84, %dma_wait3A_85] : memref<128x128xf32, #tpu.memory_space<vmem>> -> memref<128x128xf32, #tpu.memory_space<vmem>>
      tpu.wait_dma2 semaphore(%run_scoped3A : memref<!tpu.dma_semaphore, #tpu.memory_space<semaphore_mem>>) src(%dma_wait3A_86 : memref<128x128xf32, #tpu.memory_space<vmem>>) dst(%dma_wait3A_83 : memref<128x128xf32, #tpu.memory_space<vmem_shared>>)
      tpu.yield
    }) : () -> ()
    %add3A_8 = arith.constant 512 : i32
    %add3A_9 = arith.addi %mul3A_0, %add3A_8 : i32
    "tpu.region"() ({
      %run_scoped3A = tpu.sem_alloc : memref<!tpu.dma_semaphore, #tpu.memory_space<semaphore_mem>>
      %dma_start3A = arith.constant 0 : i32
      %dma_start3A_68 = arith.constant 0 : i32
      %dma_start3A_69 = tpu.memref_slice %arg18[%dma_start3A, %dma_start3A_68] : memref<128x128xf32, #tpu.memory_space<vmem>> -> memref<120x128xf32, #tpu.memory_space<vmem>>
      %dma_start3A_70 = arith.constant 0 : i32
      %dma_start3A_71 = tpu.memref_slice %arg14[%add3A_9, %dma_start3A_70] : memref<10112x128xf32, #tpu.memory_space<vmem_shared>> -> memref<120x128xf32, #tpu.memory_space<vmem_shared>>
      %dma_start3A_72 = arith.constant 0 : i32
      %dma_start3A_73 = tpu.memref_slice %arg14[%add3A_9, %dma_start3A_72] : memref<10112x128xf32, #tpu.memory_space<vmem_shared>> -> memref<120x128xf32, #tpu.memory_space<vmem_shared>>
      %dma_start3A_74 = arith.constant 0 : i32
      %dma_start3A_75 = arith.constant 0 : i32
      %dma_start3A_76 = tpu.memref_slice %arg18[%dma_start3A_74, %dma_start3A_75] : memref<128x128xf32, #tpu.memory_space<vmem>> -> memref<120x128xf32, #tpu.memory_space<vmem>>
      tpu.enqueue_dma source(%dma_start3A_76 : memref<120x128xf32, #tpu.memory_space<vmem>>) target(%dma_start3A_73 : memref<120x128xf32, #tpu.memory_space<vmem_shared>>) target_semaphore(%run_scoped3A : memref<!tpu.dma_semaphore, #tpu.memory_space<semaphore_mem>>)
      %dma_wait3A_77 = arith.constant 0 : i32
      %dma_wait3A_78 = arith.constant 0 : i32
      %dma_wait3A_79 = tpu.memref_slice %arg18[%dma_wait3A_77, %dma_wait3A_78] : memref<128x128xf32, #tpu.memory_space<vmem>> -> memref<120x128xf32, #tpu.memory_space<vmem>>
      %dma_wait3A_80 = arith.constant 0 : i32
      %dma_wait3A_81 = tpu.memref_slice %arg14[%add3A_9, %dma_wait3A_80] : memref<10112x128xf32, #tpu.memory_space<vmem_shared>> -> memref<120x128xf32, #tpu.memory_space<vmem_shared>>
      %dma_wait3A_82 = arith.constant 0 : i32
      %dma_wait3A_83 = tpu.memref_slice %arg14[%add3A_9, %dma_wait3A_82] : memref<10112x128xf32, #tpu.memory_space<vmem_shared>> -> memref<120x128xf32, #tpu.memory_space<vmem_shared>>
      %dma_wait3A_84 = arith.constant 0 : i32
      %dma_wait3A_85 = arith.constant 0 : i32
      %dma_wait3A_86 = tpu.memref_slice %arg18[%dma_wait3A_84, %dma_wait3A_85] : memref<128x128xf32, #tpu.memory_space<vmem>> -> memref<120x128xf32, #tpu.memory_space<vmem>>
      tpu.wait_dma2 semaphore(%run_scoped3A : memref<!tpu.dma_semaphore, #tpu.memory_space<semaphore_mem>>) src(%dma_wait3A_86 : memref<120x128xf32, #tpu.memory_space<vmem>>) dst(%dma_wait3A_83 : memref<120x128xf32, #tpu.memory_space<vmem_shared>>)
      tpu.yield
    }) : () -> ()
    %barrier3A = arith.constant 0 : index
    tpu.barrier barrier_id(%barrier3A)
    %eq3A = arith.constant 0 : i32
    %eq3A_10 = arith.cmpi eq, %arg0, %eq3A : i32
    %convert_element_type3A = arith.extui %eq3A_10 : i1 to i32
    %cond3A = arith.constant 0 : i32
    %cond3A_11 = arith.cmpi ne, %convert_element_type3A, %cond3A : i32
    scf.if %cond3A_11 {
      %mul3A_68 = arith.constant 128 : i32
      %mul3A_69 = arith.muli %arg1, %mul3A_68 : i32
      "tpu.region"() ({
        %run_scoped3A_86 = tpu.sem_alloc : memref<!tpu.dma_semaphore, #tpu.memory_space<semaphore_mem>>
        %dma_start3A_87 = tpu.memref_slice %arg4[%mul3A_69] : memref<160000xi32, #tpu.memory_space<hbm>> -> memref<128xi32, #tpu.memory_space<hbm>>
        %dma_start3A_88 = tpu.memref_slice %arg4[%mul3A_69] : memref<160000xi32, #tpu.memory_space<hbm>> -> memref<128xi32, #tpu.memory_space<hbm>>
        tpu.enqueue_dma source(%dma_start3A_88 : memref<128xi32, #tpu.memory_space<hbm>>) target(%arg16 : memref<128xi32, #tpu.memory_space<vmem>>) target_semaphore(%run_scoped3A_86 : memref<!tpu.dma_semaphore, #tpu.memory_space<semaphore_mem>>)
        %dma_wait3A_89 = tpu.memref_slice %arg4[%mul3A_69] : memref<160000xi32, #tpu.memory_space<hbm>> -> memref<128xi32, #tpu.memory_space<hbm>>
        %dma_wait3A_90 = tpu.memref_slice %arg4[%mul3A_69] : memref<160000xi32, #tpu.memory_space<hbm>> -> memref<128xi32, #tpu.memory_space<hbm>>
        tpu.wait_dma2 semaphore(%run_scoped3A_86 : memref<!tpu.dma_semaphore, #tpu.memory_space<semaphore_mem>>) src(%dma_wait3A_90 : memref<128xi32, #tpu.memory_space<hbm>>) dst(%arg16 : memref<128xi32, #tpu.memory_space<vmem>>)
        tpu.yield
      }) : () -> ()
      %mul3A_70 = arith.constant 128 : i32
      %mul3A_71 = arith.muli %arg1, %mul3A_70 : i32
      %run_scoped3A = arith.constant 0 : i32
      "tpu.region"() ({
        %run_scoped3A_86 = tpu.sem_alloc : memref<!tpu.dma_semaphore, #tpu.memory_space<semaphore_mem>>
        %dma_start3A_87 = arith.constant 0 : i32
        %dma_start3A_88 = tpu.memref_slice %arg15[%run_scoped3A, %dma_start3A_87] : memref<79x128xi32, #tpu.memory_space<vmem>> -> memref<1x128xi32, #tpu.memory_space<vmem>>
        %dma_start3A_89 = tpu.memref_squeeze %dma_start3A_88 : memref<1x128xi32, #tpu.memory_space<vmem>> -> memref<128xi32, #tpu.memory_space<vmem>>
        %dma_start3A_90 = tpu.memref_slice %arg5[%mul3A_71] : memref<160000xi32, #tpu.memory_space<hbm>> -> memref<128xi32, #tpu.memory_space<hbm>>
        %dma_start3A_91 = arith.constant 0 : i32
        %dma_start3A_92 = tpu.memref_slice %arg15[%run_scoped3A, %dma_start3A_91] : memref<79x128xi32, #tpu.memory_space<vmem>> -> memref<1x128xi32, #tpu.memory_space<vmem>>
        %dma_start3A_93 = tpu.memref_squeeze %dma_start3A_92 : memref<1x128xi32, #tpu.memory_space<vmem>> -> memref<128xi32, #tpu.memory_space<vmem>>
        %dma_start3A_94 = tpu.memref_slice %arg5[%mul3A_71] : memref<160000xi32, #tpu.memory_space<hbm>> -> memref<128xi32, #tpu.memory_space<hbm>>
        tpu.enqueue_dma source(%dma_start3A_94 : memref<128xi32, #tpu.memory_space<hbm>>) target(%dma_start3A_93 : memref<128xi32, #tpu.memory_space<vmem>>) target_semaphore(%run_scoped3A_86 : memref<!tpu.dma_semaphore, #tpu.memory_space<semaphore_mem>>)
        %dma_wait3A_95 = arith.constant 0 : i32
        %dma_wait3A_96 = tpu.memref_slice %arg15[%run_scoped3A, %dma_wait3A_95] : memref<79x128xi32, #tpu.memory_space<vmem>> -> memref<1x128xi32, #tpu.memory_space<vmem>>
        %dma_wait3A_97 = tpu.memref_squeeze %dma_wait3A_96 : memref<1x128xi32, #tpu.memory_space<vmem>> -> memref<128xi32, #tpu.memory_space<vmem>>
        %dma_wait3A_98 = tpu.memref_slice %arg5[%mul3A_71] : memref<160000xi32, #tpu.memory_space<hbm>> -> memref<128xi32, #tpu.memory_space<hbm>>
        %dma_wait3A_99 = arith.constant 0 : i32
        %dma_wait3A_100 = tpu.memref_slice %arg15[%run_scoped3A, %dma_wait3A_99] : memref<79x128xi32, #tpu.memory_space<vmem>> -> memref<1x128xi32, #tpu.memory_space<vmem>>
        %dma_wait3A_101 = tpu.memref_squeeze %dma_wait3A_100 : memref<1x128xi32, #tpu.memory_space<vmem>> -> memref<128xi32, #tpu.memory_space<vmem>>
        %dma_wait3A_102 = tpu.memref_slice %arg5[%mul3A_71] : memref<160000xi32, #tpu.memory_space<hbm>> -> memref<128xi32, #tpu.memory_space<hbm>>
        tpu.wait_dma2 semaphore(%run_scoped3A_86 : memref<!tpu.dma_semaphore, #tpu.memory_space<semaphore_mem>>) src(%dma_wait3A_102 : memref<128xi32, #tpu.memory_space<hbm>>) dst(%dma_wait3A_101 : memref<128xi32, #tpu.memory_space<vmem>>)
        tpu.yield
      }) : () -> ()
      %add3A_72 = arith.constant 16 : i32
      %add3A_73 = arith.addi %arg1, %add3A_72 : i32
      %lt3A = arith.constant 1250 : i32
      %lt3A_74 = arith.cmpi slt, %add3A_73, %lt3A : i32
      %convert_element_type3A_75 = arith.extui %lt3A_74 : i1 to i32
      %cond3A_76 = arith.constant 0 : i32
      %cond3A_77 = arith.cmpi ne, %convert_element_type3A_75, %cond3A_76 : i32
      scf.if %cond3A_77 {
        %add3A_86 = arith.constant 16 : i32
        %add3A_87 = arith.addi %arg1, %add3A_86 : i32
        %mul3A_88 = arith.constant 128 : i32
        %mul3A_89 = arith.muli %add3A_87, %mul3A_88 : i32
        %dma_start3A_90 = tpu.memref_slice %arg4[%mul3A_89] : memref<160000xi32, #tpu.memory_space<hbm>> -> memref<128xi32, #tpu.memory_space<hbm>>
        %dma_start3A_91 = tpu.memref_slice %arg4[%mul3A_89] : memref<160000xi32, #tpu.memory_space<hbm>> -> memref<128xi32, #tpu.memory_space<hbm>>
        tpu.enqueue_dma source(%dma_start3A_91 : memref<128xi32, #tpu.memory_space<hbm>>) target(%arg17 : memref<128xi32, #tpu.memory_space<vmem>>) target_semaphore(%arg23 : memref<!tpu.dma_semaphore, #tpu.memory_space<semaphore_mem>>)
        %dma_start3A_92 = arith.constant 1 : i32
        %dma_start3A_93 = arith.constant 0 : i32
        %dma_start3A_94 = tpu.memref_slice %arg15[%dma_start3A_92, %dma_start3A_93] : memref<79x128xi32, #tpu.memory_space<vmem>> -> memref<1x128xi32, #tpu.memory_space<vmem>>
        %dma_start3A_95 = tpu.memref_squeeze %dma_start3A_94 : memref<1x128xi32, #tpu.memory_space<vmem>> -> memref<128xi32, #tpu.memory_space<vmem>>
        %dma_start3A_96 = tpu.memref_slice %arg5[%mul3A_89] : memref<160000xi32, #tpu.memory_space<hbm>> -> memref<128xi32, #tpu.memory_space<hbm>>
        %dma_start3A_97 = arith.constant 0 : i32
        %dma_start3A_98 = tpu.memref_slice %arg15[%dma_start3A_92, %dma_start3A_97] : memref<79x128xi32, #tpu.memory_space<vmem>> -> memref<1x128xi32, #tpu.memory_space<vmem>>
        %dma_start3A_99 = tpu.memref_squeeze %dma_start3A_98 : memref<1x128xi32, #tpu.memory_space<vmem>> -> memref<128xi32, #tpu.memory_space<vmem>>
        %dma_start3A_100 = tpu.memref_slice %arg5[%mul3A_89] : memref<160000xi32, #tpu.memory_space<hbm>> -> memref<128xi32, #tpu.memory_space<hbm>>
        tpu.enqueue_dma source(%dma_start3A_100 : memref<128xi32, #tpu.memory_space<hbm>>) target(%dma_start3A_99 : memref<128xi32, #tpu.memory_space<vmem>>) target_semaphore(%arg23 : memref<!tpu.dma_semaphore, #tpu.memory_space<semaphore_mem>>)
      } else {
      }
      %dma_start3A = arith.constant 0 : i32
      %dma_start3A_78 = arith.constant 0 : i32
      %dma_start3A_79 = tpu.memref_slice %arg2[%dma_start3A, %dma_start3A_78] : memref<10000x128xf32, #tpu.memory_space<hbm>> -> memref<10000x128xf32, #tpu.memory_space<hbm>>
      tpu.enqueue_indirect_dma source(%dma_start3A_79 : memref<10000x128xf32, #tpu.memory_space<hbm>>) target(%arg18 : memref<128x128xf32, #tpu.memory_space<vmem>>) offsets(%arg16 : memref<128xi32, #tpu.memory_space<vmem>>) semaphore(%arg20 : memref<!tpu.dma_semaphore, #tpu.memory_space<semaphore_mem>>)
      %scan3A_80 = arith.constant 0 : i32
      %scan3A_81 = arith.constant 0 : i32
      %scan3A_82 = arith.constant 40 : i32
      %scan3A_83 = arith.addi %scan3A_81, %scan3A_82 : i32
      %scan3A_84 = arith.constant 1 : i32
      scf.for %scan3A_86 = %scan3A_81 to %scan3A_83 step %scan3A_84  : i32 {
        %mul3A_87 = arith.constant 2 : i32
        %mul3A_88 = arith.muli %mul3A_87, %scan3A_86 : i32
        %add3A_89 = arith.constant 0 : i32
        %add3A_90 = arith.addi %mul3A_88, %add3A_89 : i32
        %mul3A_91 = arith.constant 16 : i32
        %mul3A_92 = arith.muli %add3A_90, %mul3A_91 : i32
        %add3A_93 = arith.addi %mul3A_92, %arg1 : i32
        %lt3A_94 = arith.constant 1250 : i32
        %lt3A_95 = arith.cmpi slt, %add3A_93, %lt3A_94 : i32
        %convert_element_type3A_96 = arith.extui %lt3A_95 : i1 to i32
        %cond3A_97 = arith.constant 0 : i32
        %cond3A_98 = arith.cmpi ne, %convert_element_type3A_96, %cond3A_97 : i32
        scf.if %cond3A_98 {
          %dma_wait3A_111 = arith.constant 0 : i32
          %dma_wait3A_112 = arith.constant 0 : i32
          %dma_wait3A_113 = tpu.memref_slice %arg2[%dma_wait3A_111, %dma_wait3A_112] : memref<10000x128xf32, #tpu.memory_space<hbm>> -> memref<10000x128xf32, #tpu.memory_space<hbm>>
          tpu.wait_indirect_dma semaphore(%arg20 : memref<!tpu.dma_semaphore, #tpu.memory_space<semaphore_mem>>) src(%dma_wait3A_113 : memref<10000x128xf32, #tpu.memory_space<hbm>>) dst(%arg18 : memref<128x128xf32, #tpu.memory_space<vmem>>)
          %add3A_114 = arith.constant 32 : i32
          %add3A_115 = arith.addi %add3A_93, %add3A_114 : i32
          %lt3A_116 = arith.constant 1250 : i32
          %lt3A_117 = arith.cmpi slt, %add3A_115, %lt3A_116 : i32
          %convert_element_type3A_118 = arith.extui %lt3A_117 : i1 to i32
          %cond3A_119 = arith.constant 0 : i32
          %cond3A_120 = arith.cmpi ne, %convert_element_type3A_118, %cond3A_119 : i32
          scf.if %cond3A_120 {
            %add3A_128 = arith.constant 32 : i32
            %add3A_129 = arith.addi %add3A_93, %add3A_128 : i32
            %mul3A_130 = arith.constant 128 : i32
            %mul3A_131 = arith.muli %add3A_129, %mul3A_130 : i32
            %dma_start3A_132 = tpu.memref_slice %arg4[%mul3A_131] : memref<160000xi32, #tpu.memory_space<hbm>> -> memref<128xi32, #tpu.memory_space<hbm>>
            %dma_start3A_133 = tpu.memref_slice %arg4[%mul3A_131] : memref<160000xi32, #tpu.memory_space<hbm>> -> memref<128xi32, #tpu.memory_space<hbm>>
            tpu.enqueue_dma source(%dma_start3A_133 : memref<128xi32, #tpu.memory_space<hbm>>) target(%arg16 : memref<128xi32, #tpu.memory_space<vmem>>) target_semaphore(%arg22 : memref<!tpu.dma_semaphore, #tpu.memory_space<semaphore_mem>>)
            %add3A_134 = arith.constant 2 : i32
            %add3A_135 = arith.addi %add3A_90, %add3A_134 : i32
            %dma_start3A_136 = arith.constant 0 : i32
            %dma_start3A_137 = tpu.memref_slice %arg15[%add3A_135, %dma_start3A_136] : memref<79x128xi32, #tpu.memory_space<vmem>> -> memref<1x128xi32, #tpu.memory_space<vmem>>
            %dma_start3A_138 = tpu.memref_squeeze %dma_start3A_137 : memref<1x128xi32, #tpu.memory_space<vmem>> -> memref<128xi32, #tpu.memory_space<vmem>>
            %dma_start3A_139 = tpu.memref_slice %arg5[%mul3A_131] : memref<160000xi32, #tpu.memory_space<hbm>> -> memref<128xi32, #tpu.memory_space<hbm>>
            %dma_start3A_140 = arith.constant 0 : i32
            %dma_start3A_141 = tpu.memref_slice %arg15[%add3A_135, %dma_start3A_140] : memref<79x128xi32, #tpu.memory_space<vmem>> -> memref<1x128xi32, #tpu.memory_space<vmem>>
            %dma_start3A_142 = tpu.memref_squeeze %dma_start3A_141 : memref<1x128xi32, #tpu.memory_space<vmem>> -> memref<128xi32, #tpu.memory_space<vmem>>
            %dma_start3A_143 = tpu.memref_slice %arg5[%mul3A_131] : memref<160000xi32, #tpu.memory_space<hbm>> -> memref<128xi32, #tpu.memory_space<hbm>>
            tpu.enqueue_dma source(%dma_start3A_143 : memref<128xi32, #tpu.memory_space<hbm>>) target(%dma_start3A_142 : memref<128xi32, #tpu.memory_space<vmem>>) target_semaphore(%arg22 : memref<!tpu.dma_semaphore, #tpu.memory_space<semaphore_mem>>)
          } else {
          }
          %add3A_121 = arith.constant 16 : i32
          %add3A_122 = arith.addi %add3A_93, %add3A_121 : i32
          %lt3A_123 = arith.constant 1250 : i32
          %lt3A_124 = arith.cmpi slt, %add3A_122, %lt3A_123 : i32
          %convert_element_type3A_125 = arith.extui %lt3A_124 : i1 to i32
          %cond3A_126 = arith.constant 0 : i32
          %cond3A_127 = arith.cmpi ne, %convert_element_type3A_125, %cond3A_126 : i32
          scf.if %cond3A_127 {
            %add3A_128 = arith.constant 16 : i32
            %add3A_129 = arith.addi %add3A_93, %add3A_128 : i32
            %mul3A_130 = arith.constant 128 : i32
            %mul3A_131 = arith.muli %add3A_129, %mul3A_130 : i32
            %dma_wait3A_132 = tpu.memref_slice %arg4[%mul3A_131] : memref<160000xi32, #tpu.memory_space<hbm>> -> memref<128xi32, #tpu.memory_space<hbm>>
            %dma_wait3A_133 = tpu.memref_slice %arg4[%mul3A_131] : memref<160000xi32, #tpu.memory_space<hbm>> -> memref<128xi32, #tpu.memory_space<hbm>>
            tpu.wait_dma2 semaphore(%arg23 : memref<!tpu.dma_semaphore, #tpu.memory_space<semaphore_mem>>) src(%dma_wait3A_133 : memref<128xi32, #tpu.memory_space<hbm>>) dst(%arg17 : memref<128xi32, #tpu.memory_space<vmem>>)
            %add3A_134 = arith.constant 1 : i32
            %add3A_135 = arith.addi %add3A_90, %add3A_134 : i32
            %dma_wait3A_136 = arith.constant 0 : i32
            %dma_wait3A_137 = tpu.memref_slice %arg15[%add3A_135, %dma_wait3A_136] : memref<79x128xi32, #tpu.memory_space<vmem>> -> memref<1x128xi32, #tpu.memory_space<vmem>>
            %dma_wait3A_138 = tpu.memref_squeeze %dma_wait3A_137 : memref<1x128xi32, #tpu.memory_space<vmem>> -> memref<128xi32, #tpu.memory_space<vmem>>
            %dma_wait3A_139 = tpu.memref_slice %arg5[%mul3A_131] : memref<160000xi32, #tpu.memory_space<hbm>> -> memref<128xi32, #tpu.memory_space<hbm>>
            %dma_wait3A_140 = arith.constant 0 : i32
            %dma_wait3A_141 = tpu.memref_slice %arg15[%add3A_135, %dma_wait3A_140] : memref<79x128xi32, #tpu.memory_space<vmem>> -> memref<1x128xi32, #tpu.memory_space<vmem>>
            %dma_wait3A_142 = tpu.memref_squeeze %dma_wait3A_141 : memref<1x128xi32, #tpu.memory_space<vmem>> -> memref<128xi32, #tpu.memory_space<vmem>>
            %dma_wait3A_143 = tpu.memref_slice %arg5[%mul3A_131] : memref<160000xi32, #tpu.memory_space<hbm>> -> memref<128xi32, #tpu.memory_space<hbm>>
            tpu.wait_dma2 semaphore(%arg23 : memref<!tpu.dma_semaphore, #tpu.memory_space<semaphore_mem>>) src(%dma_wait3A_143 : memref<128xi32, #tpu.memory_space<hbm>>) dst(%dma_wait3A_142 : memref<128xi32, #tpu.memory_space<vmem>>)
            %dma_start3A_144 = arith.constant 0 : i32
            %dma_start3A_145 = arith.constant 0 : i32
            %dma_start3A_146 = tpu.memref_slice %arg2[%dma_start3A_144, %dma_start3A_145] : memref<10000x128xf32, #tpu.memory_space<hbm>> -> memref<10000x128xf32, #tpu.memory_space<hbm>>
            tpu.enqueue_indirect_dma source(%dma_start3A_146 : memref<10000x128xf32, #tpu.memory_space<hbm>>) target(%arg19 : memref<128x128xf32, #tpu.memory_space<vmem>>) offsets(%arg17 : memref<128xi32, #tpu.memory_space<vmem>>) semaphore(%arg20 : memref<!tpu.dma_semaphore, #tpu.memory_space<semaphore_mem>>)
          } else {
          }
          "tpu.region"() ({
            %run_scoped3A_128 = tpu.sem_alloc : memref<!tpu.dma_semaphore, #tpu.memory_space<semaphore_mem>>
            %dma_start3A_129 = arith.constant 0 : i32
            %dma_start3A_130 = tpu.memref_slice %arg15[%add3A_90, %dma_start3A_129] : memref<79x128xi32, #tpu.memory_space<vmem>> -> memref<1x128xi32, #tpu.memory_space<vmem>>
            %dma_start3A_131 = tpu.memref_squeeze %dma_start3A_130 : memref<1x128xi32, #tpu.memory_space<vmem>> -> memref<128xi32, #tpu.memory_space<vmem>>
            %dma_start3A_132 = arith.constant 0 : i32
            %dma_start3A_133 = arith.constant 0 : i32
            %dma_start3A_134 = tpu.memref_slice %arg14[%dma_start3A_132, %dma_start3A_133] : memref<10112x128xf32, #tpu.memory_space<vmem_shared>> -> memref<10112x128xf32, #tpu.memory_space<vmem_shared>>
            tpu.enqueue_indirect_dma source(%arg18 : memref<128x128xf32, #tpu.memory_space<vmem>>) target(%dma_start3A_134 : memref<10112x128xf32, #tpu.memory_space<vmem_shared>>) offsets(%dma_start3A_131 : memref<128xi32, #tpu.memory_space<vmem>>) semaphore(%run_scoped3A_128 : memref<!tpu.dma_semaphore, #tpu.memory_space<semaphore_mem>>) {add = true}
            %dma_wait3A_135 = arith.constant 0 : i32
            %dma_wait3A_136 = tpu.memref_slice %arg15[%add3A_90, %dma_wait3A_135] : memref<79x128xi32, #tpu.memory_space<vmem>> -> memref<1x128xi32, #tpu.memory_space<vmem>>
            %dma_wait3A_137 = tpu.memref_squeeze %dma_wait3A_136 : memref<1x128xi32, #tpu.memory_space<vmem>> -> memref<128xi32, #tpu.memory_space<vmem>>
            %dma_wait3A_138 = arith.constant 0 : i32
            %dma_wait3A_139 = arith.constant 0 : i32
            %dma_wait3A_140 = tpu.memref_slice %arg14[%dma_wait3A_138, %dma_wait3A_139] : memref<10112x128xf32, #tpu.memory_space<vmem_shared>> -> memref<10112x128xf32, #tpu.memory_space<vmem_shared>>
            tpu.wait_indirect_dma semaphore(%run_scoped3A_128 : memref<!tpu.dma_semaphore, #tpu.memory_space<semaphore_mem>>) src(%arg18 : memref<128x128xf32, #tpu.memory_space<vmem>>) dst(%dma_wait3A_140 : memref<10112x128xf32, #tpu.memory_space<vmem_shared>>)
            tpu.yield
          }) : () -> ()
        } else {
        }
        %mul3A_99 = arith.constant 2 : i32
        %mul3A_100 = arith.muli %mul3A_99, %scan3A_86 : i32
        %add3A_101 = arith.constant 1 : i32
        %add3A_102 = arith.addi %mul3A_100, %add3A_101 : i32
        %mul3A_103 = arith.constant 16 : i32
        %mul3A_104 = arith.muli %add3A_102, %mul3A_103 : i32
        %add3A_105 = arith.addi %mul3A_104, %arg1 : i32
        %lt3A_106 = arith.constant 1250 : i32
        %lt3A_107 = arith.cmpi slt, %add3A_105, %lt3A_106 : i32
        %convert_element_type3A_108 = arith.extui %lt3A_107 : i1 to i32
        %cond3A_109 = arith.constant 0 : i32
        %cond3A_110 = arith.cmpi ne, %convert_element_type3A_108, %cond3A_109 : i32
        scf.if %cond3A_110 {
          %dma_wait3A_111 = arith.constant 0 : i32
          %dma_wait3A_112 = arith.constant 0 : i32
          %dma_wait3A_113 = tpu.memref_slice %arg2[%dma_wait3A_111, %dma_wait3A_112] : memref<10000x128xf32, #tpu.memory_space<hbm>> -> memref<10000x128xf32, #tpu.memory_space<hbm>>
          tpu.wait_indirect_dma semaphore(%arg20 : memref<!tpu.dma_semaphore, #tpu.memory_space<semaphore_mem>>) src(%dma_wait3A_113 : memref<10000x128xf32, #tpu.memory_space<hbm>>) dst(%arg19 : memref<128x128xf32, #tpu.memory_space<vmem>>)
          %add3A_114 = arith.constant 32 : i32
          %add3A_115 = arith.addi %add3A_105, %add3A_114 : i32
          %lt3A_116 = arith.constant 1250 : i32
          %lt3A_117 = arith.cmpi slt, %add3A_115, %lt3A_116 : i32
          %convert_element_type3A_118 = arith.extui %lt3A_117 : i1 to i32
          %cond3A_119 = arith.constant 0 : i32
          %cond3A_120 = arith.cmpi ne, %convert_element_type3A_118, %cond3A_119 : i32
          scf.if %cond3A_120 {
            %add3A_128 = arith.constant 32 : i32
            %add3A_129 = arith.addi %add3A_105, %add3A_128 : i32
            %mul3A_130 = arith.constant 128 : i32
            %mul3A_131 = arith.muli %add3A_129, %mul3A_130 : i32
            %dma_start3A_132 = tpu.memref_slice %arg4[%mul3A_131] : memref<160000xi32, #tpu.memory_space<hbm>> -> memref<128xi32, #tpu.memory_space<hbm>>
            %dma_start3A_133 = tpu.memref_slice %arg4[%mul3A_131] : memref<160000xi32, #tpu.memory_space<hbm>> -> memref<128xi32, #tpu.memory_space<hbm>>
            tpu.enqueue_dma source(%dma_start3A_133 : memref<128xi32, #tpu.memory_space<hbm>>) target(%arg17 : memref<128xi32, #tpu.memory_space<vmem>>) target_semaphore(%arg23 : memref<!tpu.dma_semaphore, #tpu.memory_space<semaphore_mem>>)
            %add3A_134 = arith.constant 2 : i32
            %add3A_135 = arith.addi %add3A_102, %add3A_134 : i32
            %dma_start3A_136 = arith.constant 0 : i32
            %dma_start3A_137 = tpu.memref_slice %arg15[%add3A_135, %dma_start3A_136] : memref<79x128xi32, #tpu.memory_space<vmem>> -> memref<1x128xi32, #tpu.memory_space<vmem>>
            %dma_start3A_138 = tpu.memref_squeeze %dma_start3A_137 : memref<1x128xi32, #tpu.memory_space<vmem>> -> memref<128xi32, #tpu.memory_space<vmem>>
            %dma_start3A_139 = tpu.memref_slice %arg5[%mul3A_131] : memref<160000xi32, #tpu.memory_space<hbm>> -> memref<128xi32, #tpu.memory_space<hbm>>
            %dma_start3A_140 = arith.constant 0 : i32
            %dma_start3A_141 = tpu.memref_slice %arg15[%add3A_135, %dma_start3A_140] : memref<79x128xi32, #tpu.memory_space<vmem>> -> memref<1x128xi32, #tpu.memory_space<vmem>>
            %dma_start3A_142 = tpu.memref_squeeze %dma_start3A_141 : memref<1x128xi32, #tpu.memory_space<vmem>> -> memref<128xi32, #tpu.memory_space<vmem>>
            %dma_start3A_143 = tpu.memref_slice %arg5[%mul3A_131] : memref<160000xi32, #tpu.memory_space<hbm>> -> memref<128xi32, #tpu.memory_space<hbm>>
            tpu.enqueue_dma source(%dma_start3A_143 : memref<128xi32, #tpu.memory_space<hbm>>) target(%dma_start3A_142 : memref<128xi32, #tpu.memory_space<vmem>>) target_semaphore(%arg23 : memref<!tpu.dma_semaphore, #tpu.memory_space<semaphore_mem>>)
          } else {
          }
          %add3A_121 = arith.constant 16 : i32
          %add3A_122 = arith.addi %add3A_105, %add3A_121 : i32
          %lt3A_123 = arith.constant 1250 : i32
          %lt3A_124 = arith.cmpi slt, %add3A_122, %lt3A_123 : i32
          %convert_element_type3A_125 = arith.extui %lt3A_124 : i1 to i32
          %cond3A_126 = arith.constant 0 : i32
          %cond3A_127 = arith.cmpi ne, %convert_element_type3A_125, %cond3A_126 : i32
          scf.if %cond3A_127 {
            %add3A_128 = arith.constant 16 : i32
            %add3A_129 = arith.addi %add3A_105, %add3A_128 : i32
            %mul3A_130 = arith.constant 128 : i32
            %mul3A_131 = arith.muli %add3A_129, %mul3A_130 : i32
            %dma_wait3A_132 = tpu.memref_slice %arg4[%mul3A_131] : memref<160000xi32, #tpu.memory_space<hbm>> -> memref<128xi32, #tpu.memory_space<hbm>>
            %dma_wait3A_133 = tpu.memref_slice %arg4[%mul3A_131] : memref<160000xi32, #tpu.memory_space<hbm>> -> memref<128xi32, #tpu.memory_space<hbm>>
            tpu.wait_dma2 semaphore(%arg22 : memref<!tpu.dma_semaphore, #tpu.memory_space<semaphore_mem>>) src(%dma_wait3A_133 : memref<128xi32, #tpu.memory_space<hbm>>) dst(%arg16 : memref<128xi32, #tpu.memory_space<vmem>>)
            %add3A_134 = arith.constant 1 : i32
            %add3A_135 = arith.addi %add3A_102, %add3A_134 : i32
            %dma_wait3A_136 = arith.constant 0 : i32
            %dma_wait3A_137 = tpu.memref_slice %arg15[%add3A_135, %dma_wait3A_136] : memref<79x128xi32, #tpu.memory_space<vmem>> -> memref<1x128xi32, #tpu.memory_space<vmem>>
            %dma_wait3A_138 = tpu.memref_squeeze %dma_wait3A_137 : memref<1x128xi32, #tpu.memory_space<vmem>> -> memref<128xi32, #tpu.memory_space<vmem>>
            %dma_wait3A_139 = tpu.memref_slice %arg5[%mul3A_131] : memref<160000xi32, #tpu.memory_space<hbm>> -> memref<128xi32, #tpu.memory_space<hbm>>
            %dma_wait3A_140 = arith.constant 0 : i32
            %dma_wait3A_141 = tpu.memref_slice %arg15[%add3A_135, %dma_wait3A_140] : memref<79x128xi32, #tpu.memory_space<vmem>> -> memref<1x128xi32, #tpu.memory_space<vmem>>
            %dma_wait3A_142 = tpu.memref_squeeze %dma_wait3A_141 : memref<1x128xi32, #tpu.memory_space<vmem>> -> memref<128xi32, #tpu.memory_space<vmem>>
            %dma_wait3A_143 = tpu.memref_slice %arg5[%mul3A_131] : memref<160000xi32, #tpu.memory_space<hbm>> -> memref<128xi32, #tpu.memory_space<hbm>>
            tpu.wait_dma2 semaphore(%arg22 : memref<!tpu.dma_semaphore, #tpu.memory_space<semaphore_mem>>) src(%dma_wait3A_143 : memref<128xi32, #tpu.memory_space<hbm>>) dst(%dma_wait3A_142 : memref<128xi32, #tpu.memory_space<vmem>>)
            %dma_start3A_144 = arith.constant 0 : i32
            %dma_start3A_145 = arith.constant 0 : i32
            %dma_start3A_146 = tpu.memref_slice %arg2[%dma_start3A_144, %dma_start3A_145] : memref<10000x128xf32, #tpu.memory_space<hbm>> -> memref<10000x128xf32, #tpu.memory_space<hbm>>
            tpu.enqueue_indirect_dma source(%dma_start3A_146 : memref<10000x128xf32, #tpu.memory_space<hbm>>) target(%arg18 : memref<128x128xf32, #tpu.memory_space<vmem>>) offsets(%arg16 : memref<128xi32, #tpu.memory_space<vmem>>) semaphore(%arg20 : memref<!tpu.dma_semaphore, #tpu.memory_space<semaphore_mem>>)
          } else {
          }
          "tpu.region"() ({
            %run_scoped3A_128 = tpu.sem_alloc : memref<!tpu.dma_semaphore, #tpu.memory_space<semaphore_mem>>
            %dma_start3A_129 = arith.constant 0 : i32
            %dma_start3A_130 = tpu.memref_slice %arg15[%add3A_102, %dma_start3A_129] : memref<79x128xi32, #tpu.memory_space<vmem>> -> memref<1x128xi32, #tpu.memory_space<vmem>>
            %dma_start3A_131 = tpu.memref_squeeze %dma_start3A_130 : memref<1x128xi32, #tpu.memory_space<vmem>> -> memref<128xi32, #tpu.memory_space<vmem>>
            %dma_start3A_132 = arith.constant 0 : i32
            %dma_start3A_133 = arith.constant 0 : i32
            %dma_start3A_134 = tpu.memref_slice %arg14[%dma_start3A_132, %dma_start3A_133] : memref<10112x128xf32, #tpu.memory_space<vmem_shared>> -> memref<10112x128xf32, #tpu.memory_space<vmem_shared>>
            tpu.enqueue_indirect_dma source(%arg19 : memref<128x128xf32, #tpu.memory_space<vmem>>) target(%dma_start3A_134 : memref<10112x128xf32, #tpu.memory_space<vmem_shared>>) offsets(%dma_start3A_131 : memref<128xi32, #tpu.memory_space<vmem>>) semaphore(%run_scoped3A_128 : memref<!tpu.dma_semaphore, #tpu.memory_space<semaphore_mem>>) {add = true}
            %dma_wait3A_135 = arith.constant 0 : i32
            %dma_wait3A_136 = tpu.memref_slice %arg15[%add3A_102, %dma_wait3A_135] : memref<79x128xi32, #tpu.memory_space<vmem>> -> memref<1x128xi32, #tpu.memory_space<vmem>>
            %dma_wait3A_137 = tpu.memref_squeeze %dma_wait3A_136 : memref<1x128xi32, #tpu.memory_space<vmem>> -> memref<128xi32, #tpu.memory_space<vmem>>
            %dma_wait3A_138 = arith.constant 0 : i32
            %dma_wait3A_139 = arith.constant 0 : i32
            %dma_wait3A_140 = tpu.memref_slice %arg14[%dma_wait3A_138, %dma_wait3A_139] : memref<10112x128xf32, #tpu.memory_space<vmem_shared>> -> memref<10112x128xf32, #tpu.memory_space<vmem_shared>>
            tpu.wait_indirect_dma semaphore(%run_scoped3A_128 : memref<!tpu.dma_semaphore, #tpu.memory_space<semaphore_mem>>) src(%arg19 : memref<128x128xf32, #tpu.memory_space<vmem>>) dst(%dma_wait3A_140 : memref<10112x128xf32, #tpu.memory_space<vmem_shared>>)
            tpu.yield
          }) : () -> ()
        } else {
        }
      }
      %scan3A_85 = arith.constant 40 : i32
    } else {
    }
    %eq3A_12 = arith.constant 1 : i32
    %eq3A_13 = arith.cmpi eq, %arg0, %eq3A_12 : i32
    %convert_element_type3A_14 = arith.extui %eq3A_13 : i1 to i32
    %cond3A_15 = arith.constant 0 : i32
    %cond3A_16 = arith.cmpi ne, %convert_element_type3A_14, %cond3A_15 : i32
    scf.if %cond3A_16 {
      %mul3A_68 = arith.constant 128 : i32
      %mul3A_69 = arith.muli %arg1, %mul3A_68 : i32
      "tpu.region"() ({
        %run_scoped3A_86 = tpu.sem_alloc : memref<!tpu.dma_semaphore, #tpu.memory_space<semaphore_mem>>
        %dma_start3A_87 = tpu.memref_slice %arg6[%mul3A_69] : memref<160000xi32, #tpu.memory_space<hbm>> -> memref<128xi32, #tpu.memory_space<hbm>>
        %dma_start3A_88 = tpu.memref_slice %arg6[%mul3A_69] : memref<160000xi32, #tpu.memory_space<hbm>> -> memref<128xi32, #tpu.memory_space<hbm>>
        tpu.enqueue_dma source(%dma_start3A_88 : memref<128xi32, #tpu.memory_space<hbm>>) target(%arg16 : memref<128xi32, #tpu.memory_space<vmem>>) target_semaphore(%run_scoped3A_86 : memref<!tpu.dma_semaphore, #tpu.memory_space<semaphore_mem>>)
        %dma_wait3A_89 = tpu.memref_slice %arg6[%mul3A_69] : memref<160000xi32, #tpu.memory_space<hbm>> -> memref<128xi32, #tpu.memory_space<hbm>>
        %dma_wait3A_90 = tpu.memref_slice %arg6[%mul3A_69] : memref<160000xi32, #tpu.memory_space<hbm>> -> memref<128xi32, #tpu.memory_space<hbm>>
        tpu.wait_dma2 semaphore(%run_scoped3A_86 : memref<!tpu.dma_semaphore, #tpu.memory_space<semaphore_mem>>) src(%dma_wait3A_90 : memref<128xi32, #tpu.memory_space<hbm>>) dst(%arg16 : memref<128xi32, #tpu.memory_space<vmem>>)
        tpu.yield
      }) : () -> ()
      %mul3A_70 = arith.constant 128 : i32
      %mul3A_71 = arith.muli %arg1, %mul3A_70 : i32
      %run_scoped3A = arith.constant 0 : i32
      "tpu.region"() ({
        %run_scoped3A_86 = tpu.sem_alloc : memref<!tpu.dma_semaphore, #tpu.memory_space<semaphore_mem>>
        %dma_start3A_87 = arith.constant 0 : i32
        %dma_start3A_88 = tpu.memref_slice %arg15[%run_scoped3A, %dma_start3A_87] : memref<79x128xi32, #tpu.memory_space<vmem>> -> memref<1x128xi32, #tpu.memory_space<vmem>>
        %dma_start3A_89 = tpu.memref_squeeze %dma_start3A_88 : memref<1x128xi32, #tpu.memory_space<vmem>> -> memref<128xi32, #tpu.memory_space<vmem>>
        %dma_start3A_90 = tpu.memref_slice %arg7[%mul3A_71] : memref<160000xi32, #tpu.memory_space<hbm>> -> memref<128xi32, #tpu.memory_space<hbm>>
        %dma_start3A_91 = arith.constant 0 : i32
        %dma_start3A_92 = tpu.memref_slice %arg15[%run_scoped3A, %dma_start3A_91] : memref<79x128xi32, #tpu.memory_space<vmem>> -> memref<1x128xi32, #tpu.memory_space<vmem>>
        %dma_start3A_93 = tpu.memref_squeeze %dma_start3A_92 : memref<1x128xi32, #tpu.memory_space<vmem>> -> memref<128xi32, #tpu.memory_space<vmem>>
        %dma_start3A_94 = tpu.memref_slice %arg7[%mul3A_71] : memref<160000xi32, #tpu.memory_space<hbm>> -> memref<128xi32, #tpu.memory_space<hbm>>
        tpu.enqueue_dma source(%dma_start3A_94 : memref<128xi32, #tpu.memory_space<hbm>>) target(%dma_start3A_93 : memref<128xi32, #tpu.memory_space<vmem>>) target_semaphore(%run_scoped3A_86 : memref<!tpu.dma_semaphore, #tpu.memory_space<semaphore_mem>>)
        %dma_wait3A_95 = arith.constant 0 : i32
        %dma_wait3A_96 = tpu.memref_slice %arg15[%run_scoped3A, %dma_wait3A_95] : memref<79x128xi32, #tpu.memory_space<vmem>> -> memref<1x128xi32, #tpu.memory_space<vmem>>
        %dma_wait3A_97 = tpu.memref_squeeze %dma_wait3A_96 : memref<1x128xi32, #tpu.memory_space<vmem>> -> memref<128xi32, #tpu.memory_space<vmem>>
        %dma_wait3A_98 = tpu.memref_slice %arg7[%mul3A_71] : memref<160000xi32, #tpu.memory_space<hbm>> -> memref<128xi32, #tpu.memory_space<hbm>>
        %dma_wait3A_99 = arith.constant 0 : i32
        %dma_wait3A_100 = tpu.memref_slice %arg15[%run_scoped3A, %dma_wait3A_99] : memref<79x128xi32, #tpu.memory_space<vmem>> -> memref<1x128xi32, #tpu.memory_space<vmem>>
        %dma_wait3A_101 = tpu.memref_squeeze %dma_wait3A_100 : memref<1x128xi32, #tpu.memory_space<vmem>> -> memref<128xi32, #tpu.memory_space<vmem>>
        %dma_wait3A_102 = tpu.memref_slice %arg7[%mul3A_71] : memref<160000xi32, #tpu.memory_space<hbm>> -> memref<128xi32, #tpu.memory_space<hbm>>
        tpu.wait_dma2 semaphore(%run_scoped3A_86 : memref<!tpu.dma_semaphore, #tpu.memory_space<semaphore_mem>>) src(%dma_wait3A_102 : memref<128xi32, #tpu.memory_space<hbm>>) dst(%dma_wait3A_101 : memref<128xi32, #tpu.memory_space<vmem>>)
        tpu.yield
      }) : () -> ()
      %add3A_72 = arith.constant 16 : i32
      %add3A_73 = arith.addi %arg1, %add3A_72 : i32
      %lt3A = arith.constant 1250 : i32
      %lt3A_74 = arith.cmpi slt, %add3A_73, %lt3A : i32
      %convert_element_type3A_75 = arith.extui %lt3A_74 : i1 to i32
      %cond3A_76 = arith.constant 0 : i32
      %cond3A_77 = arith.cmpi ne, %convert_element_type3A_75, %cond3A_76 : i32
      scf.if %cond3A_77 {
        %add3A_86 = arith.constant 16 : i32
        %add3A_87 = arith.addi %arg1, %add3A_86 : i32
        %mul3A_88 = arith.constant 128 : i32
        %mul3A_89 = arith.muli %add3A_87, %mul3A_88 : i32
        %dma_start3A_90 = tpu.memref_slice %arg6[%mul3A_89] : memref<160000xi32, #tpu.memory_space<hbm>> -> memref<128xi32, #tpu.memory_space<hbm>>
        %dma_start3A_91 = tpu.memref_slice %arg6[%mul3A_89] : memref<160000xi32, #tpu.memory_space<hbm>> -> memref<128xi32, #tpu.memory_space<hbm>>
        tpu.enqueue_dma source(%dma_start3A_91 : memref<128xi32, #tpu.memory_space<hbm>>) target(%arg17 : memref<128xi32, #tpu.memory_space<vmem>>) target_semaphore(%arg23 : memref<!tpu.dma_semaphore, #tpu.memory_space<semaphore_mem>>)
        %dma_start3A_92 = arith.constant 1 : i32
        %dma_start3A_93 = arith.constant 0 : i32
        %dma_start3A_94 = tpu.memref_slice %arg15[%dma_start3A_92, %dma_start3A_93] : memref<79x128xi32, #tpu.memory_space<vmem>> -> memref<1x128xi32, #tpu.memory_space<vmem>>
        %dma_start3A_95 = tpu.memref_squeeze %dma_start3A_94 : memref<1x128xi32, #tpu.memory_space<vmem>> -> memref<128xi32, #tpu.memory_space<vmem>>
        %dma_start3A_96 = tpu.memref_slice %arg7[%mul3A_89] : memref<160000xi32, #tpu.memory_space<hbm>> -> memref<128xi32, #tpu.memory_space<hbm>>
        %dma_start3A_97 = arith.constant 0 : i32
        %dma_start3A_98 = tpu.memref_slice %arg15[%dma_start3A_92, %dma_start3A_97] : memref<79x128xi32, #tpu.memory_space<vmem>> -> memref<1x128xi32, #tpu.memory_space<vmem>>
        %dma_start3A_99 = tpu.memref_squeeze %dma_start3A_98 : memref<1x128xi32, #tpu.memory_space<vmem>> -> memref<128xi32, #tpu.memory_space<vmem>>
        %dma_start3A_100 = tpu.memref_slice %arg7[%mul3A_89] : memref<160000xi32, #tpu.memory_space<hbm>> -> memref<128xi32, #tpu.memory_space<hbm>>
        tpu.enqueue_dma source(%dma_start3A_100 : memref<128xi32, #tpu.memory_space<hbm>>) target(%dma_start3A_99 : memref<128xi32, #tpu.memory_space<vmem>>) target_semaphore(%arg23 : memref<!tpu.dma_semaphore, #tpu.memory_space<semaphore_mem>>)
      } else {
      }
      %dma_start3A = arith.constant 0 : i32
      %dma_start3A_78 = arith.constant 0 : i32
      %dma_start3A_79 = tpu.memref_slice %arg3[%dma_start3A, %dma_start3A_78] : memref<10000x128xf32, #tpu.memory_space<hbm>> -> memref<10000x128xf32, #tpu.memory_space<hbm>>
      tpu.enqueue_indirect_dma source(%dma_start3A_79 : memref<10000x128xf32, #tpu.memory_space<hbm>>) target(%arg18 : memref<128x128xf32, #tpu.memory_space<vmem>>) offsets(%arg16 : memref<128xi32, #tpu.memory_space<vmem>>) semaphore(%arg20 : memref<!tpu.dma_semaphore, #tpu.memory_space<semaphore_mem>>)
      %scan3A_80 = arith.constant 0 : i32
      %scan3A_81 = arith.constant 0 : i32
      %scan3A_82 = arith.constant 40 : i32
      %scan3A_83 = arith.addi %scan3A_81, %scan3A_82 : i32
      %scan3A_84 = arith.constant 1 : i32
      scf.for %scan3A_86 = %scan3A_81 to %scan3A_83 step %scan3A_84  : i32 {
        %mul3A_87 = arith.constant 2 : i32
        %mul3A_88 = arith.muli %mul3A_87, %scan3A_86 : i32
        %add3A_89 = arith.constant 0 : i32
        %add3A_90 = arith.addi %mul3A_88, %add3A_89 : i32
        %mul3A_91 = arith.constant 16 : i32
        %mul3A_92 = arith.muli %add3A_90, %mul3A_91 : i32
        %add3A_93 = arith.addi %mul3A_92, %arg1 : i32
        %lt3A_94 = arith.constant 1250 : i32
        %lt3A_95 = arith.cmpi slt, %add3A_93, %lt3A_94 : i32
        %convert_element_type3A_96 = arith.extui %lt3A_95 : i1 to i32
        %cond3A_97 = arith.constant 0 : i32
        %cond3A_98 = arith.cmpi ne, %convert_element_type3A_96, %cond3A_97 : i32
        scf.if %cond3A_98 {
          %dma_wait3A_111 = arith.constant 0 : i32
          %dma_wait3A_112 = arith.constant 0 : i32
          %dma_wait3A_113 = tpu.memref_slice %arg3[%dma_wait3A_111, %dma_wait3A_112] : memref<10000x128xf32, #tpu.memory_space<hbm>> -> memref<10000x128xf32, #tpu.memory_space<hbm>>
          tpu.wait_indirect_dma semaphore(%arg20 : memref<!tpu.dma_semaphore, #tpu.memory_space<semaphore_mem>>) src(%dma_wait3A_113 : memref<10000x128xf32, #tpu.memory_space<hbm>>) dst(%arg18 : memref<128x128xf32, #tpu.memory_space<vmem>>)
          %add3A_114 = arith.constant 32 : i32
          %add3A_115 = arith.addi %add3A_93, %add3A_114 : i32
          %lt3A_116 = arith.constant 1250 : i32
          %lt3A_117 = arith.cmpi slt, %add3A_115, %lt3A_116 : i32
          %convert_element_type3A_118 = arith.extui %lt3A_117 : i1 to i32
          %cond3A_119 = arith.constant 0 : i32
          %cond3A_120 = arith.cmpi ne, %convert_element_type3A_118, %cond3A_119 : i32
          scf.if %cond3A_120 {
            %add3A_128 = arith.constant 32 : i32
            %add3A_129 = arith.addi %add3A_93, %add3A_128 : i32
            %mul3A_130 = arith.constant 128 : i32
            %mul3A_131 = arith.muli %add3A_129, %mul3A_130 : i32
            %dma_start3A_132 = tpu.memref_slice %arg6[%mul3A_131] : memref<160000xi32, #tpu.memory_space<hbm>> -> memref<128xi32, #tpu.memory_space<hbm>>
            %dma_start3A_133 = tpu.memref_slice %arg6[%mul3A_131] : memref<160000xi32, #tpu.memory_space<hbm>> -> memref<128xi32, #tpu.memory_space<hbm>>
            tpu.enqueue_dma source(%dma_start3A_133 : memref<128xi32, #tpu.memory_space<hbm>>) target(%arg16 : memref<128xi32, #tpu.memory_space<vmem>>) target_semaphore(%arg22 : memref<!tpu.dma_semaphore, #tpu.memory_space<semaphore_mem>>)
            %add3A_134 = arith.constant 2 : i32
            %add3A_135 = arith.addi %add3A_90, %add3A_134 : i32
            %dma_start3A_136 = arith.constant 0 : i32
            %dma_start3A_137 = tpu.memref_slice %arg15[%add3A_135, %dma_start3A_136] : memref<79x128xi32, #tpu.memory_space<vmem>> -> memref<1x128xi32, #tpu.memory_space<vmem>>
            %dma_start3A_138 = tpu.memref_squeeze %dma_start3A_137 : memref<1x128xi32, #tpu.memory_space<vmem>> -> memref<128xi32, #tpu.memory_space<vmem>>
            %dma_start3A_139 = tpu.memref_slice %arg7[%mul3A_131] : memref<160000xi32, #tpu.memory_space<hbm>> -> memref<128xi32, #tpu.memory_space<hbm>>
            %dma_start3A_140 = arith.constant 0 : i32
            %dma_start3A_141 = tpu.memref_slice %arg15[%add3A_135, %dma_start3A_140] : memref<79x128xi32, #tpu.memory_space<vmem>> -> memref<1x128xi32, #tpu.memory_space<vmem>>
            %dma_start3A_142 = tpu.memref_squeeze %dma_start3A_141 : memref<1x128xi32, #tpu.memory_space<vmem>> -> memref<128xi32, #tpu.memory_space<vmem>>
            %dma_start3A_143 = tpu.memref_slice %arg7[%mul3A_131] : memref<160000xi32, #tpu.memory_space<hbm>> -> memref<128xi32, #tpu.memory_space<hbm>>
            tpu.enqueue_dma source(%dma_start3A_143 : memref<128xi32, #tpu.memory_space<hbm>>) target(%dma_start3A_142 : memref<128xi32, #tpu.memory_space<vmem>>) target_semaphore(%arg22 : memref<!tpu.dma_semaphore, #tpu.memory_space<semaphore_mem>>)
          } else {
          }
          %add3A_121 = arith.constant 16 : i32
          %add3A_122 = arith.addi %add3A_93, %add3A_121 : i32
          %lt3A_123 = arith.constant 1250 : i32
          %lt3A_124 = arith.cmpi slt, %add3A_122, %lt3A_123 : i32
          %convert_element_type3A_125 = arith.extui %lt3A_124 : i1 to i32
          %cond3A_126 = arith.constant 0 : i32
          %cond3A_127 = arith.cmpi ne, %convert_element_type3A_125, %cond3A_126 : i32
          scf.if %cond3A_127 {
            %add3A_128 = arith.constant 16 : i32
            %add3A_129 = arith.addi %add3A_93, %add3A_128 : i32
            %mul3A_130 = arith.constant 128 : i32
            %mul3A_131 = arith.muli %add3A_129, %mul3A_130 : i32
            %dma_wait3A_132 = tpu.memref_slice %arg6[%mul3A_131] : memref<160000xi32, #tpu.memory_space<hbm>> -> memref<128xi32, #tpu.memory_space<hbm>>
            %dma_wait3A_133 = tpu.memref_slice %arg6[%mul3A_131] : memref<160000xi32, #tpu.memory_space<hbm>> -> memref<128xi32, #tpu.memory_space<hbm>>
            tpu.wait_dma2 semaphore(%arg23 : memref<!tpu.dma_semaphore, #tpu.memory_space<semaphore_mem>>) src(%dma_wait3A_133 : memref<128xi32, #tpu.memory_space<hbm>>) dst(%arg17 : memref<128xi32, #tpu.memory_space<vmem>>)
            %add3A_134 = arith.constant 1 : i32
            %add3A_135 = arith.addi %add3A_90, %add3A_134 : i32
            %dma_wait3A_136 = arith.constant 0 : i32
            %dma_wait3A_137 = tpu.memref_slice %arg15[%add3A_135, %dma_wait3A_136] : memref<79x128xi32, #tpu.memory_space<vmem>> -> memref<1x128xi32, #tpu.memory_space<vmem>>
            %dma_wait3A_138 = tpu.memref_squeeze %dma_wait3A_137 : memref<1x128xi32, #tpu.memory_space<vmem>> -> memref<128xi32, #tpu.memory_space<vmem>>
            %dma_wait3A_139 = tpu.memref_slice %arg7[%mul3A_131] : memref<160000xi32, #tpu.memory_space<hbm>> -> memref<128xi32, #tpu.memory_space<hbm>>
            %dma_wait3A_140 = arith.constant 0 : i32
            %dma_wait3A_141 = tpu.memref_slice %arg15[%add3A_135, %dma_wait3A_140] : memref<79x128xi32, #tpu.memory_space<vmem>> -> memref<1x128xi32, #tpu.memory_space<vmem>>
            %dma_wait3A_142 = tpu.memref_squeeze %dma_wait3A_141 : memref<1x128xi32, #tpu.memory_space<vmem>> -> memref<128xi32, #tpu.memory_space<vmem>>
            %dma_wait3A_143 = tpu.memref_slice %arg7[%mul3A_131] : memref<160000xi32, #tpu.memory_space<hbm>> -> memref<128xi32, #tpu.memory_space<hbm>>
            tpu.wait_dma2 semaphore(%arg23 : memref<!tpu.dma_semaphore, #tpu.memory_space<semaphore_mem>>) src(%dma_wait3A_143 : memref<128xi32, #tpu.memory_space<hbm>>) dst(%dma_wait3A_142 : memref<128xi32, #tpu.memory_space<vmem>>)
            %dma_start3A_144 = arith.constant 0 : i32
            %dma_start3A_145 = arith.constant 0 : i32
            %dma_start3A_146 = tpu.memref_slice %arg3[%dma_start3A_144, %dma_start3A_145] : memref<10000x128xf32, #tpu.memory_space<hbm>> -> memref<10000x128xf32, #tpu.memory_space<hbm>>
            tpu.enqueue_indirect_dma source(%dma_start3A_146 : memref<10000x128xf32, #tpu.memory_space<hbm>>) target(%arg19 : memref<128x128xf32, #tpu.memory_space<vmem>>) offsets(%arg17 : memref<128xi32, #tpu.memory_space<vmem>>) semaphore(%arg20 : memref<!tpu.dma_semaphore, #tpu.memory_space<semaphore_mem>>)
          } else {
          }
          "tpu.region"() ({
            %run_scoped3A_128 = tpu.sem_alloc : memref<!tpu.dma_semaphore, #tpu.memory_space<semaphore_mem>>
            %dma_start3A_129 = arith.constant 0 : i32
            %dma_start3A_130 = tpu.memref_slice %arg15[%add3A_90, %dma_start3A_129] : memref<79x128xi32, #tpu.memory_space<vmem>> -> memref<1x128xi32, #tpu.memory_space<vmem>>
            %dma_start3A_131 = tpu.memref_squeeze %dma_start3A_130 : memref<1x128xi32, #tpu.memory_space<vmem>> -> memref<128xi32, #tpu.memory_space<vmem>>
            %dma_start3A_132 = arith.constant 0 : i32
            %dma_start3A_133 = arith.constant 0 : i32
            %dma_start3A_134 = tpu.memref_slice %arg14[%dma_start3A_132, %dma_start3A_133] : memref<10112x128xf32, #tpu.memory_space<vmem_shared>> -> memref<10112x128xf32, #tpu.memory_space<vmem_shared>>
            tpu.enqueue_indirect_dma source(%arg18 : memref<128x128xf32, #tpu.memory_space<vmem>>) target(%dma_start3A_134 : memref<10112x128xf32, #tpu.memory_space<vmem_shared>>) offsets(%dma_start3A_131 : memref<128xi32, #tpu.memory_space<vmem>>) semaphore(%run_scoped3A_128 : memref<!tpu.dma_semaphore, #tpu.memory_space<semaphore_mem>>) {add = true}
            %dma_wait3A_135 = arith.constant 0 : i32
            %dma_wait3A_136 = tpu.memref_slice %arg15[%add3A_90, %dma_wait3A_135] : memref<79x128xi32, #tpu.memory_space<vmem>> -> memref<1x128xi32, #tpu.memory_space<vmem>>
            %dma_wait3A_137 = tpu.memref_squeeze %dma_wait3A_136 : memref<1x128xi32, #tpu.memory_space<vmem>> -> memref<128xi32, #tpu.memory_space<vmem>>
            %dma_wait3A_138 = arith.constant 0 : i32
            %dma_wait3A_139 = arith.constant 0 : i32
            %dma_wait3A_140 = tpu.memref_slice %arg14[%dma_wait3A_138, %dma_wait3A_139] : memref<10112x128xf32, #tpu.memory_space<vmem_shared>> -> memref<10112x128xf32, #tpu.memory_space<vmem_shared>>
            tpu.wait_indirect_dma semaphore(%run_scoped3A_128 : memref<!tpu.dma_semaphore, #tpu.memory_space<semaphore_mem>>) src(%arg18 : memref<128x128xf32, #tpu.memory_space<vmem>>) dst(%dma_wait3A_140 : memref<10112x128xf32, #tpu.memory_space<vmem_shared>>)
            tpu.yield
          }) : () -> ()
        } else {
        }
        %mul3A_99 = arith.constant 2 : i32
        %mul3A_100 = arith.muli %mul3A_99, %scan3A_86 : i32
        %add3A_101 = arith.constant 1 : i32
        %add3A_102 = arith.addi %mul3A_100, %add3A_101 : i32
        %mul3A_103 = arith.constant 16 : i32
        %mul3A_104 = arith.muli %add3A_102, %mul3A_103 : i32
        %add3A_105 = arith.addi %mul3A_104, %arg1 : i32
        %lt3A_106 = arith.constant 1250 : i32
        %lt3A_107 = arith.cmpi slt, %add3A_105, %lt3A_106 : i32
        %convert_element_type3A_108 = arith.extui %lt3A_107 : i1 to i32
        %cond3A_109 = arith.constant 0 : i32
        %cond3A_110 = arith.cmpi ne, %convert_element_type3A_108, %cond3A_109 : i32
        scf.if %cond3A_110 {
          %dma_wait3A_111 = arith.constant 0 : i32
          %dma_wait3A_112 = arith.constant 0 : i32
          %dma_wait3A_113 = tpu.memref_slice %arg3[%dma_wait3A_111, %dma_wait3A_112] : memref<10000x128xf32, #tpu.memory_space<hbm>> -> memref<10000x128xf32, #tpu.memory_space<hbm>>
          tpu.wait_indirect_dma semaphore(%arg20 : memref<!tpu.dma_semaphore, #tpu.memory_space<semaphore_mem>>) src(%dma_wait3A_113 : memref<10000x128xf32, #tpu.memory_space<hbm>>) dst(%arg19 : memref<128x128xf32, #tpu.memory_space<vmem>>)
          %add3A_114 = arith.constant 32 : i32
          %add3A_115 = arith.addi %add3A_105, %add3A_114 : i32
          %lt3A_116 = arith.constant 1250 : i32
          %lt3A_117 = arith.cmpi slt, %add3A_115, %lt3A_116 : i32
          %convert_element_type3A_118 = arith.extui %lt3A_117 : i1 to i32
          %cond3A_119 = arith.constant 0 : i32
          %cond3A_120 = arith.cmpi ne, %convert_element_type3A_118, %cond3A_119 : i32
          scf.if %cond3A_120 {
            %add3A_128 = arith.constant 32 : i32
            %add3A_129 = arith.addi %add3A_105, %add3A_128 : i32
            %mul3A_130 = arith.constant 128 : i32
            %mul3A_131 = arith.muli %add3A_129, %mul3A_130 : i32
            %dma_start3A_132 = tpu.memref_slice %arg6[%mul3A_131] : memref<160000xi32, #tpu.memory_space<hbm>> -> memref<128xi32, #tpu.memory_space<hbm>>
            %dma_start3A_133 = tpu.memref_slice %arg6[%mul3A_131] : memref<160000xi32, #tpu.memory_space<hbm>> -> memref<128xi32, #tpu.memory_space<hbm>>
            tpu.enqueue_dma source(%dma_start3A_133 : memref<128xi32, #tpu.memory_space<hbm>>) target(%arg17 : memref<128xi32, #tpu.memory_space<vmem>>) target_semaphore(%arg23 : memref<!tpu.dma_semaphore, #tpu.memory_space<semaphore_mem>>)
            %add3A_134 = arith.constant 2 : i32
            %add3A_135 = arith.addi %add3A_102, %add3A_134 : i32
            %dma_start3A_136 = arith.constant 0 : i32
            %dma_start3A_137 = tpu.memref_slice %arg15[%add3A_135, %dma_start3A_136] : memref<79x128xi32, #tpu.memory_space<vmem>> -> memref<1x128xi32, #tpu.memory_space<vmem>>
            %dma_start3A_138 = tpu.memref_squeeze %dma_start3A_137 : memref<1x128xi32, #tpu.memory_space<vmem>> -> memref<128xi32, #tpu.memory_space<vmem>>
            %dma_start3A_139 = tpu.memref_slice %arg7[%mul3A_131] : memref<160000xi32, #tpu.memory_space<hbm>> -> memref<128xi32, #tpu.memory_space<hbm>>
            %dma_start3A_140 = arith.constant 0 : i32
            %dma_start3A_141 = tpu.memref_slice %arg15[%add3A_135, %dma_start3A_140] : memref<79x128xi32, #tpu.memory_space<vmem>> -> memref<1x128xi32, #tpu.memory_space<vmem>>
            %dma_start3A_142 = tpu.memref_squeeze %dma_start3A_141 : memref<1x128xi32, #tpu.memory_space<vmem>> -> memref<128xi32, #tpu.memory_space<vmem>>
            %dma_start3A_143 = tpu.memref_slice %arg7[%mul3A_131] : memref<160000xi32, #tpu.memory_space<hbm>> -> memref<128xi32, #tpu.memory_space<hbm>>
            tpu.enqueue_dma source(%dma_start3A_143 : memref<128xi32, #tpu.memory_space<hbm>>) target(%dma_start3A_142 : memref<128xi32, #tpu.memory_space<vmem>>) target_semaphore(%arg23 : memref<!tpu.dma_semaphore, #tpu.memory_space<semaphore_mem>>)
          } else {
          }
          %add3A_121 = arith.constant 16 : i32
          %add3A_122 = arith.addi %add3A_105, %add3A_121 : i32
          %lt3A_123 = arith.constant 1250 : i32
          %lt3A_124 = arith.cmpi slt, %add3A_122, %lt3A_123 : i32
          %convert_element_type3A_125 = arith.extui %lt3A_124 : i1 to i32
          %cond3A_126 = arith.constant 0 : i32
          %cond3A_127 = arith.cmpi ne, %convert_element_type3A_125, %cond3A_126 : i32
          scf.if %cond3A_127 {
            %add3A_128 = arith.constant 16 : i32
            %add3A_129 = arith.addi %add3A_105, %add3A_128 : i32
            %mul3A_130 = arith.constant 128 : i32
            %mul3A_131 = arith.muli %add3A_129, %mul3A_130 : i32
            %dma_wait3A_132 = tpu.memref_slice %arg6[%mul3A_131] : memref<160000xi32, #tpu.memory_space<hbm>> -> memref<128xi32, #tpu.memory_space<hbm>>
            %dma_wait3A_133 = tpu.memref_slice %arg6[%mul3A_131] : memref<160000xi32, #tpu.memory_space<hbm>> -> memref<128xi32, #tpu.memory_space<hbm>>
            tpu.wait_dma2 semaphore(%arg22 : memref<!tpu.dma_semaphore, #tpu.memory_space<semaphore_mem>>) src(%dma_wait3A_133 : memref<128xi32, #tpu.memory_space<hbm>>) dst(%arg16 : memref<128xi32, #tpu.memory_space<vmem>>)
            %add3A_134 = arith.constant 1 : i32
            %add3A_135 = arith.addi %add3A_102, %add3A_134 : i32
            %dma_wait3A_136 = arith.constant 0 : i32
            %dma_wait3A_137 = tpu.memref_slice %arg15[%add3A_135, %dma_wait3A_136] : memref<79x128xi32, #tpu.memory_space<vmem>> -> memref<1x128xi32, #tpu.memory_space<vmem>>
            %dma_wait3A_138 = tpu.memref_squeeze %dma_wait3A_137 : memref<1x128xi32, #tpu.memory_space<vmem>> -> memref<128xi32, #tpu.memory_space<vmem>>
            %dma_wait3A_139 = tpu.memref_slice %arg7[%mul3A_131] : memref<160000xi32, #tpu.memory_space<hbm>> -> memref<128xi32, #tpu.memory_space<hbm>>
            %dma_wait3A_140 = arith.constant 0 : i32
            %dma_wait3A_141 = tpu.memref_slice %arg15[%add3A_135, %dma_wait3A_140] : memref<79x128xi32, #tpu.memory_space<vmem>> -> memref<1x128xi32, #tpu.memory_space<vmem>>
            %dma_wait3A_142 = tpu.memref_squeeze %dma_wait3A_141 : memref<1x128xi32, #tpu.memory_space<vmem>> -> memref<128xi32, #tpu.memory_space<vmem>>
            %dma_wait3A_143 = tpu.memref_slice %arg7[%mul3A_131] : memref<160000xi32, #tpu.memory_space<hbm>> -> memref<128xi32, #tpu.memory_space<hbm>>
            tpu.wait_dma2 semaphore(%arg22 : memref<!tpu.dma_semaphore, #tpu.memory_space<semaphore_mem>>) src(%dma_wait3A_143 : memref<128xi32, #tpu.memory_space<hbm>>) dst(%dma_wait3A_142 : memref<128xi32, #tpu.memory_space<vmem>>)
            %dma_start3A_144 = arith.constant 0 : i32
            %dma_start3A_145 = arith.constant 0 : i32
            %dma_start3A_146 = tpu.memref_slice %arg3[%dma_start3A_144, %dma_start3A_145] : memref<10000x128xf32, #tpu.memory_space<hbm>> -> memref<10000x128xf32, #tpu.memory_space<hbm>>
            tpu.enqueue_indirect_dma source(%dma_start3A_146 : memref<10000x128xf32, #tpu.memory_space<hbm>>) target(%arg18 : memref<128x128xf32, #tpu.memory_space<vmem>>) offsets(%arg16 : memref<128xi32, #tpu.memory_space<vmem>>) semaphore(%arg20 : memref<!tpu.dma_semaphore, #tpu.memory_space<semaphore_mem>>)
          } else {
          }
          "tpu.region"() ({
            %run_scoped3A_128 = tpu.sem_alloc : memref<!tpu.dma_semaphore, #tpu.memory_space<semaphore_mem>>
            %dma_start3A_129 = arith.constant 0 : i32
            %dma_start3A_130 = tpu.memref_slice %arg15[%add3A_102, %dma_start3A_129] : memref<79x128xi32, #tpu.memory_space<vmem>> -> memref<1x128xi32, #tpu.memory_space<vmem>>
            %dma_start3A_131 = tpu.memref_squeeze %dma_start3A_130 : memref<1x128xi32, #tpu.memory_space<vmem>> -> memref<128xi32, #tpu.memory_space<vmem>>
            %dma_start3A_132 = arith.constant 0 : i32
            %dma_start3A_133 = arith.constant 0 : i32
            %dma_start3A_134 = tpu.memref_slice %arg14[%dma_start3A_132, %dma_start3A_133] : memref<10112x128xf32, #tpu.memory_space<vmem_shared>> -> memref<10112x128xf32, #tpu.memory_space<vmem_shared>>
            tpu.enqueue_indirect_dma source(%arg19 : memref<128x128xf32, #tpu.memory_space<vmem>>) target(%dma_start3A_134 : memref<10112x128xf32, #tpu.memory_space<vmem_shared>>) offsets(%dma_start3A_131 : memref<128xi32, #tpu.memory_space<vmem>>) semaphore(%run_scoped3A_128 : memref<!tpu.dma_semaphore, #tpu.memory_space<semaphore_mem>>) {add = true}
            %dma_wait3A_135 = arith.constant 0 : i32
            %dma_wait3A_136 = tpu.memref_slice %arg15[%add3A_102, %dma_wait3A_135] : memref<79x128xi32, #tpu.memory_space<vmem>> -> memref<1x128xi32, #tpu.memory_space<vmem>>
            %dma_wait3A_137 = tpu.memref_squeeze %dma_wait3A_136 : memref<1x128xi32, #tpu.memory_space<vmem>> -> memref<128xi32, #tpu.memory_space<vmem>>
            %dma_wait3A_138 = arith.constant 0 : i32
            %dma_wait3A_139 = arith.constant 0 : i32
            %dma_wait3A_140 = tpu.memref_slice %arg14[%dma_wait3A_138, %dma_wait3A_139] : memref<10112x128xf32, #tpu.memory_space<vmem_shared>> -> memref<10112x128xf32, #tpu.memory_space<vmem_shared>>
            tpu.wait_indirect_dma semaphore(%run_scoped3A_128 : memref<!tpu.dma_semaphore, #tpu.memory_space<semaphore_mem>>) src(%arg19 : memref<128x128xf32, #tpu.memory_space<vmem>>) dst(%dma_wait3A_140 : memref<10112x128xf32, #tpu.memory_space<vmem_shared>>)
            tpu.yield
          }) : () -> ()
        } else {
        }
      }
      %scan3A_85 = arith.constant 40 : i32
    } else {
    }
    %barrier3A_17 = arith.constant 0 : index
    tpu.barrier barrier_id(%barrier3A_17)
    %eq3A_18 = arith.constant 0 : i32
    %eq3A_19 = arith.cmpi eq, %arg0, %eq3A_18 : i32
    %convert_element_type3A_20 = arith.extui %eq3A_19 : i1 to i32
    %cond3A_21 = arith.constant 0 : i32
    %cond3A_22 = arith.cmpi ne, %convert_element_type3A_20, %cond3A_21 : i32
    scf.if %cond3A_22 {
      %add3A_68 = arith.constant 0 : i32
      %add3A_69 = arith.addi %mul3A_0, %add3A_68 : i32
      "tpu.region"() ({
        %run_scoped3A = tpu.sem_alloc : memref<!tpu.dma_semaphore, #tpu.memory_space<semaphore_mem>>
        %dma_start3A = arith.constant 0 : i32
        %dma_start3A_88 = arith.constant 0 : i32
        %dma_start3A_89 = tpu.memref_slice %arg18[%dma_start3A, %dma_start3A_88] : memref<128x128xf32, #tpu.memory_space<vmem>> -> memref<128x128xf32, #tpu.memory_space<vmem>>
        %dma_start3A_90 = arith.constant 0 : i32
        %dma_start3A_91 = tpu.memref_slice %arg14[%add3A_69, %dma_start3A_90] : memref<10112x128xf32, #tpu.memory_space<vmem_shared>> -> memref<128x128xf32, #tpu.memory_space<vmem_shared>>
        %dma_start3A_92 = arith.constant 0 : i32
        %dma_start3A_93 = arith.constant 0 : i32
        %dma_start3A_94 = tpu.memref_slice %arg18[%dma_start3A_92, %dma_start3A_93] : memref<128x128xf32, #tpu.memory_space<vmem>> -> memref<128x128xf32, #tpu.memory_space<vmem>>
        %dma_start3A_95 = arith.constant 0 : i32
        %dma_start3A_96 = tpu.memref_slice %arg14[%add3A_69, %dma_start3A_95] : memref<10112x128xf32, #tpu.memory_space<vmem_shared>> -> memref<128x128xf32, #tpu.memory_space<vmem_shared>>
        tpu.enqueue_dma source(%dma_start3A_96 : memref<128x128xf32, #tpu.memory_space<vmem_shared>>) target(%dma_start3A_94 : memref<128x128xf32, #tpu.memory_space<vmem>>) target_semaphore(%run_scoped3A : memref<!tpu.dma_semaphore, #tpu.memory_space<semaphore_mem>>)
        %dma_wait3A_97 = arith.constant 0 : i32
        %dma_wait3A_98 = arith.constant 0 : i32
        %dma_wait3A_99 = tpu.memref_slice %arg18[%dma_wait3A_97, %dma_wait3A_98] : memref<128x128xf32, #tpu.memory_space<vmem>> -> memref<128x128xf32, #tpu.memory_space<vmem>>
        %dma_wait3A_100 = arith.constant 0 : i32
        %dma_wait3A_101 = tpu.memref_slice %arg14[%add3A_69, %dma_wait3A_100] : memref<10112x128xf32, #tpu.memory_space<vmem_shared>> -> memref<128x128xf32, #tpu.memory_space<vmem_shared>>
        %dma_wait3A_102 = arith.constant 0 : i32
        %dma_wait3A_103 = arith.constant 0 : i32
        %dma_wait3A_104 = tpu.memref_slice %arg18[%dma_wait3A_102, %dma_wait3A_103] : memref<128x128xf32, #tpu.memory_space<vmem>> -> memref<128x128xf32, #tpu.memory_space<vmem>>
        %dma_wait3A_105 = arith.constant 0 : i32
        %dma_wait3A_106 = tpu.memref_slice %arg14[%add3A_69, %dma_wait3A_105] : memref<10112x128xf32, #tpu.memory_space<vmem_shared>> -> memref<128x128xf32, #tpu.memory_space<vmem_shared>>
        tpu.wait_dma2 semaphore(%run_scoped3A : memref<!tpu.dma_semaphore, #tpu.memory_space<semaphore_mem>>) src(%dma_wait3A_106 : memref<128x128xf32, #tpu.memory_space<vmem_shared>>) dst(%dma_wait3A_104 : memref<128x128xf32, #tpu.memory_space<vmem>>)
        tpu.yield
      }) : () -> ()
      %add3A_70 = arith.constant 0 : i32
      %add3A_71 = arith.addi %mul3A_0, %add3A_70 : i32
      "tpu.region"() ({
        %run_scoped3A = tpu.sem_alloc : memref<!tpu.dma_semaphore, #tpu.memory_space<semaphore_mem>>
        %dma_start3A = arith.constant 0 : i32
        %dma_start3A_88 = arith.constant 0 : i32
        %dma_start3A_89 = tpu.memref_slice %arg18[%dma_start3A, %dma_start3A_88] : memref<128x128xf32, #tpu.memory_space<vmem>> -> memref<128x128xf32, #tpu.memory_space<vmem>>
        %dma_start3A_90 = arith.constant 0 : i32
        %dma_start3A_91 = tpu.memref_slice %arg10[%add3A_71, %dma_start3A_90] : memref<10112x128xf32, #tpu.memory_space<hbm>> -> memref<128x128xf32, #tpu.memory_space<hbm>>
        %dma_start3A_92 = arith.constant 0 : i32
        %dma_start3A_93 = tpu.memref_slice %arg10[%add3A_71, %dma_start3A_92] : memref<10112x128xf32, #tpu.memory_space<hbm>> -> memref<128x128xf32, #tpu.memory_space<hbm>>
        %dma_start3A_94 = arith.constant 0 : i32
        %dma_start3A_95 = arith.constant 0 : i32
        %dma_start3A_96 = tpu.memref_slice %arg18[%dma_start3A_94, %dma_start3A_95] : memref<128x128xf32, #tpu.memory_space<vmem>> -> memref<128x128xf32, #tpu.memory_space<vmem>>
        tpu.enqueue_dma source(%dma_start3A_96 : memref<128x128xf32, #tpu.memory_space<vmem>>) target(%dma_start3A_93 : memref<128x128xf32, #tpu.memory_space<hbm>>) target_semaphore(%run_scoped3A : memref<!tpu.dma_semaphore, #tpu.memory_space<semaphore_mem>>)
        %dma_wait3A_97 = arith.constant 0 : i32
        %dma_wait3A_98 = arith.constant 0 : i32
        %dma_wait3A_99 = tpu.memref_slice %arg18[%dma_wait3A_97, %dma_wait3A_98] : memref<128x128xf32, #tpu.memory_space<vmem>> -> memref<128x128xf32, #tpu.memory_space<vmem>>
        %dma_wait3A_100 = arith.constant 0 : i32
        %dma_wait3A_101 = tpu.memref_slice %arg10[%add3A_71, %dma_wait3A_100] : memref<10112x128xf32, #tpu.memory_space<hbm>> -> memref<128x128xf32, #tpu.memory_space<hbm>>
        %dma_wait3A_102 = arith.constant 0 : i32
        %dma_wait3A_103 = tpu.memref_slice %arg10[%add3A_71, %dma_wait3A_102] : memref<10112x128xf32, #tpu.memory_space<hbm>> -> memref<128x128xf32, #tpu.memory_space<hbm>>
        %dma_wait3A_104 = arith.constant 0 : i32
        %dma_wait3A_105 = arith.constant 0 : i32
        %dma_wait3A_106 = tpu.memref_slice %arg18[%dma_wait3A_104, %dma_wait3A_105] : memref<128x128xf32, #tpu.memory_space<vmem>> -> memref<128x128xf32, #tpu.memory_space<vmem>>
        tpu.wait_dma2 semaphore(%run_scoped3A : memref<!tpu.dma_semaphore, #tpu.memory_space<semaphore_mem>>) src(%dma_wait3A_106 : memref<128x128xf32, #tpu.memory_space<vmem>>) dst(%dma_wait3A_103 : memref<128x128xf32, #tpu.memory_space<hbm>>)
        tpu.yield
      }) : () -> ()
      %add3A_72 = arith.constant 128 : i32
      %add3A_73 = arith.addi %mul3A_0, %add3A_72 : i32
      "tpu.region"() ({
        %run_scoped3A = tpu.sem_alloc : memref<!tpu.dma_semaphore, #tpu.memory_space<semaphore_mem>>
        %dma_start3A = arith.constant 0 : i32
        %dma_start3A_88 = arith.constant 0 : i32
        %dma_start3A_89 = tpu.memref_slice %arg18[%dma_start3A, %dma_start3A_88] : memref<128x128xf32, #tpu.memory_space<vmem>> -> memref<128x128xf32, #tpu.memory_space<vmem>>
        %dma_start3A_90 = arith.constant 0 : i32
        %dma_start3A_91 = tpu.memref_slice %arg14[%add3A_73, %dma_start3A_90] : memref<10112x128xf32, #tpu.memory_space<vmem_shared>> -> memref<128x128xf32, #tpu.memory_space<vmem_shared>>
        %dma_start3A_92 = arith.constant 0 : i32
        %dma_start3A_93 = arith.constant 0 : i32
        %dma_start3A_94 = tpu.memref_slice %arg18[%dma_start3A_92, %dma_start3A_93] : memref<128x128xf32, #tpu.memory_space<vmem>> -> memref<128x128xf32, #tpu.memory_space<vmem>>
        %dma_start3A_95 = arith.constant 0 : i32
        %dma_start3A_96 = tpu.memref_slice %arg14[%add3A_73, %dma_start3A_95] : memref<10112x128xf32, #tpu.memory_space<vmem_shared>> -> memref<128x128xf32, #tpu.memory_space<vmem_shared>>
        tpu.enqueue_dma source(%dma_start3A_96 : memref<128x128xf32, #tpu.memory_space<vmem_shared>>) target(%dma_start3A_94 : memref<128x128xf32, #tpu.memory_space<vmem>>) target_semaphore(%run_scoped3A : memref<!tpu.dma_semaphore, #tpu.memory_space<semaphore_mem>>)
        %dma_wait3A_97 = arith.constant 0 : i32
        %dma_wait3A_98 = arith.constant 0 : i32
        %dma_wait3A_99 = tpu.memref_slice %arg18[%dma_wait3A_97, %dma_wait3A_98] : memref<128x128xf32, #tpu.memory_space<vmem>> -> memref<128x128xf32, #tpu.memory_space<vmem>>
        %dma_wait3A_100 = arith.constant 0 : i32
        %dma_wait3A_101 = tpu.memref_slice %arg14[%add3A_73, %dma_wait3A_100] : memref<10112x128xf32, #tpu.memory_space<vmem_shared>> -> memref<128x128xf32, #tpu.memory_space<vmem_shared>>
        %dma_wait3A_102 = arith.constant 0 : i32
        %dma_wait3A_103 = arith.constant 0 : i32
        %dma_wait3A_104 = tpu.memref_slice %arg18[%dma_wait3A_102, %dma_wait3A_103] : memref<128x128xf32, #tpu.memory_space<vmem>> -> memref<128x128xf32, #tpu.memory_space<vmem>>
        %dma_wait3A_105 = arith.constant 0 : i32
        %dma_wait3A_106 = tpu.memref_slice %arg14[%add3A_73, %dma_wait3A_105] : memref<10112x128xf32, #tpu.memory_space<vmem_shared>> -> memref<128x128xf32, #tpu.memory_space<vmem_shared>>
        tpu.wait_dma2 semaphore(%run_scoped3A : memref<!tpu.dma_semaphore, #tpu.memory_space<semaphore_mem>>) src(%dma_wait3A_106 : memref<128x128xf32, #tpu.memory_space<vmem_shared>>) dst(%dma_wait3A_104 : memref<128x128xf32, #tpu.memory_space<vmem>>)
        tpu.yield
      }) : () -> ()
      %add3A_74 = arith.constant 128 : i32
      %add3A_75 = arith.addi %mul3A_0, %add3A_74 : i32
      "tpu.region"() ({
        %run_scoped3A = tpu.sem_alloc : memref<!tpu.dma_semaphore, #tpu.memory_space<semaphore_mem>>
        %dma_start3A = arith.constant 0 : i32
        %dma_start3A_88 = arith.constant 0 : i32
        %dma_start3A_89 = tpu.memref_slice %arg18[%dma_start3A, %dma_start3A_88] : memref<128x128xf32, #tpu.memory_space<vmem>> -> memref<128x128xf32, #tpu.memory_space<vmem>>
        %dma_start3A_90 = arith.constant 0 : i32
        %dma_start3A_91 = tpu.memref_slice %arg10[%add3A_75, %dma_start3A_90] : memref<10112x128xf32, #tpu.memory_space<hbm>> -> memref<128x128xf32, #tpu.memory_space<hbm>>
        %dma_start3A_92 = arith.constant 0 : i32
        %dma_start3A_93 = tpu.memref_slice %arg10[%add3A_75, %dma_start3A_92] : memref<10112x128xf32, #tpu.memory_space<hbm>> -> memref<128x128xf32, #tpu.memory_space<hbm>>
        %dma_start3A_94 = arith.constant 0 : i32
        %dma_start3A_95 = arith.constant 0 : i32
        %dma_start3A_96 = tpu.memref_slice %arg18[%dma_start3A_94, %dma_start3A_95] : memref<128x128xf32, #tpu.memory_space<vmem>> -> memref<128x128xf32, #tpu.memory_space<vmem>>
        tpu.enqueue_dma source(%dma_start3A_96 : memref<128x128xf32, #tpu.memory_space<vmem>>) target(%dma_start3A_93 : memref<128x128xf32, #tpu.memory_space<hbm>>) target_semaphore(%run_scoped3A : memref<!tpu.dma_semaphore, #tpu.memory_space<semaphore_mem>>)
        %dma_wait3A_97 = arith.constant 0 : i32
        %dma_wait3A_98 = arith.constant 0 : i32
        %dma_wait3A_99 = tpu.memref_slice %arg18[%dma_wait3A_97, %dma_wait3A_98] : memref<128x128xf32, #tpu.memory_space<vmem>> -> memref<128x128xf32, #tpu.memory_space<vmem>>
        %dma_wait3A_100 = arith.constant 0 : i32
        %dma_wait3A_101 = tpu.memref_slice %arg10[%add3A_75, %dma_wait3A_100] : memref<10112x128xf32, #tpu.memory_space<hbm>> -> memref<128x128xf32, #tpu.memory_space<hbm>>
        %dma_wait3A_102 = arith.constant 0 : i32
        %dma_wait3A_103 = tpu.memref_slice %arg10[%add3A_75, %dma_wait3A_102] : memref<10112x128xf32, #tpu.memory_space<hbm>> -> memref<128x128xf32, #tpu.memory_space<hbm>>
        %dma_wait3A_104 = arith.constant 0 : i32
        %dma_wait3A_105 = arith.constant 0 : i32
        %dma_wait3A_106 = tpu.memref_slice %arg18[%dma_wait3A_104, %dma_wait3A_105] : memref<128x128xf32, #tpu.memory_space<vmem>> -> memref<128x128xf32, #tpu.memory_space<vmem>>
        tpu.wait_dma2 semaphore(%run_scoped3A : memref<!tpu.dma_semaphore, #tpu.memory_space<semaphore_mem>>) src(%dma_wait3A_106 : memref<128x128xf32, #tpu.memory_space<vmem>>) dst(%dma_wait3A_103 : memref<128x128xf32, #tpu.memory_space<hbm>>)
        tpu.yield
      }) : () -> ()
      %add3A_76 = arith.constant 256 : i32
      %add3A_77 = arith.addi %mul3A_0, %add3A_76 : i32
      "tpu.region"() ({
        %run_scoped3A = tpu.sem_alloc : memref<!tpu.dma_semaphore, #tpu.memory_space<semaphore_mem>>
        %dma_start3A = arith.constant 0 : i32
        %dma_start3A_88 = arith.constant 0 : i32
        %dma_start3A_89 = tpu.memref_slice %arg18[%dma_start3A, %dma_start3A_88] : memref<128x128xf32, #tpu.memory_space<vmem>> -> memref<128x128xf32, #tpu.memory_space<vmem>>
        %dma_start3A_90 = arith.constant 0 : i32
        %dma_start3A_91 = tpu.memref_slice %arg14[%add3A_77, %dma_start3A_90] : memref<10112x128xf32, #tpu.memory_space<vmem_shared>> -> memref<128x128xf32, #tpu.memory_space<vmem_shared>>
        %dma_start3A_92 = arith.constant 0 : i32
        %dma_start3A_93 = arith.constant 0 : i32
        %dma_start3A_94 = tpu.memref_slice %arg18[%dma_start3A_92, %dma_start3A_93] : memref<128x128xf32, #tpu.memory_space<vmem>> -> memref<128x128xf32, #tpu.memory_space<vmem>>
        %dma_start3A_95 = arith.constant 0 : i32
        %dma_start3A_96 = tpu.memref_slice %arg14[%add3A_77, %dma_start3A_95] : memref<10112x128xf32, #tpu.memory_space<vmem_shared>> -> memref<128x128xf32, #tpu.memory_space<vmem_shared>>
        tpu.enqueue_dma source(%dma_start3A_96 : memref<128x128xf32, #tpu.memory_space<vmem_shared>>) target(%dma_start3A_94 : memref<128x128xf32, #tpu.memory_space<vmem>>) target_semaphore(%run_scoped3A : memref<!tpu.dma_semaphore, #tpu.memory_space<semaphore_mem>>)
        %dma_wait3A_97 = arith.constant 0 : i32
        %dma_wait3A_98 = arith.constant 0 : i32
        %dma_wait3A_99 = tpu.memref_slice %arg18[%dma_wait3A_97, %dma_wait3A_98] : memref<128x128xf32, #tpu.memory_space<vmem>> -> memref<128x128xf32, #tpu.memory_space<vmem>>
        %dma_wait3A_100 = arith.constant 0 : i32
        %dma_wait3A_101 = tpu.memref_slice %arg14[%add3A_77, %dma_wait3A_100] : memref<10112x128xf32, #tpu.memory_space<vmem_shared>> -> memref<128x128xf32, #tpu.memory_space<vmem_shared>>
        %dma_wait3A_102 = arith.constant 0 : i32
        %dma_wait3A_103 = arith.constant 0 : i32
        %dma_wait3A_104 = tpu.memref_slice %arg18[%dma_wait3A_102, %dma_wait3A_103] : memref<128x128xf32, #tpu.memory_space<vmem>> -> memref<128x128xf32, #tpu.memory_space<vmem>>
        %dma_wait3A_105 = arith.constant 0 : i32
        %dma_wait3A_106 = tpu.memref_slice %arg14[%add3A_77, %dma_wait3A_105] : memref<10112x128xf32, #tpu.memory_space<vmem_shared>> -> memref<128x128xf32, #tpu.memory_space<vmem_shared>>
        tpu.wait_dma2 semaphore(%run_scoped3A : memref<!tpu.dma_semaphore, #tpu.memory_space<semaphore_mem>>) src(%dma_wait3A_106 : memref<128x128xf32, #tpu.memory_space<vmem_shared>>) dst(%dma_wait3A_104 : memref<128x128xf32, #tpu.memory_space<vmem>>)
        tpu.yield
      }) : () -> ()
      %add3A_78 = arith.constant 256 : i32
      %add3A_79 = arith.addi %mul3A_0, %add3A_78 : i32
      "tpu.region"() ({
        %run_scoped3A = tpu.sem_alloc : memref<!tpu.dma_semaphore, #tpu.memory_space<semaphore_mem>>
        %dma_start3A = arith.constant 0 : i32
        %dma_start3A_88 = arith.constant 0 : i32
        %dma_start3A_89 = tpu.memref_slice %arg18[%dma_start3A, %dma_start3A_88] : memref<128x128xf32, #tpu.memory_space<vmem>> -> memref<128x128xf32, #tpu.memory_space<vmem>>
        %dma_start3A_90 = arith.constant 0 : i32
        %dma_start3A_91 = tpu.memref_slice %arg10[%add3A_79, %dma_start3A_90] : memref<10112x128xf32, #tpu.memory_space<hbm>> -> memref<128x128xf32, #tpu.memory_space<hbm>>
        %dma_start3A_92 = arith.constant 0 : i32
        %dma_start3A_93 = tpu.memref_slice %arg10[%add3A_79, %dma_start3A_92] : memref<10112x128xf32, #tpu.memory_space<hbm>> -> memref<128x128xf32, #tpu.memory_space<hbm>>
        %dma_start3A_94 = arith.constant 0 : i32
        %dma_start3A_95 = arith.constant 0 : i32
        %dma_start3A_96 = tpu.memref_slice %arg18[%dma_start3A_94, %dma_start3A_95] : memref<128x128xf32, #tpu.memory_space<vmem>> -> memref<128x128xf32, #tpu.memory_space<vmem>>
        tpu.enqueue_dma source(%dma_start3A_96 : memref<128x128xf32, #tpu.memory_space<vmem>>) target(%dma_start3A_93 : memref<128x128xf32, #tpu.memory_space<hbm>>) target_semaphore(%run_scoped3A : memref<!tpu.dma_semaphore, #tpu.memory_space<semaphore_mem>>)
        %dma_wait3A_97 = arith.constant 0 : i32
        %dma_wait3A_98 = arith.constant 0 : i32
        %dma_wait3A_99 = tpu.memref_slice %arg18[%dma_wait3A_97, %dma_wait3A_98] : memref<128x128xf32, #tpu.memory_space<vmem>> -> memref<128x128xf32, #tpu.memory_space<vmem>>
        %dma_wait3A_100 = arith.constant 0 : i32
        %dma_wait3A_101 = tpu.memref_slice %arg10[%add3A_79, %dma_wait3A_100] : memref<10112x128xf32, #tpu.memory_space<hbm>> -> memref<128x128xf32, #tpu.memory_space<hbm>>
        %dma_wait3A_102 = arith.constant 0 : i32
        %dma_wait3A_103 = tpu.memref_slice %arg10[%add3A_79, %dma_wait3A_102] : memref<10112x128xf32, #tpu.memory_space<hbm>> -> memref<128x128xf32, #tpu.memory_space<hbm>>
        %dma_wait3A_104 = arith.constant 0 : i32
        %dma_wait3A_105 = arith.constant 0 : i32
        %dma_wait3A_106 = tpu.memref_slice %arg18[%dma_wait3A_104, %dma_wait3A_105] : memref<128x128xf32, #tpu.memory_space<vmem>> -> memref<128x128xf32, #tpu.memory_space<vmem>>
        tpu.wait_dma2 semaphore(%run_scoped3A : memref<!tpu.dma_semaphore, #tpu.memory_space<semaphore_mem>>) src(%dma_wait3A_106 : memref<128x128xf32, #tpu.memory_space<vmem>>) dst(%dma_wait3A_103 : memref<128x128xf32, #tpu.memory_space<hbm>>)
        tpu.yield
      }) : () -> ()
      %add3A_80 = arith.constant 384 : i32
      %add3A_81 = arith.addi %mul3A_0, %add3A_80 : i32
      "tpu.region"() ({
        %run_scoped3A = tpu.sem_alloc : memref<!tpu.dma_semaphore, #tpu.memory_space<semaphore_mem>>
        %dma_start3A = arith.constant 0 : i32
        %dma_start3A_88 = arith.constant 0 : i32
        %dma_start3A_89 = tpu.memref_slice %arg18[%dma_start3A, %dma_start3A_88] : memref<128x128xf32, #tpu.memory_space<vmem>> -> memref<128x128xf32, #tpu.memory_space<vmem>>
        %dma_start3A_90 = arith.constant 0 : i32
        %dma_start3A_91 = tpu.memref_slice %arg14[%add3A_81, %dma_start3A_90] : memref<10112x128xf32, #tpu.memory_space<vmem_shared>> -> memref<128x128xf32, #tpu.memory_space<vmem_shared>>
        %dma_start3A_92 = arith.constant 0 : i32
        %dma_start3A_93 = arith.constant 0 : i32
        %dma_start3A_94 = tpu.memref_slice %arg18[%dma_start3A_92, %dma_start3A_93] : memref<128x128xf32, #tpu.memory_space<vmem>> -> memref<128x128xf32, #tpu.memory_space<vmem>>
        %dma_start3A_95 = arith.constant 0 : i32
        %dma_start3A_96 = tpu.memref_slice %arg14[%add3A_81, %dma_start3A_95] : memref<10112x128xf32, #tpu.memory_space<vmem_shared>> -> memref<128x128xf32, #tpu.memory_space<vmem_shared>>
        tpu.enqueue_dma source(%dma_start3A_96 : memref<128x128xf32, #tpu.memory_space<vmem_shared>>) target(%dma_start3A_94 : memref<128x128xf32, #tpu.memory_space<vmem>>) target_semaphore(%run_scoped3A : memref<!tpu.dma_semaphore, #tpu.memory_space<semaphore_mem>>)
        %dma_wait3A_97 = arith.constant 0 : i32
        %dma_wait3A_98 = arith.constant 0 : i32
        %dma_wait3A_99 = tpu.memref_slice %arg18[%dma_wait3A_97, %dma_wait3A_98] : memref<128x128xf32, #tpu.memory_space<vmem>> -> memref<128x128xf32, #tpu.memory_space<vmem>>
        %dma_wait3A_100 = arith.constant 0 : i32
        %dma_wait3A_101 = tpu.memref_slice %arg14[%add3A_81, %dma_wait3A_100] : memref<10112x128xf32, #tpu.memory_space<vmem_shared>> -> memref<128x128xf32, #tpu.memory_space<vmem_shared>>
        %dma_wait3A_102 = arith.constant 0 : i32
        %dma_wait3A_103 = arith.constant 0 : i32
        %dma_wait3A_104 = tpu.memref_slice %arg18[%dma_wait3A_102, %dma_wait3A_103] : memref<128x128xf32, #tpu.memory_space<vmem>> -> memref<128x128xf32, #tpu.memory_space<vmem>>
        %dma_wait3A_105 = arith.constant 0 : i32
        %dma_wait3A_106 = tpu.memref_slice %arg14[%add3A_81, %dma_wait3A_105] : memref<10112x128xf32, #tpu.memory_space<vmem_shared>> -> memref<128x128xf32, #tpu.memory_space<vmem_shared>>
        tpu.wait_dma2 semaphore(%run_scoped3A : memref<!tpu.dma_semaphore, #tpu.memory_space<semaphore_mem>>) src(%dma_wait3A_106 : memref<128x128xf32, #tpu.memory_space<vmem_shared>>) dst(%dma_wait3A_104 : memref<128x128xf32, #tpu.memory_space<vmem>>)
        tpu.yield
      }) : () -> ()
      %add3A_82 = arith.constant 384 : i32
      %add3A_83 = arith.addi %mul3A_0, %add3A_82 : i32
      "tpu.region"() ({
        %run_scoped3A = tpu.sem_alloc : memref<!tpu.dma_semaphore, #tpu.memory_space<semaphore_mem>>
        %dma_start3A = arith.constant 0 : i32
        %dma_start3A_88 = arith.constant 0 : i32
        %dma_start3A_89 = tpu.memref_slice %arg18[%dma_start3A, %dma_start3A_88] : memref<128x128xf32, #tpu.memory_space<vmem>> -> memref<128x128xf32, #tpu.memory_space<vmem>>
        %dma_start3A_90 = arith.constant 0 : i32
        %dma_start3A_91 = tpu.memref_slice %arg10[%add3A_83, %dma_start3A_90] : memref<10112x128xf32, #tpu.memory_space<hbm>> -> memref<128x128xf32, #tpu.memory_space<hbm>>
        %dma_start3A_92 = arith.constant 0 : i32
        %dma_start3A_93 = tpu.memref_slice %arg10[%add3A_83, %dma_start3A_92] : memref<10112x128xf32, #tpu.memory_space<hbm>> -> memref<128x128xf32, #tpu.memory_space<hbm>>
        %dma_start3A_94 = arith.constant 0 : i32
        %dma_start3A_95 = arith.constant 0 : i32
        %dma_start3A_96 = tpu.memref_slice %arg18[%dma_start3A_94, %dma_start3A_95] : memref<128x128xf32, #tpu.memory_space<vmem>> -> memref<128x128xf32, #tpu.memory_space<vmem>>
        tpu.enqueue_dma source(%dma_start3A_96 : memref<128x128xf32, #tpu.memory_space<vmem>>) target(%dma_start3A_93 : memref<128x128xf32, #tpu.memory_space<hbm>>) target_semaphore(%run_scoped3A : memref<!tpu.dma_semaphore, #tpu.memory_space<semaphore_mem>>)
        %dma_wait3A_97 = arith.constant 0 : i32
        %dma_wait3A_98 = arith.constant 0 : i32
        %dma_wait3A_99 = tpu.memref_slice %arg18[%dma_wait3A_97, %dma_wait3A_98] : memref<128x128xf32, #tpu.memory_space<vmem>> -> memref<128x128xf32, #tpu.memory_space<vmem>>
        %dma_wait3A_100 = arith.constant 0 : i32
        %dma_wait3A_101 = tpu.memref_slice %arg10[%add3A_83, %dma_wait3A_100] : memref<10112x128xf32, #tpu.memory_space<hbm>> -> memref<128x128xf32, #tpu.memory_space<hbm>>
        %dma_wait3A_102 = arith.constant 0 : i32
        %dma_wait3A_103 = tpu.memref_slice %arg10[%add3A_83, %dma_wait3A_102] : memref<10112x128xf32, #tpu.memory_space<hbm>> -> memref<128x128xf32, #tpu.memory_space<hbm>>
        %dma_wait3A_104 = arith.constant 0 : i32
        %dma_wait3A_105 = arith.constant 0 : i32
        %dma_wait3A_106 = tpu.memref_slice %arg18[%dma_wait3A_104, %dma_wait3A_105] : memref<128x128xf32, #tpu.memory_space<vmem>> -> memref<128x128xf32, #tpu.memory_space<vmem>>
        tpu.wait_dma2 semaphore(%run_scoped3A : memref<!tpu.dma_semaphore, #tpu.memory_space<semaphore_mem>>) src(%dma_wait3A_106 : memref<128x128xf32, #tpu.memory_space<vmem>>) dst(%dma_wait3A_103 : memref<128x128xf32, #tpu.memory_space<hbm>>)
        tpu.yield
      }) : () -> ()
      %add3A_84 = arith.constant 512 : i32
      %add3A_85 = arith.addi %mul3A_0, %add3A_84 : i32
      "tpu.region"() ({
        %run_scoped3A = tpu.sem_alloc : memref<!tpu.dma_semaphore, #tpu.memory_space<semaphore_mem>>
        %dma_start3A = arith.constant 0 : i32
        %dma_start3A_88 = arith.constant 0 : i32
        %dma_start3A_89 = tpu.memref_slice %arg18[%dma_start3A, %dma_start3A_88] : memref<128x128xf32, #tpu.memory_space<vmem>> -> memref<120x128xf32, #tpu.memory_space<vmem>>
        %dma_start3A_90 = arith.constant 0 : i32
        %dma_start3A_91 = tpu.memref_slice %arg14[%add3A_85, %dma_start3A_90] : memref<10112x128xf32, #tpu.memory_space<vmem_shared>> -> memref<120x128xf32, #tpu.memory_space<vmem_shared>>
        %dma_start3A_92 = arith.constant 0 : i32
        %dma_start3A_93 = arith.constant 0 : i32
        %dma_start3A_94 = tpu.memref_slice %arg18[%dma_start3A_92, %dma_start3A_93] : memref<128x128xf32, #tpu.memory_space<vmem>> -> memref<120x128xf32, #tpu.memory_space<vmem>>
        %dma_start3A_95 = arith.constant 0 : i32
        %dma_start3A_96 = tpu.memref_slice %arg14[%add3A_85, %dma_start3A_95] : memref<10112x128xf32, #tpu.memory_space<vmem_shared>> -> memref<120x128xf32, #tpu.memory_space<vmem_shared>>
        tpu.enqueue_dma source(%dma_start3A_96 : memref<120x128xf32, #tpu.memory_space<vmem_shared>>) target(%dma_start3A_94 : memref<120x128xf32, #tpu.memory_space<vmem>>) target_semaphore(%run_scoped3A : memref<!tpu.dma_semaphore, #tpu.memory_space<semaphore_mem>>)
        %dma_wait3A_97 = arith.constant 0 : i32
        %dma_wait3A_98 = arith.constant 0 : i32
        %dma_wait3A_99 = tpu.memref_slice %arg18[%dma_wait3A_97, %dma_wait3A_98] : memref<128x128xf32, #tpu.memory_space<vmem>> -> memref<120x128xf32, #tpu.memory_space<vmem>>
        %dma_wait3A_100 = arith.constant 0 : i32
        %dma_wait3A_101 = tpu.memref_slice %arg14[%add3A_85, %dma_wait3A_100] : memref<10112x128xf32, #tpu.memory_space<vmem_shared>> -> memref<120x128xf32, #tpu.memory_space<vmem_shared>>
        %dma_wait3A_102 = arith.constant 0 : i32
        %dma_wait3A_103 = arith.constant 0 : i32
        %dma_wait3A_104 = tpu.memref_slice %arg18[%dma_wait3A_102, %dma_wait3A_103] : memref<128x128xf32, #tpu.memory_space<vmem>> -> memref<120x128xf32, #tpu.memory_space<vmem>>
        %dma_wait3A_105 = arith.constant 0 : i32
        %dma_wait3A_106 = tpu.memref_slice %arg14[%add3A_85, %dma_wait3A_105] : memref<10112x128xf32, #tpu.memory_space<vmem_shared>> -> memref<120x128xf32, #tpu.memory_space<vmem_shared>>
        tpu.wait_dma2 semaphore(%run_scoped3A : memref<!tpu.dma_semaphore, #tpu.memory_space<semaphore_mem>>) src(%dma_wait3A_106 : memref<120x128xf32, #tpu.memory_space<vmem_shared>>) dst(%dma_wait3A_104 : memref<120x128xf32, #tpu.memory_space<vmem>>)
        tpu.yield
      }) : () -> ()
      %add3A_86 = arith.constant 512 : i32
      %add3A_87 = arith.addi %mul3A_0, %add3A_86 : i32
      "tpu.region"() ({
        %run_scoped3A = tpu.sem_alloc : memref<!tpu.dma_semaphore, #tpu.memory_space<semaphore_mem>>
        %dma_start3A = arith.constant 0 : i32
        %dma_start3A_88 = arith.constant 0 : i32
        %dma_start3A_89 = tpu.memref_slice %arg18[%dma_start3A, %dma_start3A_88] : memref<128x128xf32, #tpu.memory_space<vmem>> -> memref<120x128xf32, #tpu.memory_space<vmem>>
        %dma_start3A_90 = arith.constant 0 : i32
        %dma_start3A_91 = tpu.memref_slice %arg10[%add3A_87, %dma_start3A_90] : memref<10112x128xf32, #tpu.memory_space<hbm>> -> memref<120x128xf32, #tpu.memory_space<hbm>>
        %dma_start3A_92 = arith.constant 0 : i32
        %dma_start3A_93 = tpu.memref_slice %arg10[%add3A_87, %dma_start3A_92] : memref<10112x128xf32, #tpu.memory_space<hbm>> -> memref<120x128xf32, #tpu.memory_space<hbm>>
        %dma_start3A_94 = arith.constant 0 : i32
        %dma_start3A_95 = arith.constant 0 : i32
        %dma_start3A_96 = tpu.memref_slice %arg18[%dma_start3A_94, %dma_start3A_95] : memref<128x128xf32, #tpu.memory_space<vmem>> -> memref<120x128xf32, #tpu.memory_space<vmem>>
        tpu.enqueue_dma source(%dma_start3A_96 : memref<120x128xf32, #tpu.memory_space<vmem>>) target(%dma_start3A_93 : memref<120x128xf32, #tpu.memory_space<hbm>>) target_semaphore(%run_scoped3A : memref<!tpu.dma_semaphore, #tpu.memory_space<semaphore_mem>>)
        %dma_wait3A_97 = arith.constant 0 : i32
        %dma_wait3A_98 = arith.constant 0 : i32
        %dma_wait3A_99 = tpu.memref_slice %arg18[%dma_wait3A_97, %dma_wait3A_98] : memref<128x128xf32, #tpu.memory_space<vmem>> -> memref<120x128xf32, #tpu.memory_space<vmem>>
        %dma_wait3A_100 = arith.constant 0 : i32
        %dma_wait3A_101 = tpu.memref_slice %arg10[%add3A_87, %dma_wait3A_100] : memref<10112x128xf32, #tpu.memory_space<hbm>> -> memref<120x128xf32, #tpu.memory_space<hbm>>
        %dma_wait3A_102 = arith.constant 0 : i32
        %dma_wait3A_103 = tpu.memref_slice %arg10[%add3A_87, %dma_wait3A_102] : memref<10112x128xf32, #tpu.memory_space<hbm>> -> memref<120x128xf32, #tpu.memory_space<hbm>>
        %dma_wait3A_104 = arith.constant 0 : i32
        %dma_wait3A_105 = arith.constant 0 : i32
        %dma_wait3A_106 = tpu.memref_slice %arg18[%dma_wait3A_104, %dma_wait3A_105] : memref<128x128xf32, #tpu.memory_space<vmem>> -> memref<120x128xf32, #tpu.memory_space<vmem>>
        tpu.wait_dma2 semaphore(%run_scoped3A : memref<!tpu.dma_semaphore, #tpu.memory_space<semaphore_mem>>) src(%dma_wait3A_106 : memref<120x128xf32, #tpu.memory_space<vmem>>) dst(%dma_wait3A_103 : memref<120x128xf32, #tpu.memory_space<hbm>>)
        tpu.yield
      }) : () -> ()
    } else {
    }
    %eq3A_23 = arith.constant 1 : i32
    %eq3A_24 = arith.cmpi eq, %arg0, %eq3A_23 : i32
    %convert_element_type3A_25 = arith.extui %eq3A_24 : i1 to i32
    %cond3A_26 = arith.constant 0 : i32
    %cond3A_27 = arith.cmpi ne, %convert_element_type3A_25, %cond3A_26 : i32
    scf.if %cond3A_27 {
      %add3A_68 = arith.constant 0 : i32
      %add3A_69 = arith.addi %mul3A_0, %add3A_68 : i32
      "tpu.region"() ({
        %run_scoped3A = tpu.sem_alloc : memref<!tpu.dma_semaphore, #tpu.memory_space<semaphore_mem>>
        %dma_start3A = arith.constant 0 : i32
        %dma_start3A_88 = arith.constant 0 : i32
        %dma_start3A_89 = tpu.memref_slice %arg18[%dma_start3A, %dma_start3A_88] : memref<128x128xf32, #tpu.memory_space<vmem>> -> memref<128x128xf32, #tpu.memory_space<vmem>>
        %dma_start3A_90 = arith.constant 0 : i32
        %dma_start3A_91 = tpu.memref_slice %arg14[%add3A_69, %dma_start3A_90] : memref<10112x128xf32, #tpu.memory_space<vmem_shared>> -> memref<128x128xf32, #tpu.memory_space<vmem_shared>>
        %dma_start3A_92 = arith.constant 0 : i32
        %dma_start3A_93 = arith.constant 0 : i32
        %dma_start3A_94 = tpu.memref_slice %arg18[%dma_start3A_92, %dma_start3A_93] : memref<128x128xf32, #tpu.memory_space<vmem>> -> memref<128x128xf32, #tpu.memory_space<vmem>>
        %dma_start3A_95 = arith.constant 0 : i32
        %dma_start3A_96 = tpu.memref_slice %arg14[%add3A_69, %dma_start3A_95] : memref<10112x128xf32, #tpu.memory_space<vmem_shared>> -> memref<128x128xf32, #tpu.memory_space<vmem_shared>>
        tpu.enqueue_dma source(%dma_start3A_96 : memref<128x128xf32, #tpu.memory_space<vmem_shared>>) target(%dma_start3A_94 : memref<128x128xf32, #tpu.memory_space<vmem>>) target_semaphore(%run_scoped3A : memref<!tpu.dma_semaphore, #tpu.memory_space<semaphore_mem>>)
        %dma_wait3A_97 = arith.constant 0 : i32
        %dma_wait3A_98 = arith.constant 0 : i32
        %dma_wait3A_99 = tpu.memref_slice %arg18[%dma_wait3A_97, %dma_wait3A_98] : memref<128x128xf32, #tpu.memory_space<vmem>> -> memref<128x128xf32, #tpu.memory_space<vmem>>
        %dma_wait3A_100 = arith.constant 0 : i32
        %dma_wait3A_101 = tpu.memref_slice %arg14[%add3A_69, %dma_wait3A_100] : memref<10112x128xf32, #tpu.memory_space<vmem_shared>> -> memref<128x128xf32, #tpu.memory_space<vmem_shared>>
        %dma_wait3A_102 = arith.constant 0 : i32
        %dma_wait3A_103 = arith.constant 0 : i32
        %dma_wait3A_104 = tpu.memref_slice %arg18[%dma_wait3A_102, %dma_wait3A_103] : memref<128x128xf32, #tpu.memory_space<vmem>> -> memref<128x128xf32, #tpu.memory_space<vmem>>
        %dma_wait3A_105 = arith.constant 0 : i32
        %dma_wait3A_106 = tpu.memref_slice %arg14[%add3A_69, %dma_wait3A_105] : memref<10112x128xf32, #tpu.memory_space<vmem_shared>> -> memref<128x128xf32, #tpu.memory_space<vmem_shared>>
        tpu.wait_dma2 semaphore(%run_scoped3A : memref<!tpu.dma_semaphore, #tpu.memory_space<semaphore_mem>>) src(%dma_wait3A_106 : memref<128x128xf32, #tpu.memory_space<vmem_shared>>) dst(%dma_wait3A_104 : memref<128x128xf32, #tpu.memory_space<vmem>>)
        tpu.yield
      }) : () -> ()
      %add3A_70 = arith.constant 0 : i32
      %add3A_71 = arith.addi %mul3A_0, %add3A_70 : i32
      "tpu.region"() ({
        %run_scoped3A = tpu.sem_alloc : memref<!tpu.dma_semaphore, #tpu.memory_space<semaphore_mem>>
        %dma_start3A = arith.constant 0 : i32
        %dma_start3A_88 = arith.constant 0 : i32
        %dma_start3A_89 = tpu.memref_slice %arg18[%dma_start3A, %dma_start3A_88] : memref<128x128xf32, #tpu.memory_space<vmem>> -> memref<128x128xf32, #tpu.memory_space<vmem>>
        %dma_start3A_90 = arith.constant 0 : i32
        %dma_start3A_91 = tpu.memref_slice %arg12[%add3A_71, %dma_start3A_90] : memref<10112x128xf32, #tpu.memory_space<hbm>> -> memref<128x128xf32, #tpu.memory_space<hbm>>
        %dma_start3A_92 = arith.constant 0 : i32
        %dma_start3A_93 = tpu.memref_slice %arg12[%add3A_71, %dma_start3A_92] : memref<10112x128xf32, #tpu.memory_space<hbm>> -> memref<128x128xf32, #tpu.memory_space<hbm>>
        %dma_start3A_94 = arith.constant 0 : i32
        %dma_start3A_95 = arith.constant 0 : i32
        %dma_start3A_96 = tpu.memref_slice %arg18[%dma_start3A_94, %dma_start3A_95] : memref<128x128xf32, #tpu.memory_space<vmem>> -> memref<128x128xf32, #tpu.memory_space<vmem>>
        tpu.enqueue_dma source(%dma_start3A_96 : memref<128x128xf32, #tpu.memory_space<vmem>>) target(%dma_start3A_93 : memref<128x128xf32, #tpu.memory_space<hbm>>) target_semaphore(%run_scoped3A : memref<!tpu.dma_semaphore, #tpu.memory_space<semaphore_mem>>)
        %dma_wait3A_97 = arith.constant 0 : i32
        %dma_wait3A_98 = arith.constant 0 : i32
        %dma_wait3A_99 = tpu.memref_slice %arg18[%dma_wait3A_97, %dma_wait3A_98] : memref<128x128xf32, #tpu.memory_space<vmem>> -> memref<128x128xf32, #tpu.memory_space<vmem>>
        %dma_wait3A_100 = arith.constant 0 : i32
        %dma_wait3A_101 = tpu.memref_slice %arg12[%add3A_71, %dma_wait3A_100] : memref<10112x128xf32, #tpu.memory_space<hbm>> -> memref<128x128xf32, #tpu.memory_space<hbm>>
        %dma_wait3A_102 = arith.constant 0 : i32
        %dma_wait3A_103 = tpu.memref_slice %arg12[%add3A_71, %dma_wait3A_102] : memref<10112x128xf32, #tpu.memory_space<hbm>> -> memref<128x128xf32, #tpu.memory_space<hbm>>
        %dma_wait3A_104 = arith.constant 0 : i32
        %dma_wait3A_105 = arith.constant 0 : i32
        %dma_wait3A_106 = tpu.memref_slice %arg18[%dma_wait3A_104, %dma_wait3A_105] : memref<128x128xf32, #tpu.memory_space<vmem>> -> memref<128x128xf32, #tpu.memory_space<vmem>>
        tpu.wait_dma2 semaphore(%run_scoped3A : memref<!tpu.dma_semaphore, #tpu.memory_space<semaphore_mem>>) src(%dma_wait3A_106 : memref<128x128xf32, #tpu.memory_space<vmem>>) dst(%dma_wait3A_103 : memref<128x128xf32, #tpu.memory_space<hbm>>)
        tpu.yield
      }) : () -> ()
      %add3A_72 = arith.constant 128 : i32
      %add3A_73 = arith.addi %mul3A_0, %add3A_72 : i32
      "tpu.region"() ({
        %run_scoped3A = tpu.sem_alloc : memref<!tpu.dma_semaphore, #tpu.memory_space<semaphore_mem>>
        %dma_start3A = arith.constant 0 : i32
        %dma_start3A_88 = arith.constant 0 : i32
        %dma_start3A_89 = tpu.memref_slice %arg18[%dma_start3A, %dma_start3A_88] : memref<128x128xf32, #tpu.memory_space<vmem>> -> memref<128x128xf32, #tpu.memory_space<vmem>>
        %dma_start3A_90 = arith.constant 0 : i32
        %dma_start3A_91 = tpu.memref_slice %arg14[%add3A_73, %dma_start3A_90] : memref<10112x128xf32, #tpu.memory_space<vmem_shared>> -> memref<128x128xf32, #tpu.memory_space<vmem_shared>>
        %dma_start3A_92 = arith.constant 0 : i32
        %dma_start3A_93 = arith.constant 0 : i32
        %dma_start3A_94 = tpu.memref_slice %arg18[%dma_start3A_92, %dma_start3A_93] : memref<128x128xf32, #tpu.memory_space<vmem>> -> memref<128x128xf32, #tpu.memory_space<vmem>>
        %dma_start3A_95 = arith.constant 0 : i32
        %dma_start3A_96 = tpu.memref_slice %arg14[%add3A_73, %dma_start3A_95] : memref<10112x128xf32, #tpu.memory_space<vmem_shared>> -> memref<128x128xf32, #tpu.memory_space<vmem_shared>>
        tpu.enqueue_dma source(%dma_start3A_96 : memref<128x128xf32, #tpu.memory_space<vmem_shared>>) target(%dma_start3A_94 : memref<128x128xf32, #tpu.memory_space<vmem>>) target_semaphore(%run_scoped3A : memref<!tpu.dma_semaphore, #tpu.memory_space<semaphore_mem>>)
        %dma_wait3A_97 = arith.constant 0 : i32
        %dma_wait3A_98 = arith.constant 0 : i32
        %dma_wait3A_99 = tpu.memref_slice %arg18[%dma_wait3A_97, %dma_wait3A_98] : memref<128x128xf32, #tpu.memory_space<vmem>> -> memref<128x128xf32, #tpu.memory_space<vmem>>
        %dma_wait3A_100 = arith.constant 0 : i32
        %dma_wait3A_101 = tpu.memref_slice %arg14[%add3A_73, %dma_wait3A_100] : memref<10112x128xf32, #tpu.memory_space<vmem_shared>> -> memref<128x128xf32, #tpu.memory_space<vmem_shared>>
        %dma_wait3A_102 = arith.constant 0 : i32
        %dma_wait3A_103 = arith.constant 0 : i32
        %dma_wait3A_104 = tpu.memref_slice %arg18[%dma_wait3A_102, %dma_wait3A_103] : memref<128x128xf32, #tpu.memory_space<vmem>> -> memref<128x128xf32, #tpu.memory_space<vmem>>
        %dma_wait3A_105 = arith.constant 0 : i32
        %dma_wait3A_106 = tpu.memref_slice %arg14[%add3A_73, %dma_wait3A_105] : memref<10112x128xf32, #tpu.memory_space<vmem_shared>> -> memref<128x128xf32, #tpu.memory_space<vmem_shared>>
        tpu.wait_dma2 semaphore(%run_scoped3A : memref<!tpu.dma_semaphore, #tpu.memory_space<semaphore_mem>>) src(%dma_wait3A_106 : memref<128x128xf32, #tpu.memory_space<vmem_shared>>) dst(%dma_wait3A_104 : memref<128x128xf32, #tpu.memory_space<vmem>>)
        tpu.yield
      }) : () -> ()
      %add3A_74 = arith.constant 128 : i32
      %add3A_75 = arith.addi %mul3A_0, %add3A_74 : i32
      "tpu.region"() ({
        %run_scoped3A = tpu.sem_alloc : memref<!tpu.dma_semaphore, #tpu.memory_space<semaphore_mem>>
        %dma_start3A = arith.constant 0 : i32
        %dma_start3A_88 = arith.constant 0 : i32
        %dma_start3A_89 = tpu.memref_slice %arg18[%dma_start3A, %dma_start3A_88] : memref<128x128xf32, #tpu.memory_space<vmem>> -> memref<128x128xf32, #tpu.memory_space<vmem>>
        %dma_start3A_90 = arith.constant 0 : i32
        %dma_start3A_91 = tpu.memref_slice %arg12[%add3A_75, %dma_start3A_90] : memref<10112x128xf32, #tpu.memory_space<hbm>> -> memref<128x128xf32, #tpu.memory_space<hbm>>
        %dma_start3A_92 = arith.constant 0 : i32
        %dma_start3A_93 = tpu.memref_slice %arg12[%add3A_75, %dma_start3A_92] : memref<10112x128xf32, #tpu.memory_space<hbm>> -> memref<128x128xf32, #tpu.memory_space<hbm>>
        %dma_start3A_94 = arith.constant 0 : i32
        %dma_start3A_95 = arith.constant 0 : i32
        %dma_start3A_96 = tpu.memref_slice %arg18[%dma_start3A_94, %dma_start3A_95] : memref<128x128xf32, #tpu.memory_space<vmem>> -> memref<128x128xf32, #tpu.memory_space<vmem>>
        tpu.enqueue_dma source(%dma_start3A_96 : memref<128x128xf32, #tpu.memory_space<vmem>>) target(%dma_start3A_93 : memref<128x128xf32, #tpu.memory_space<hbm>>) target_semaphore(%run_scoped3A : memref<!tpu.dma_semaphore, #tpu.memory_space<semaphore_mem>>)
        %dma_wait3A_97 = arith.constant 0 : i32
        %dma_wait3A_98 = arith.constant 0 : i32
        %dma_wait3A_99 = tpu.memref_slice %arg18[%dma_wait3A_97, %dma_wait3A_98] : memref<128x128xf32, #tpu.memory_space<vmem>> -> memref<128x128xf32, #tpu.memory_space<vmem>>
        %dma_wait3A_100 = arith.constant 0 : i32
        %dma_wait3A_101 = tpu.memref_slice %arg12[%add3A_75, %dma_wait3A_100] : memref<10112x128xf32, #tpu.memory_space<hbm>> -> memref<128x128xf32, #tpu.memory_space<hbm>>
        %dma_wait3A_102 = arith.constant 0 : i32
        %dma_wait3A_103 = tpu.memref_slice %arg12[%add3A_75, %dma_wait3A_102] : memref<10112x128xf32, #tpu.memory_space<hbm>> -> memref<128x128xf32, #tpu.memory_space<hbm>>
        %dma_wait3A_104 = arith.constant 0 : i32
        %dma_wait3A_105 = arith.constant 0 : i32
        %dma_wait3A_106 = tpu.memref_slice %arg18[%dma_wait3A_104, %dma_wait3A_105] : memref<128x128xf32, #tpu.memory_space<vmem>> -> memref<128x128xf32, #tpu.memory_space<vmem>>
        tpu.wait_dma2 semaphore(%run_scoped3A : memref<!tpu.dma_semaphore, #tpu.memory_space<semaphore_mem>>) src(%dma_wait3A_106 : memref<128x128xf32, #tpu.memory_space<vmem>>) dst(%dma_wait3A_103 : memref<128x128xf32, #tpu.memory_space<hbm>>)
        tpu.yield
      }) : () -> ()
      %add3A_76 = arith.constant 256 : i32
      %add3A_77 = arith.addi %mul3A_0, %add3A_76 : i32
      "tpu.region"() ({
        %run_scoped3A = tpu.sem_alloc : memref<!tpu.dma_semaphore, #tpu.memory_space<semaphore_mem>>
        %dma_start3A = arith.constant 0 : i32
        %dma_start3A_88 = arith.constant 0 : i32
        %dma_start3A_89 = tpu.memref_slice %arg18[%dma_start3A, %dma_start3A_88] : memref<128x128xf32, #tpu.memory_space<vmem>> -> memref<128x128xf32, #tpu.memory_space<vmem>>
        %dma_start3A_90 = arith.constant 0 : i32
        %dma_start3A_91 = tpu.memref_slice %arg14[%add3A_77, %dma_start3A_90] : memref<10112x128xf32, #tpu.memory_space<vmem_shared>> -> memref<128x128xf32, #tpu.memory_space<vmem_shared>>
        %dma_start3A_92 = arith.constant 0 : i32
        %dma_start3A_93 = arith.constant 0 : i32
        %dma_start3A_94 = tpu.memref_slice %arg18[%dma_start3A_92, %dma_start3A_93] : memref<128x128xf32, #tpu.memory_space<vmem>> -> memref<128x128xf32, #tpu.memory_space<vmem>>
        %dma_start3A_95 = arith.constant 0 : i32
        %dma_start3A_96 = tpu.memref_slice %arg14[%add3A_77, %dma_start3A_95] : memref<10112x128xf32, #tpu.memory_space<vmem_shared>> -> memref<128x128xf32, #tpu.memory_space<vmem_shared>>
        tpu.enqueue_dma source(%dma_start3A_96 : memref<128x128xf32, #tpu.memory_space<vmem_shared>>) target(%dma_start3A_94 : memref<128x128xf32, #tpu.memory_space<vmem>>) target_semaphore(%run_scoped3A : memref<!tpu.dma_semaphore, #tpu.memory_space<semaphore_mem>>)
        %dma_wait3A_97 = arith.constant 0 : i32
        %dma_wait3A_98 = arith.constant 0 : i32
        %dma_wait3A_99 = tpu.memref_slice %arg18[%dma_wait3A_97, %dma_wait3A_98] : memref<128x128xf32, #tpu.memory_space<vmem>> -> memref<128x128xf32, #tpu.memory_space<vmem>>
        %dma_wait3A_100 = arith.constant 0 : i32
        %dma_wait3A_101 = tpu.memref_slice %arg14[%add3A_77, %dma_wait3A_100] : memref<10112x128xf32, #tpu.memory_space<vmem_shared>> -> memref<128x128xf32, #tpu.memory_space<vmem_shared>>
        %dma_wait3A_102 = arith.constant 0 : i32
        %dma_wait3A_103 = arith.constant 0 : i32
        %dma_wait3A_104 = tpu.memref_slice %arg18[%dma_wait3A_102, %dma_wait3A_103] : memref<128x128xf32, #tpu.memory_space<vmem>> -> memref<128x128xf32, #tpu.memory_space<vmem>>
        %dma_wait3A_105 = arith.constant 0 : i32
        %dma_wait3A_106 = tpu.memref_slice %arg14[%add3A_77, %dma_wait3A_105] : memref<10112x128xf32, #tpu.memory_space<vmem_shared>> -> memref<128x128xf32, #tpu.memory_space<vmem_shared>>
        tpu.wait_dma2 semaphore(%run_scoped3A : memref<!tpu.dma_semaphore, #tpu.memory_space<semaphore_mem>>) src(%dma_wait3A_106 : memref<128x128xf32, #tpu.memory_space<vmem_shared>>) dst(%dma_wait3A_104 : memref<128x128xf32, #tpu.memory_space<vmem>>)
        tpu.yield
      }) : () -> ()
      %add3A_78 = arith.constant 256 : i32
      %add3A_79 = arith.addi %mul3A_0, %add3A_78 : i32
      "tpu.region"() ({
        %run_scoped3A = tpu.sem_alloc : memref<!tpu.dma_semaphore, #tpu.memory_space<semaphore_mem>>
        %dma_start3A = arith.constant 0 : i32
        %dma_start3A_88 = arith.constant 0 : i32
        %dma_start3A_89 = tpu.memref_slice %arg18[%dma_start3A, %dma_start3A_88] : memref<128x128xf32, #tpu.memory_space<vmem>> -> memref<128x128xf32, #tpu.memory_space<vmem>>
        %dma_start3A_90 = arith.constant 0 : i32
        %dma_start3A_91 = tpu.memref_slice %arg12[%add3A_79, %dma_start3A_90] : memref<10112x128xf32, #tpu.memory_space<hbm>> -> memref<128x128xf32, #tpu.memory_space<hbm>>
        %dma_start3A_92 = arith.constant 0 : i32
        %dma_start3A_93 = tpu.memref_slice %arg12[%add3A_79, %dma_start3A_92] : memref<10112x128xf32, #tpu.memory_space<hbm>> -> memref<128x128xf32, #tpu.memory_space<hbm>>
        %dma_start3A_94 = arith.constant 0 : i32
        %dma_start3A_95 = arith.constant 0 : i32
        %dma_start3A_96 = tpu.memref_slice %arg18[%dma_start3A_94, %dma_start3A_95] : memref<128x128xf32, #tpu.memory_space<vmem>> -> memref<128x128xf32, #tpu.memory_space<vmem>>
        tpu.enqueue_dma source(%dma_start3A_96 : memref<128x128xf32, #tpu.memory_space<vmem>>) target(%dma_start3A_93 : memref<128x128xf32, #tpu.memory_space<hbm>>) target_semaphore(%run_scoped3A : memref<!tpu.dma_semaphore, #tpu.memory_space<semaphore_mem>>)
        %dma_wait3A_97 = arith.constant 0 : i32
        %dma_wait3A_98 = arith.constant 0 : i32
        %dma_wait3A_99 = tpu.memref_slice %arg18[%dma_wait3A_97, %dma_wait3A_98] : memref<128x128xf32, #tpu.memory_space<vmem>> -> memref<128x128xf32, #tpu.memory_space<vmem>>
        %dma_wait3A_100 = arith.constant 0 : i32
        %dma_wait3A_101 = tpu.memref_slice %arg12[%add3A_79, %dma_wait3A_100] : memref<10112x128xf32, #tpu.memory_space<hbm>> -> memref<128x128xf32, #tpu.memory_space<hbm>>
        %dma_wait3A_102 = arith.constant 0 : i32
        %dma_wait3A_103 = tpu.memref_slice %arg12[%add3A_79, %dma_wait3A_102] : memref<10112x128xf32, #tpu.memory_space<hbm>> -> memref<128x128xf32, #tpu.memory_space<hbm>>
        %dma_wait3A_104 = arith.constant 0 : i32
        %dma_wait3A_105 = arith.constant 0 : i32
        %dma_wait3A_106 = tpu.memref_slice %arg18[%dma_wait3A_104, %dma_wait3A_105] : memref<128x128xf32, #tpu.memory_space<vmem>> -> memref<128x128xf32, #tpu.memory_space<vmem>>
        tpu.wait_dma2 semaphore(%run_scoped3A : memref<!tpu.dma_semaphore, #tpu.memory_space<semaphore_mem>>) src(%dma_wait3A_106 : memref<128x128xf32, #tpu.memory_space<vmem>>) dst(%dma_wait3A_103 : memref<128x128xf32, #tpu.memory_space<hbm>>)
        tpu.yield
      }) : () -> ()
      %add3A_80 = arith.constant 384 : i32
      %add3A_81 = arith.addi %mul3A_0, %add3A_80 : i32
      "tpu.region"() ({
        %run_scoped3A = tpu.sem_alloc : memref<!tpu.dma_semaphore, #tpu.memory_space<semaphore_mem>>
        %dma_start3A = arith.constant 0 : i32
        %dma_start3A_88 = arith.constant 0 : i32
        %dma_start3A_89 = tpu.memref_slice %arg18[%dma_start3A, %dma_start3A_88] : memref<128x128xf32, #tpu.memory_space<vmem>> -> memref<128x128xf32, #tpu.memory_space<vmem>>
        %dma_start3A_90 = arith.constant 0 : i32
        %dma_start3A_91 = tpu.memref_slice %arg14[%add3A_81, %dma_start3A_90] : memref<10112x128xf32, #tpu.memory_space<vmem_shared>> -> memref<128x128xf32, #tpu.memory_space<vmem_shared>>
        %dma_start3A_92 = arith.constant 0 : i32
        %dma_start3A_93 = arith.constant 0 : i32
        %dma_start3A_94 = tpu.memref_slice %arg18[%dma_start3A_92, %dma_start3A_93] : memref<128x128xf32, #tpu.memory_space<vmem>> -> memref<128x128xf32, #tpu.memory_space<vmem>>
        %dma_start3A_95 = arith.constant 0 : i32
        %dma_start3A_96 = tpu.memref_slice %arg14[%add3A_81, %dma_start3A_95] : memref<10112x128xf32, #tpu.memory_space<vmem_shared>> -> memref<128x128xf32, #tpu.memory_space<vmem_shared>>
        tpu.enqueue_dma source(%dma_start3A_96 : memref<128x128xf32, #tpu.memory_space<vmem_shared>>) target(%dma_start3A_94 : memref<128x128xf32, #tpu.memory_space<vmem>>) target_semaphore(%run_scoped3A : memref<!tpu.dma_semaphore, #tpu.memory_space<semaphore_mem>>)
        %dma_wait3A_97 = arith.constant 0 : i32
        %dma_wait3A_98 = arith.constant 0 : i32
        %dma_wait3A_99 = tpu.memref_slice %arg18[%dma_wait3A_97, %dma_wait3A_98] : memref<128x128xf32, #tpu.memory_space<vmem>> -> memref<128x128xf32, #tpu.memory_space<vmem>>
        %dma_wait3A_100 = arith.constant 0 : i32
        %dma_wait3A_101 = tpu.memref_slice %arg14[%add3A_81, %dma_wait3A_100] : memref<10112x128xf32, #tpu.memory_space<vmem_shared>> -> memref<128x128xf32, #tpu.memory_space<vmem_shared>>
        %dma_wait3A_102 = arith.constant 0 : i32
        %dma_wait3A_103 = arith.constant 0 : i32
        %dma_wait3A_104 = tpu.memref_slice %arg18[%dma_wait3A_102, %dma_wait3A_103] : memref<128x128xf32, #tpu.memory_space<vmem>> -> memref<128x128xf32, #tpu.memory_space<vmem>>
        %dma_wait3A_105 = arith.constant 0 : i32
        %dma_wait3A_106 = tpu.memref_slice %arg14[%add3A_81, %dma_wait3A_105] : memref<10112x128xf32, #tpu.memory_space<vmem_shared>> -> memref<128x128xf32, #tpu.memory_space<vmem_shared>>
        tpu.wait_dma2 semaphore(%run_scoped3A : memref<!tpu.dma_semaphore, #tpu.memory_space<semaphore_mem>>) src(%dma_wait3A_106 : memref<128x128xf32, #tpu.memory_space<vmem_shared>>) dst(%dma_wait3A_104 : memref<128x128xf32, #tpu.memory_space<vmem>>)
        tpu.yield
      }) : () -> ()
      %add3A_82 = arith.constant 384 : i32
      %add3A_83 = arith.addi %mul3A_0, %add3A_82 : i32
      "tpu.region"() ({
        %run_scoped3A = tpu.sem_alloc : memref<!tpu.dma_semaphore, #tpu.memory_space<semaphore_mem>>
        %dma_start3A = arith.constant 0 : i32
        %dma_start3A_88 = arith.constant 0 : i32
        %dma_start3A_89 = tpu.memref_slice %arg18[%dma_start3A, %dma_start3A_88] : memref<128x128xf32, #tpu.memory_space<vmem>> -> memref<128x128xf32, #tpu.memory_space<vmem>>
        %dma_start3A_90 = arith.constant 0 : i32
        %dma_start3A_91 = tpu.memref_slice %arg12[%add3A_83, %dma_start3A_90] : memref<10112x128xf32, #tpu.memory_space<hbm>> -> memref<128x128xf32, #tpu.memory_space<hbm>>
        %dma_start3A_92 = arith.constant 0 : i32
        %dma_start3A_93 = tpu.memref_slice %arg12[%add3A_83, %dma_start3A_92] : memref<10112x128xf32, #tpu.memory_space<hbm>> -> memref<128x128xf32, #tpu.memory_space<hbm>>
        %dma_start3A_94 = arith.constant 0 : i32
        %dma_start3A_95 = arith.constant 0 : i32
        %dma_start3A_96 = tpu.memref_slice %arg18[%dma_start3A_94, %dma_start3A_95] : memref<128x128xf32, #tpu.memory_space<vmem>> -> memref<128x128xf32, #tpu.memory_space<vmem>>
        tpu.enqueue_dma source(%dma_start3A_96 : memref<128x128xf32, #tpu.memory_space<vmem>>) target(%dma_start3A_93 : memref<128x128xf32, #tpu.memory_space<hbm>>) target_semaphore(%run_scoped3A : memref<!tpu.dma_semaphore, #tpu.memory_space<semaphore_mem>>)
        %dma_wait3A_97 = arith.constant 0 : i32
        %dma_wait3A_98 = arith.constant 0 : i32
        %dma_wait3A_99 = tpu.memref_slice %arg18[%dma_wait3A_97, %dma_wait3A_98] : memref<128x128xf32, #tpu.memory_space<vmem>> -> memref<128x128xf32, #tpu.memory_space<vmem>>
        %dma_wait3A_100 = arith.constant 0 : i32
        %dma_wait3A_101 = tpu.memref_slice %arg12[%add3A_83, %dma_wait3A_100] : memref<10112x128xf32, #tpu.memory_space<hbm>> -> memref<128x128xf32, #tpu.memory_space<hbm>>
        %dma_wait3A_102 = arith.constant 0 : i32
        %dma_wait3A_103 = tpu.memref_slice %arg12[%add3A_83, %dma_wait3A_102] : memref<10112x128xf32, #tpu.memory_space<hbm>> -> memref<128x128xf32, #tpu.memory_space<hbm>>
        %dma_wait3A_104 = arith.constant 0 : i32
        %dma_wait3A_105 = arith.constant 0 : i32
        %dma_wait3A_106 = tpu.memref_slice %arg18[%dma_wait3A_104, %dma_wait3A_105] : memref<128x128xf32, #tpu.memory_space<vmem>> -> memref<128x128xf32, #tpu.memory_space<vmem>>
        tpu.wait_dma2 semaphore(%run_scoped3A : memref<!tpu.dma_semaphore, #tpu.memory_space<semaphore_mem>>) src(%dma_wait3A_106 : memref<128x128xf32, #tpu.memory_space<vmem>>) dst(%dma_wait3A_103 : memref<128x128xf32, #tpu.memory_space<hbm>>)
        tpu.yield
      }) : () -> ()
      %add3A_84 = arith.constant 512 : i32
      %add3A_85 = arith.addi %mul3A_0, %add3A_84 : i32
      "tpu.region"() ({
        %run_scoped3A = tpu.sem_alloc : memref<!tpu.dma_semaphore, #tpu.memory_space<semaphore_mem>>
        %dma_start3A = arith.constant 0 : i32
        %dma_start3A_88 = arith.constant 0 : i32
        %dma_start3A_89 = tpu.memref_slice %arg18[%dma_start3A, %dma_start3A_88] : memref<128x128xf32, #tpu.memory_space<vmem>> -> memref<120x128xf32, #tpu.memory_space<vmem>>
        %dma_start3A_90 = arith.constant 0 : i32
        %dma_start3A_91 = tpu.memref_slice %arg14[%add3A_85, %dma_start3A_90] : memref<10112x128xf32, #tpu.memory_space<vmem_shared>> -> memref<120x128xf32, #tpu.memory_space<vmem_shared>>
        %dma_start3A_92 = arith.constant 0 : i32
        %dma_start3A_93 = arith.constant 0 : i32
        %dma_start3A_94 = tpu.memref_slice %arg18[%dma_start3A_92, %dma_start3A_93] : memref<128x128xf32, #tpu.memory_space<vmem>> -> memref<120x128xf32, #tpu.memory_space<vmem>>
        %dma_start3A_95 = arith.constant 0 : i32
        %dma_start3A_96 = tpu.memref_slice %arg14[%add3A_85, %dma_start3A_95] : memref<10112x128xf32, #tpu.memory_space<vmem_shared>> -> memref<120x128xf32, #tpu.memory_space<vmem_shared>>
        tpu.enqueue_dma source(%dma_start3A_96 : memref<120x128xf32, #tpu.memory_space<vmem_shared>>) target(%dma_start3A_94 : memref<120x128xf32, #tpu.memory_space<vmem>>) target_semaphore(%run_scoped3A : memref<!tpu.dma_semaphore, #tpu.memory_space<semaphore_mem>>)
        %dma_wait3A_97 = arith.constant 0 : i32
        %dma_wait3A_98 = arith.constant 0 : i32
        %dma_wait3A_99 = tpu.memref_slice %arg18[%dma_wait3A_97, %dma_wait3A_98] : memref<128x128xf32, #tpu.memory_space<vmem>> -> memref<120x128xf32, #tpu.memory_space<vmem>>
        %dma_wait3A_100 = arith.constant 0 : i32
        %dma_wait3A_101 = tpu.memref_slice %arg14[%add3A_85, %dma_wait3A_100] : memref<10112x128xf32, #tpu.memory_space<vmem_shared>> -> memref<120x128xf32, #tpu.memory_space<vmem_shared>>
        %dma_wait3A_102 = arith.constant 0 : i32
        %dma_wait3A_103 = arith.constant 0 : i32
        %dma_wait3A_104 = tpu.memref_slice %arg18[%dma_wait3A_102, %dma_wait3A_103] : memref<128x128xf32, #tpu.memory_space<vmem>> -> memref<120x128xf32, #tpu.memory_space<vmem>>
        %dma_wait3A_105 = arith.constant 0 : i32
        %dma_wait3A_106 = tpu.memref_slice %arg14[%add3A_85, %dma_wait3A_105] : memref<10112x128xf32, #tpu.memory_space<vmem_shared>> -> memref<120x128xf32, #tpu.memory_space<vmem_shared>>
        tpu.wait_dma2 semaphore(%run_scoped3A : memref<!tpu.dma_semaphore, #tpu.memory_space<semaphore_mem>>) src(%dma_wait3A_106 : memref<120x128xf32, #tpu.memory_space<vmem_shared>>) dst(%dma_wait3A_104 : memref<120x128xf32, #tpu.memory_space<vmem>>)
        tpu.yield
      }) : () -> ()
      %add3A_86 = arith.constant 512 : i32
      %add3A_87 = arith.addi %mul3A_0, %add3A_86 : i32
      "tpu.region"() ({
        %run_scoped3A = tpu.sem_alloc : memref<!tpu.dma_semaphore, #tpu.memory_space<semaphore_mem>>
        %dma_start3A = arith.constant 0 : i32
        %dma_start3A_88 = arith.constant 0 : i32
        %dma_start3A_89 = tpu.memref_slice %arg18[%dma_start3A, %dma_start3A_88] : memref<128x128xf32, #tpu.memory_space<vmem>> -> memref<120x128xf32, #tpu.memory_space<vmem>>
        %dma_start3A_90 = arith.constant 0 : i32
        %dma_start3A_91 = tpu.memref_slice %arg12[%add3A_87, %dma_start3A_90] : memref<10112x128xf32, #tpu.memory_space<hbm>> -> memref<120x128xf32, #tpu.memory_space<hbm>>
        %dma_start3A_92 = arith.constant 0 : i32
        %dma_start3A_93 = tpu.memref_slice %arg12[%add3A_87, %dma_start3A_92] : memref<10112x128xf32, #tpu.memory_space<hbm>> -> memref<120x128xf32, #tpu.memory_space<hbm>>
        %dma_start3A_94 = arith.constant 0 : i32
        %dma_start3A_95 = arith.constant 0 : i32
        %dma_start3A_96 = tpu.memref_slice %arg18[%dma_start3A_94, %dma_start3A_95] : memref<128x128xf32, #tpu.memory_space<vmem>> -> memref<120x128xf32, #tpu.memory_space<vmem>>
        tpu.enqueue_dma source(%dma_start3A_96 : memref<120x128xf32, #tpu.memory_space<vmem>>) target(%dma_start3A_93 : memref<120x128xf32, #tpu.memory_space<hbm>>) target_semaphore(%run_scoped3A : memref<!tpu.dma_semaphore, #tpu.memory_space<semaphore_mem>>)
        %dma_wait3A_97 = arith.constant 0 : i32
        %dma_wait3A_98 = arith.constant 0 : i32
        %dma_wait3A_99 = tpu.memref_slice %arg18[%dma_wait3A_97, %dma_wait3A_98] : memref<128x128xf32, #tpu.memory_space<vmem>> -> memref<120x128xf32, #tpu.memory_space<vmem>>
        %dma_wait3A_100 = arith.constant 0 : i32
        %dma_wait3A_101 = tpu.memref_slice %arg12[%add3A_87, %dma_wait3A_100] : memref<10112x128xf32, #tpu.memory_space<hbm>> -> memref<120x128xf32, #tpu.memory_space<hbm>>
        %dma_wait3A_102 = arith.constant 0 : i32
        %dma_wait3A_103 = tpu.memref_slice %arg12[%add3A_87, %dma_wait3A_102] : memref<10112x128xf32, #tpu.memory_space<hbm>> -> memref<120x128xf32, #tpu.memory_space<hbm>>
        %dma_wait3A_104 = arith.constant 0 : i32
        %dma_wait3A_105 = arith.constant 0 : i32
        %dma_wait3A_106 = tpu.memref_slice %arg18[%dma_wait3A_104, %dma_wait3A_105] : memref<128x128xf32, #tpu.memory_space<vmem>> -> memref<120x128xf32, #tpu.memory_space<vmem>>
        tpu.wait_dma2 semaphore(%run_scoped3A : memref<!tpu.dma_semaphore, #tpu.memory_space<semaphore_mem>>) src(%dma_wait3A_106 : memref<120x128xf32, #tpu.memory_space<vmem>>) dst(%dma_wait3A_103 : memref<120x128xf32, #tpu.memory_space<hbm>>)
        tpu.yield
      }) : () -> ()
    } else {
    }
    "tpu.region"() ({
      %run_scoped3A = tpu.sem_alloc : memref<!tpu.dma_semaphore, #tpu.memory_space<semaphore_mem>>
      tpu.enqueue_dma source(%arg8 : memref<128x128xf32, #tpu.memory_space<hbm>>) target(%arg18 : memref<128x128xf32, #tpu.memory_space<vmem>>) target_semaphore(%run_scoped3A : memref<!tpu.dma_semaphore, #tpu.memory_space<semaphore_mem>>)
      tpu.wait_dma2 semaphore(%run_scoped3A : memref<!tpu.dma_semaphore, #tpu.memory_space<semaphore_mem>>) src(%arg8 : memref<128x128xf32, #tpu.memory_space<hbm>>) dst(%arg18 : memref<128x128xf32, #tpu.memory_space<vmem>>)
      tpu.yield
    }) : () -> ()
    %add3A_28 = arith.constant 0 : i32
    %add3A_29 = arith.addi %mul3A_0, %add3A_28 : i32
    "tpu.region"() ({
      %run_scoped3A = tpu.sem_alloc : memref<!tpu.dma_semaphore, #tpu.memory_space<semaphore_mem>>
      %dma_start3A = arith.constant 0 : i32
      %dma_start3A_68 = arith.constant 0 : i32
      %dma_start3A_69 = tpu.memref_slice %arg18[%dma_start3A, %dma_start3A_68] : memref<128x128xf32, #tpu.memory_space<vmem>> -> memref<128x128xf32, #tpu.memory_space<vmem>>
      %dma_start3A_70 = arith.constant 0 : i32
      %dma_start3A_71 = tpu.memref_slice %arg14[%add3A_29, %dma_start3A_70] : memref<10112x128xf32, #tpu.memory_space<vmem_shared>> -> memref<128x128xf32, #tpu.memory_space<vmem_shared>>
      %dma_start3A_72 = arith.constant 0 : i32
      %dma_start3A_73 = tpu.memref_slice %arg14[%add3A_29, %dma_start3A_72] : memref<10112x128xf32, #tpu.memory_space<vmem_shared>> -> memref<128x128xf32, #tpu.memory_space<vmem_shared>>
      %dma_start3A_74 = arith.constant 0 : i32
      %dma_start3A_75 = arith.constant 0 : i32
      %dma_start3A_76 = tpu.memref_slice %arg18[%dma_start3A_74, %dma_start3A_75] : memref<128x128xf32, #tpu.memory_space<vmem>> -> memref<128x128xf32, #tpu.memory_space<vmem>>
      tpu.enqueue_dma source(%dma_start3A_76 : memref<128x128xf32, #tpu.memory_space<vmem>>) target(%dma_start3A_73 : memref<128x128xf32, #tpu.memory_space<vmem_shared>>) target_semaphore(%run_scoped3A : memref<!tpu.dma_semaphore, #tpu.memory_space<semaphore_mem>>)
      %dma_wait3A_77 = arith.constant 0 : i32
      %dma_wait3A_78 = arith.constant 0 : i32
      %dma_wait3A_79 = tpu.memref_slice %arg18[%dma_wait3A_77, %dma_wait3A_78] : memref<128x128xf32, #tpu.memory_space<vmem>> -> memref<128x128xf32, #tpu.memory_space<vmem>>
      %dma_wait3A_80 = arith.constant 0 : i32
      %dma_wait3A_81 = tpu.memref_slice %arg14[%add3A_29, %dma_wait3A_80] : memref<10112x128xf32, #tpu.memory_space<vmem_shared>> -> memref<128x128xf32, #tpu.memory_space<vmem_shared>>
      %dma_wait3A_82 = arith.constant 0 : i32
      %dma_wait3A_83 = tpu.memref_slice %arg14[%add3A_29, %dma_wait3A_82] : memref<10112x128xf32, #tpu.memory_space<vmem_shared>> -> memref<128x128xf32, #tpu.memory_space<vmem_shared>>
      %dma_wait3A_84 = arith.constant 0 : i32
      %dma_wait3A_85 = arith.constant 0 : i32
      %dma_wait3A_86 = tpu.memref_slice %arg18[%dma_wait3A_84, %dma_wait3A_85] : memref<128x128xf32, #tpu.memory_space<vmem>> -> memref<128x128xf32, #tpu.memory_space<vmem>>
      tpu.wait_dma2 semaphore(%run_scoped3A : memref<!tpu.dma_semaphore, #tpu.memory_space<semaphore_mem>>) src(%dma_wait3A_86 : memref<128x128xf32, #tpu.memory_space<vmem>>) dst(%dma_wait3A_83 : memref<128x128xf32, #tpu.memory_space<vmem_shared>>)
      tpu.yield
    }) : () -> ()
    %add3A_30 = arith.constant 128 : i32
    %add3A_31 = arith.addi %mul3A_0, %add3A_30 : i32
    "tpu.region"() ({
      %run_scoped3A = tpu.sem_alloc : memref<!tpu.dma_semaphore, #tpu.memory_space<semaphore_mem>>
      %dma_start3A = arith.constant 0 : i32
      %dma_start3A_68 = arith.constant 0 : i32
      %dma_start3A_69 = tpu.memref_slice %arg18[%dma_start3A, %dma_start3A_68] : memref<128x128xf32, #tpu.memory_space<vmem>> -> memref<128x128xf32, #tpu.memory_space<vmem>>
      %dma_start3A_70 = arith.constant 0 : i32
      %dma_start3A_71 = tpu.memref_slice %arg14[%add3A_31, %dma_start3A_70] : memref<10112x128xf32, #tpu.memory_space<vmem_shared>> -> memref<128x128xf32, #tpu.memory_space<vmem_shared>>
      %dma_start3A_72 = arith.constant 0 : i32
      %dma_start3A_73 = tpu.memref_slice %arg14[%add3A_31, %dma_start3A_72] : memref<10112x128xf32, #tpu.memory_space<vmem_shared>> -> memref<128x128xf32, #tpu.memory_space<vmem_shared>>
      %dma_start3A_74 = arith.constant 0 : i32
      %dma_start3A_75 = arith.constant 0 : i32
      %dma_start3A_76 = tpu.memref_slice %arg18[%dma_start3A_74, %dma_start3A_75] : memref<128x128xf32, #tpu.memory_space<vmem>> -> memref<128x128xf32, #tpu.memory_space<vmem>>
      tpu.enqueue_dma source(%dma_start3A_76 : memref<128x128xf32, #tpu.memory_space<vmem>>) target(%dma_start3A_73 : memref<128x128xf32, #tpu.memory_space<vmem_shared>>) target_semaphore(%run_scoped3A : memref<!tpu.dma_semaphore, #tpu.memory_space<semaphore_mem>>)
      %dma_wait3A_77 = arith.constant 0 : i32
      %dma_wait3A_78 = arith.constant 0 : i32
      %dma_wait3A_79 = tpu.memref_slice %arg18[%dma_wait3A_77, %dma_wait3A_78] : memref<128x128xf32, #tpu.memory_space<vmem>> -> memref<128x128xf32, #tpu.memory_space<vmem>>
      %dma_wait3A_80 = arith.constant 0 : i32
      %dma_wait3A_81 = tpu.memref_slice %arg14[%add3A_31, %dma_wait3A_80] : memref<10112x128xf32, #tpu.memory_space<vmem_shared>> -> memref<128x128xf32, #tpu.memory_space<vmem_shared>>
      %dma_wait3A_82 = arith.constant 0 : i32
      %dma_wait3A_83 = tpu.memref_slice %arg14[%add3A_31, %dma_wait3A_82] : memref<10112x128xf32, #tpu.memory_space<vmem_shared>> -> memref<128x128xf32, #tpu.memory_space<vmem_shared>>
      %dma_wait3A_84 = arith.constant 0 : i32
      %dma_wait3A_85 = arith.constant 0 : i32
      %dma_wait3A_86 = tpu.memref_slice %arg18[%dma_wait3A_84, %dma_wait3A_85] : memref<128x128xf32, #tpu.memory_space<vmem>> -> memref<128x128xf32, #tpu.memory_space<vmem>>
      tpu.wait_dma2 semaphore(%run_scoped3A : memref<!tpu.dma_semaphore, #tpu.memory_space<semaphore_mem>>) src(%dma_wait3A_86 : memref<128x128xf32, #tpu.memory_space<vmem>>) dst(%dma_wait3A_83 : memref<128x128xf32, #tpu.memory_space<vmem_shared>>)
      tpu.yield
    }) : () -> ()
    %add3A_32 = arith.constant 256 : i32
    %add3A_33 = arith.addi %mul3A_0, %add3A_32 : i32
    "tpu.region"() ({
      %run_scoped3A = tpu.sem_alloc : memref<!tpu.dma_semaphore, #tpu.memory_space<semaphore_mem>>
      %dma_start3A = arith.constant 0 : i32
      %dma_start3A_68 = arith.constant 0 : i32
      %dma_start3A_69 = tpu.memref_slice %arg18[%dma_start3A, %dma_start3A_68] : memref<128x128xf32, #tpu.memory_space<vmem>> -> memref<128x128xf32, #tpu.memory_space<vmem>>
      %dma_start3A_70 = arith.constant 0 : i32
      %dma_start3A_71 = tpu.memref_slice %arg14[%add3A_33, %dma_start3A_70] : memref<10112x128xf32, #tpu.memory_space<vmem_shared>> -> memref<128x128xf32, #tpu.memory_space<vmem_shared>>
      %dma_start3A_72 = arith.constant 0 : i32
      %dma_start3A_73 = tpu.memref_slice %arg14[%add3A_33, %dma_start3A_72] : memref<10112x128xf32, #tpu.memory_space<vmem_shared>> -> memref<128x128xf32, #tpu.memory_space<vmem_shared>>
      %dma_start3A_74 = arith.constant 0 : i32
      %dma_start3A_75 = arith.constant 0 : i32
      %dma_start3A_76 = tpu.memref_slice %arg18[%dma_start3A_74, %dma_start3A_75] : memref<128x128xf32, #tpu.memory_space<vmem>> -> memref<128x128xf32, #tpu.memory_space<vmem>>
      tpu.enqueue_dma source(%dma_start3A_76 : memref<128x128xf32, #tpu.memory_space<vmem>>) target(%dma_start3A_73 : memref<128x128xf32, #tpu.memory_space<vmem_shared>>) target_semaphore(%run_scoped3A : memref<!tpu.dma_semaphore, #tpu.memory_space<semaphore_mem>>)
      %dma_wait3A_77 = arith.constant 0 : i32
      %dma_wait3A_78 = arith.constant 0 : i32
      %dma_wait3A_79 = tpu.memref_slice %arg18[%dma_wait3A_77, %dma_wait3A_78] : memref<128x128xf32, #tpu.memory_space<vmem>> -> memref<128x128xf32, #tpu.memory_space<vmem>>
      %dma_wait3A_80 = arith.constant 0 : i32
      %dma_wait3A_81 = tpu.memref_slice %arg14[%add3A_33, %dma_wait3A_80] : memref<10112x128xf32, #tpu.memory_space<vmem_shared>> -> memref<128x128xf32, #tpu.memory_space<vmem_shared>>
      %dma_wait3A_82 = arith.constant 0 : i32
      %dma_wait3A_83 = tpu.memref_slice %arg14[%add3A_33, %dma_wait3A_82] : memref<10112x128xf32, #tpu.memory_space<vmem_shared>> -> memref<128x128xf32, #tpu.memory_space<vmem_shared>>
      %dma_wait3A_84 = arith.constant 0 : i32
      %dma_wait3A_85 = arith.constant 0 : i32
      %dma_wait3A_86 = tpu.memref_slice %arg18[%dma_wait3A_84, %dma_wait3A_85] : memref<128x128xf32, #tpu.memory_space<vmem>> -> memref<128x128xf32, #tpu.memory_space<vmem>>
      tpu.wait_dma2 semaphore(%run_scoped3A : memref<!tpu.dma_semaphore, #tpu.memory_space<semaphore_mem>>) src(%dma_wait3A_86 : memref<128x128xf32, #tpu.memory_space<vmem>>) dst(%dma_wait3A_83 : memref<128x128xf32, #tpu.memory_space<vmem_shared>>)
      tpu.yield
    }) : () -> ()
    %add3A_34 = arith.constant 384 : i32
    %add3A_35 = arith.addi %mul3A_0, %add3A_34 : i32
    "tpu.region"() ({
      %run_scoped3A = tpu.sem_alloc : memref<!tpu.dma_semaphore, #tpu.memory_space<semaphore_mem>>
      %dma_start3A = arith.constant 0 : i32
      %dma_start3A_68 = arith.constant 0 : i32
      %dma_start3A_69 = tpu.memref_slice %arg18[%dma_start3A, %dma_start3A_68] : memref<128x128xf32, #tpu.memory_space<vmem>> -> memref<128x128xf32, #tpu.memory_space<vmem>>
      %dma_start3A_70 = arith.constant 0 : i32
      %dma_start3A_71 = tpu.memref_slice %arg14[%add3A_35, %dma_start3A_70] : memref<10112x128xf32, #tpu.memory_space<vmem_shared>> -> memref<128x128xf32, #tpu.memory_space<vmem_shared>>
      %dma_start3A_72 = arith.constant 0 : i32
      %dma_start3A_73 = tpu.memref_slice %arg14[%add3A_35, %dma_start3A_72] : memref<10112x128xf32, #tpu.memory_space<vmem_shared>> -> memref<128x128xf32, #tpu.memory_space<vmem_shared>>
      %dma_start3A_74 = arith.constant 0 : i32
      %dma_start3A_75 = arith.constant 0 : i32
      %dma_start3A_76 = tpu.memref_slice %arg18[%dma_start3A_74, %dma_start3A_75] : memref<128x128xf32, #tpu.memory_space<vmem>> -> memref<128x128xf32, #tpu.memory_space<vmem>>
      tpu.enqueue_dma source(%dma_start3A_76 : memref<128x128xf32, #tpu.memory_space<vmem>>) target(%dma_start3A_73 : memref<128x128xf32, #tpu.memory_space<vmem_shared>>) target_semaphore(%run_scoped3A : memref<!tpu.dma_semaphore, #tpu.memory_space<semaphore_mem>>)
      %dma_wait3A_77 = arith.constant 0 : i32
      %dma_wait3A_78 = arith.constant 0 : i32
      %dma_wait3A_79 = tpu.memref_slice %arg18[%dma_wait3A_77, %dma_wait3A_78] : memref<128x128xf32, #tpu.memory_space<vmem>> -> memref<128x128xf32, #tpu.memory_space<vmem>>
      %dma_wait3A_80 = arith.constant 0 : i32
      %dma_wait3A_81 = tpu.memref_slice %arg14[%add3A_35, %dma_wait3A_80] : memref<10112x128xf32, #tpu.memory_space<vmem_shared>> -> memref<128x128xf32, #tpu.memory_space<vmem_shared>>
      %dma_wait3A_82 = arith.constant 0 : i32
      %dma_wait3A_83 = tpu.memref_slice %arg14[%add3A_35, %dma_wait3A_82] : memref<10112x128xf32, #tpu.memory_space<vmem_shared>> -> memref<128x128xf32, #tpu.memory_space<vmem_shared>>
      %dma_wait3A_84 = arith.constant 0 : i32
      %dma_wait3A_85 = arith.constant 0 : i32
      %dma_wait3A_86 = tpu.memref_slice %arg18[%dma_wait3A_84, %dma_wait3A_85] : memref<128x128xf32, #tpu.memory_space<vmem>> -> memref<128x128xf32, #tpu.memory_space<vmem>>
      tpu.wait_dma2 semaphore(%run_scoped3A : memref<!tpu.dma_semaphore, #tpu.memory_space<semaphore_mem>>) src(%dma_wait3A_86 : memref<128x128xf32, #tpu.memory_space<vmem>>) dst(%dma_wait3A_83 : memref<128x128xf32, #tpu.memory_space<vmem_shared>>)
      tpu.yield
    }) : () -> ()
    %add3A_36 = arith.constant 512 : i32
    %add3A_37 = arith.addi %mul3A_0, %add3A_36 : i32
    "tpu.region"() ({
      %run_scoped3A = tpu.sem_alloc : memref<!tpu.dma_semaphore, #tpu.memory_space<semaphore_mem>>
      %dma_start3A = arith.constant 0 : i32
      %dma_start3A_68 = arith.constant 0 : i32
      %dma_start3A_69 = tpu.memref_slice %arg18[%dma_start3A, %dma_start3A_68] : memref<128x128xf32, #tpu.memory_space<vmem>> -> memref<120x128xf32, #tpu.memory_space<vmem>>
      %dma_start3A_70 = arith.constant 0 : i32
      %dma_start3A_71 = tpu.memref_slice %arg14[%add3A_37, %dma_start3A_70] : memref<10112x128xf32, #tpu.memory_space<vmem_shared>> -> memref<120x128xf32, #tpu.memory_space<vmem_shared>>
      %dma_start3A_72 = arith.constant 0 : i32
      %dma_start3A_73 = tpu.memref_slice %arg14[%add3A_37, %dma_start3A_72] : memref<10112x128xf32, #tpu.memory_space<vmem_shared>> -> memref<120x128xf32, #tpu.memory_space<vmem_shared>>
      %dma_start3A_74 = arith.constant 0 : i32
      %dma_start3A_75 = arith.constant 0 : i32
      %dma_start3A_76 = tpu.memref_slice %arg18[%dma_start3A_74, %dma_start3A_75] : memref<128x128xf32, #tpu.memory_space<vmem>> -> memref<120x128xf32, #tpu.memory_space<vmem>>
      tpu.enqueue_dma source(%dma_start3A_76 : memref<120x128xf32, #tpu.memory_space<vmem>>) target(%dma_start3A_73 : memref<120x128xf32, #tpu.memory_space<vmem_shared>>) target_semaphore(%run_scoped3A : memref<!tpu.dma_semaphore, #tpu.memory_space<semaphore_mem>>)
      %dma_wait3A_77 = arith.constant 0 : i32
      %dma_wait3A_78 = arith.constant 0 : i32
      %dma_wait3A_79 = tpu.memref_slice %arg18[%dma_wait3A_77, %dma_wait3A_78] : memref<128x128xf32, #tpu.memory_space<vmem>> -> memref<120x128xf32, #tpu.memory_space<vmem>>
      %dma_wait3A_80 = arith.constant 0 : i32
      %dma_wait3A_81 = tpu.memref_slice %arg14[%add3A_37, %dma_wait3A_80] : memref<10112x128xf32, #tpu.memory_space<vmem_shared>> -> memref<120x128xf32, #tpu.memory_space<vmem_shared>>
      %dma_wait3A_82 = arith.constant 0 : i32
      %dma_wait3A_83 = tpu.memref_slice %arg14[%add3A_37, %dma_wait3A_82] : memref<10112x128xf32, #tpu.memory_space<vmem_shared>> -> memref<120x128xf32, #tpu.memory_space<vmem_shared>>
      %dma_wait3A_84 = arith.constant 0 : i32
      %dma_wait3A_85 = arith.constant 0 : i32
      %dma_wait3A_86 = tpu.memref_slice %arg18[%dma_wait3A_84, %dma_wait3A_85] : memref<128x128xf32, #tpu.memory_space<vmem>> -> memref<120x128xf32, #tpu.memory_space<vmem>>
      tpu.wait_dma2 semaphore(%run_scoped3A : memref<!tpu.dma_semaphore, #tpu.memory_space<semaphore_mem>>) src(%dma_wait3A_86 : memref<120x128xf32, #tpu.memory_space<vmem>>) dst(%dma_wait3A_83 : memref<120x128xf32, #tpu.memory_space<vmem_shared>>)
      tpu.yield
    }) : () -> ()
    "tpu.region"() ({
      %run_scoped3A = tpu.sem_alloc : memref<!tpu.dma_semaphore, #tpu.memory_space<semaphore_mem>>
      tpu.enqueue_dma source(%arg9 : memref<128x128xf32, #tpu.memory_space<hbm>>) target(%arg18 : memref<128x128xf32, #tpu.memory_space<vmem>>) target_semaphore(%run_scoped3A : memref<!tpu.dma_semaphore, #tpu.memory_space<semaphore_mem>>)
      tpu.wait_dma2 semaphore(%run_scoped3A : memref<!tpu.dma_semaphore, #tpu.memory_space<semaphore_mem>>) src(%arg9 : memref<128x128xf32, #tpu.memory_space<hbm>>) dst(%arg18 : memref<128x128xf32, #tpu.memory_space<vmem>>)
      tpu.yield
    }) : () -> ()
    %barrier3A_38 = arith.constant 0 : index
    tpu.barrier barrier_id(%barrier3A_38)
    %scan3A = arith.constant 0 : i32
    %scan3A_39 = arith.constant 0 : i32
    %scan3A_40 = arith.constant 40 : i32
    %scan3A_41 = arith.addi %scan3A_39, %scan3A_40 : i32
    %scan3A_42 = arith.constant 1 : i32
    scf.for %scan3A_68 = %scan3A_39 to %scan3A_41 step %scan3A_42  : i32 {
      %mul3A_69 = arith.constant 2 : i32
      %mul3A_70 = arith.muli %mul3A_69, %scan3A_68 : i32
      %add3A_71 = arith.constant 0 : i32
      %add3A_72 = arith.addi %mul3A_70, %add3A_71 : i32
      %mul3A_73 = arith.constant 16 : i32
      %mul3A_74 = arith.muli %add3A_72, %mul3A_73 : i32
      %add3A_75 = arith.addi %mul3A_74, %arg1 : i32
      %lt3A = arith.constant 1250 : i32
      %lt3A_76 = arith.cmpi slt, %add3A_75, %lt3A : i32
      %convert_element_type3A_77 = arith.extui %lt3A_76 : i1 to i32
      %cond3A_78 = arith.constant 0 : i32
      %cond3A_79 = arith.cmpi ne, %convert_element_type3A_77, %cond3A_78 : i32
      scf.if %cond3A_79 {
        %dma_start3A = arith.constant 0 : i32
        %dma_start3A_92 = tpu.memref_slice %arg15[%add3A_72, %dma_start3A] : memref<79x128xi32, #tpu.memory_space<vmem>> -> memref<1x128xi32, #tpu.memory_space<vmem>>
        %dma_start3A_93 = tpu.memref_squeeze %dma_start3A_92 : memref<1x128xi32, #tpu.memory_space<vmem>> -> memref<128xi32, #tpu.memory_space<vmem>>
        %dma_start3A_94 = arith.constant 0 : i32
        %dma_start3A_95 = arith.constant 0 : i32
        %dma_start3A_96 = tpu.memref_slice %arg14[%dma_start3A_94, %dma_start3A_95] : memref<10112x128xf32, #tpu.memory_space<vmem_shared>> -> memref<10112x128xf32, #tpu.memory_space<vmem_shared>>
        tpu.enqueue_indirect_dma source(%arg18 : memref<128x128xf32, #tpu.memory_space<vmem>>) target(%dma_start3A_96 : memref<10112x128xf32, #tpu.memory_space<vmem_shared>>) offsets(%dma_start3A_93 : memref<128xi32, #tpu.memory_space<vmem>>) semaphore(%arg21 : memref<!tpu.dma_semaphore, #tpu.memory_space<semaphore_mem>>) {add = true}
        %ge3A = arith.constant 2 : i32
        %ge3A_97 = arith.cmpi sge, %add3A_72, %ge3A : i32
        %convert_element_type3A_98 = arith.extui %ge3A_97 : i1 to i32
        %cond3A_99 = arith.constant 0 : i32
        %cond3A_100 = arith.cmpi ne, %convert_element_type3A_98, %cond3A_99 : i32
        scf.if %cond3A_100 {
          %dma_wait3A_101 = arith.constant 0 : i32
          %dma_wait3A_102 = arith.constant 0 : i32
          %dma_wait3A_103 = tpu.memref_slice %arg15[%dma_wait3A_101, %dma_wait3A_102] : memref<79x128xi32, #tpu.memory_space<vmem>> -> memref<1x128xi32, #tpu.memory_space<vmem>>
          %dma_wait3A_104 = tpu.memref_squeeze %dma_wait3A_103 : memref<1x128xi32, #tpu.memory_space<vmem>> -> memref<128xi32, #tpu.memory_space<vmem>>
          %dma_wait3A_105 = arith.constant 0 : i32
          %dma_wait3A_106 = arith.constant 0 : i32
          %dma_wait3A_107 = tpu.memref_slice %arg14[%dma_wait3A_105, %dma_wait3A_106] : memref<10112x128xf32, #tpu.memory_space<vmem_shared>> -> memref<10112x128xf32, #tpu.memory_space<vmem_shared>>
          tpu.wait_indirect_dma semaphore(%arg21 : memref<!tpu.dma_semaphore, #tpu.memory_space<semaphore_mem>>) src(%arg18 : memref<128x128xf32, #tpu.memory_space<vmem>>) dst(%dma_wait3A_107 : memref<10112x128xf32, #tpu.memory_space<vmem_shared>>)
        } else {
        }
      } else {
      }
      %mul3A_80 = arith.constant 2 : i32
      %mul3A_81 = arith.muli %mul3A_80, %scan3A_68 : i32
      %add3A_82 = arith.constant 1 : i32
      %add3A_83 = arith.addi %mul3A_81, %add3A_82 : i32
      %mul3A_84 = arith.constant 16 : i32
      %mul3A_85 = arith.muli %add3A_83, %mul3A_84 : i32
      %add3A_86 = arith.addi %mul3A_85, %arg1 : i32
      %lt3A_87 = arith.constant 1250 : i32
      %lt3A_88 = arith.cmpi slt, %add3A_86, %lt3A_87 : i32
      %convert_element_type3A_89 = arith.extui %lt3A_88 : i1 to i32
      %cond3A_90 = arith.constant 0 : i32
      %cond3A_91 = arith.cmpi ne, %convert_element_type3A_89, %cond3A_90 : i32
      scf.if %cond3A_91 {
        %dma_start3A = arith.constant 0 : i32
        %dma_start3A_92 = tpu.memref_slice %arg15[%add3A_83, %dma_start3A] : memref<79x128xi32, #tpu.memory_space<vmem>> -> memref<1x128xi32, #tpu.memory_space<vmem>>
        %dma_start3A_93 = tpu.memref_squeeze %dma_start3A_92 : memref<1x128xi32, #tpu.memory_space<vmem>> -> memref<128xi32, #tpu.memory_space<vmem>>
        %dma_start3A_94 = arith.constant 0 : i32
        %dma_start3A_95 = arith.constant 0 : i32
        %dma_start3A_96 = tpu.memref_slice %arg14[%dma_start3A_94, %dma_start3A_95] : memref<10112x128xf32, #tpu.memory_space<vmem_shared>> -> memref<10112x128xf32, #tpu.memory_space<vmem_shared>>
        tpu.enqueue_indirect_dma source(%arg18 : memref<128x128xf32, #tpu.memory_space<vmem>>) target(%dma_start3A_96 : memref<10112x128xf32, #tpu.memory_space<vmem_shared>>) offsets(%dma_start3A_93 : memref<128xi32, #tpu.memory_space<vmem>>) semaphore(%arg21 : memref<!tpu.dma_semaphore, #tpu.memory_space<semaphore_mem>>) {add = true}
        %ge3A = arith.constant 2 : i32
        %ge3A_97 = arith.cmpi sge, %add3A_83, %ge3A : i32
        %convert_element_type3A_98 = arith.extui %ge3A_97 : i1 to i32
        %cond3A_99 = arith.constant 0 : i32
        %cond3A_100 = arith.cmpi ne, %convert_element_type3A_98, %cond3A_99 : i32
        scf.if %cond3A_100 {
          %dma_wait3A_101 = arith.constant 0 : i32
          %dma_wait3A_102 = arith.constant 0 : i32
          %dma_wait3A_103 = tpu.memref_slice %arg15[%dma_wait3A_101, %dma_wait3A_102] : memref<79x128xi32, #tpu.memory_space<vmem>> -> memref<1x128xi32, #tpu.memory_space<vmem>>
          %dma_wait3A_104 = tpu.memref_squeeze %dma_wait3A_103 : memref<1x128xi32, #tpu.memory_space<vmem>> -> memref<128xi32, #tpu.memory_space<vmem>>
          %dma_wait3A_105 = arith.constant 0 : i32
          %dma_wait3A_106 = arith.constant 0 : i32
          %dma_wait3A_107 = tpu.memref_slice %arg14[%dma_wait3A_105, %dma_wait3A_106] : memref<10112x128xf32, #tpu.memory_space<vmem_shared>> -> memref<10112x128xf32, #tpu.memory_space<vmem_shared>>
          tpu.wait_indirect_dma semaphore(%arg21 : memref<!tpu.dma_semaphore, #tpu.memory_space<semaphore_mem>>) src(%arg18 : memref<128x128xf32, #tpu.memory_space<vmem>>) dst(%dma_wait3A_107 : memref<10112x128xf32, #tpu.memory_space<vmem_shared>>)
        } else {
        }
      } else {
      }
    }
    %scan3A_43 = arith.constant 40 : i32
    %dma_wait3A = arith.constant 0 : i32
    %dma_wait3A_44 = arith.constant 0 : i32
    %dma_wait3A_45 = tpu.memref_slice %arg15[%dma_wait3A, %dma_wait3A_44] : memref<79x128xi32, #tpu.memory_space<vmem>> -> memref<1x128xi32, #tpu.memory_space<vmem>>
    %dma_wait3A_46 = tpu.memref_squeeze %dma_wait3A_45 : memref<1x128xi32, #tpu.memory_space<vmem>> -> memref<128xi32, #tpu.memory_space<vmem>>
    %dma_wait3A_47 = arith.constant 0 : i32
    %dma_wait3A_48 = arith.constant 0 : i32
    %dma_wait3A_49 = tpu.memref_slice %arg14[%dma_wait3A_47, %dma_wait3A_48] : memref<10112x128xf32, #tpu.memory_space<vmem_shared>> -> memref<10112x128xf32, #tpu.memory_space<vmem_shared>>
    tpu.wait_indirect_dma semaphore(%arg21 : memref<!tpu.dma_semaphore, #tpu.memory_space<semaphore_mem>>) src(%arg18 : memref<128x128xf32, #tpu.memory_space<vmem>>) dst(%dma_wait3A_49 : memref<10112x128xf32, #tpu.memory_space<vmem_shared>>)
    %dma_wait3A_50 = arith.constant 0 : i32
    %dma_wait3A_51 = arith.constant 0 : i32
    %dma_wait3A_52 = tpu.memref_slice %arg15[%dma_wait3A_50, %dma_wait3A_51] : memref<79x128xi32, #tpu.memory_space<vmem>> -> memref<1x128xi32, #tpu.memory_space<vmem>>
    %dma_wait3A_53 = tpu.memref_squeeze %dma_wait3A_52 : memref<1x128xi32, #tpu.memory_space<vmem>> -> memref<128xi32, #tpu.memory_space<vmem>>
    %dma_wait3A_54 = arith.constant 0 : i32
    %dma_wait3A_55 = arith.constant 0 : i32
    %dma_wait3A_56 = tpu.memref_slice %arg14[%dma_wait3A_54, %dma_wait3A_55] : memref<10112x128xf32, #tpu.memory_space<vmem_shared>> -> memref<10112x128xf32, #tpu.memory_space<vmem_shared>>
    tpu.wait_indirect_dma semaphore(%arg21 : memref<!tpu.dma_semaphore, #tpu.memory_space<semaphore_mem>>) src(%arg18 : memref<128x128xf32, #tpu.memory_space<vmem>>) dst(%dma_wait3A_56 : memref<10112x128xf32, #tpu.memory_space<vmem_shared>>)
    %barrier3A_57 = arith.constant 0 : index
    tpu.barrier barrier_id(%barrier3A_57)
    %eq3A_58 = arith.constant 0 : i32
    %eq3A_59 = arith.cmpi eq, %arg0, %eq3A_58 : i32
    %convert_element_type3A_60 = arith.extui %eq3A_59 : i1 to i32
    %cond3A_61 = arith.constant 0 : i32
    %cond3A_62 = arith.cmpi ne, %convert_element_type3A_60, %cond3A_61 : i32
    scf.if %cond3A_62 {
      %add3A_68 = arith.constant 0 : i32
      %add3A_69 = arith.addi %mul3A_0, %add3A_68 : i32
      "tpu.region"() ({
        %run_scoped3A = tpu.sem_alloc : memref<!tpu.dma_semaphore, #tpu.memory_space<semaphore_mem>>
        %dma_start3A = arith.constant 0 : i32
        %dma_start3A_88 = arith.constant 0 : i32
        %dma_start3A_89 = tpu.memref_slice %arg19[%dma_start3A, %dma_start3A_88] : memref<128x128xf32, #tpu.memory_space<vmem>> -> memref<128x128xf32, #tpu.memory_space<vmem>>
        %dma_start3A_90 = arith.constant 0 : i32
        %dma_start3A_91 = tpu.memref_slice %arg14[%add3A_69, %dma_start3A_90] : memref<10112x128xf32, #tpu.memory_space<vmem_shared>> -> memref<128x128xf32, #tpu.memory_space<vmem_shared>>
        %dma_start3A_92 = arith.constant 0 : i32
        %dma_start3A_93 = arith.constant 0 : i32
        %dma_start3A_94 = tpu.memref_slice %arg19[%dma_start3A_92, %dma_start3A_93] : memref<128x128xf32, #tpu.memory_space<vmem>> -> memref<128x128xf32, #tpu.memory_space<vmem>>
        %dma_start3A_95 = arith.constant 0 : i32
        %dma_start3A_96 = tpu.memref_slice %arg14[%add3A_69, %dma_start3A_95] : memref<10112x128xf32, #tpu.memory_space<vmem_shared>> -> memref<128x128xf32, #tpu.memory_space<vmem_shared>>
        tpu.enqueue_dma source(%dma_start3A_96 : memref<128x128xf32, #tpu.memory_space<vmem_shared>>) target(%dma_start3A_94 : memref<128x128xf32, #tpu.memory_space<vmem>>) target_semaphore(%run_scoped3A : memref<!tpu.dma_semaphore, #tpu.memory_space<semaphore_mem>>)
        %dma_wait3A_97 = arith.constant 0 : i32
        %dma_wait3A_98 = arith.constant 0 : i32
        %dma_wait3A_99 = tpu.memref_slice %arg19[%dma_wait3A_97, %dma_wait3A_98] : memref<128x128xf32, #tpu.memory_space<vmem>> -> memref<128x128xf32, #tpu.memory_space<vmem>>
        %dma_wait3A_100 = arith.constant 0 : i32
        %dma_wait3A_101 = tpu.memref_slice %arg14[%add3A_69, %dma_wait3A_100] : memref<10112x128xf32, #tpu.memory_space<vmem_shared>> -> memref<128x128xf32, #tpu.memory_space<vmem_shared>>
        %dma_wait3A_102 = arith.constant 0 : i32
        %dma_wait3A_103 = arith.constant 0 : i32
        %dma_wait3A_104 = tpu.memref_slice %arg19[%dma_wait3A_102, %dma_wait3A_103] : memref<128x128xf32, #tpu.memory_space<vmem>> -> memref<128x128xf32, #tpu.memory_space<vmem>>
        %dma_wait3A_105 = arith.constant 0 : i32
        %dma_wait3A_106 = tpu.memref_slice %arg14[%add3A_69, %dma_wait3A_105] : memref<10112x128xf32, #tpu.memory_space<vmem_shared>> -> memref<128x128xf32, #tpu.memory_space<vmem_shared>>
        tpu.wait_dma2 semaphore(%run_scoped3A : memref<!tpu.dma_semaphore, #tpu.memory_space<semaphore_mem>>) src(%dma_wait3A_106 : memref<128x128xf32, #tpu.memory_space<vmem_shared>>) dst(%dma_wait3A_104 : memref<128x128xf32, #tpu.memory_space<vmem>>)
        tpu.yield
      }) : () -> ()
      %add3A_70 = arith.constant 0 : i32
      %add3A_71 = arith.addi %mul3A_0, %add3A_70 : i32
      "tpu.region"() ({
        %run_scoped3A = tpu.sem_alloc : memref<!tpu.dma_semaphore, #tpu.memory_space<semaphore_mem>>
        %dma_start3A = arith.constant 0 : i32
        %dma_start3A_88 = arith.constant 0 : i32
        %dma_start3A_89 = tpu.memref_slice %arg19[%dma_start3A, %dma_start3A_88] : memref<128x128xf32, #tpu.memory_space<vmem>> -> memref<128x128xf32, #tpu.memory_space<vmem>>
        %dma_start3A_90 = arith.constant 0 : i32
        %dma_start3A_91 = tpu.memref_slice %arg11[%add3A_71, %dma_start3A_90] : memref<10112x128xf32, #tpu.memory_space<hbm>> -> memref<128x128xf32, #tpu.memory_space<hbm>>
        %dma_start3A_92 = arith.constant 0 : i32
        %dma_start3A_93 = tpu.memref_slice %arg11[%add3A_71, %dma_start3A_92] : memref<10112x128xf32, #tpu.memory_space<hbm>> -> memref<128x128xf32, #tpu.memory_space<hbm>>
        %dma_start3A_94 = arith.constant 0 : i32
        %dma_start3A_95 = arith.constant 0 : i32
        %dma_start3A_96 = tpu.memref_slice %arg19[%dma_start3A_94, %dma_start3A_95] : memref<128x128xf32, #tpu.memory_space<vmem>> -> memref<128x128xf32, #tpu.memory_space<vmem>>
        tpu.enqueue_dma source(%dma_start3A_96 : memref<128x128xf32, #tpu.memory_space<vmem>>) target(%dma_start3A_93 : memref<128x128xf32, #tpu.memory_space<hbm>>) target_semaphore(%run_scoped3A : memref<!tpu.dma_semaphore, #tpu.memory_space<semaphore_mem>>)
        %dma_wait3A_97 = arith.constant 0 : i32
        %dma_wait3A_98 = arith.constant 0 : i32
        %dma_wait3A_99 = tpu.memref_slice %arg19[%dma_wait3A_97, %dma_wait3A_98] : memref<128x128xf32, #tpu.memory_space<vmem>> -> memref<128x128xf32, #tpu.memory_space<vmem>>
        %dma_wait3A_100 = arith.constant 0 : i32
        %dma_wait3A_101 = tpu.memref_slice %arg11[%add3A_71, %dma_wait3A_100] : memref<10112x128xf32, #tpu.memory_space<hbm>> -> memref<128x128xf32, #tpu.memory_space<hbm>>
        %dma_wait3A_102 = arith.constant 0 : i32
        %dma_wait3A_103 = tpu.memref_slice %arg11[%add3A_71, %dma_wait3A_102] : memref<10112x128xf32, #tpu.memory_space<hbm>> -> memref<128x128xf32, #tpu.memory_space<hbm>>
        %dma_wait3A_104 = arith.constant 0 : i32
        %dma_wait3A_105 = arith.constant 0 : i32
        %dma_wait3A_106 = tpu.memref_slice %arg19[%dma_wait3A_104, %dma_wait3A_105] : memref<128x128xf32, #tpu.memory_space<vmem>> -> memref<128x128xf32, #tpu.memory_space<vmem>>
        tpu.wait_dma2 semaphore(%run_scoped3A : memref<!tpu.dma_semaphore, #tpu.memory_space<semaphore_mem>>) src(%dma_wait3A_106 : memref<128x128xf32, #tpu.memory_space<vmem>>) dst(%dma_wait3A_103 : memref<128x128xf32, #tpu.memory_space<hbm>>)
        tpu.yield
      }) : () -> ()
      %add3A_72 = arith.constant 128 : i32
      %add3A_73 = arith.addi %mul3A_0, %add3A_72 : i32
      "tpu.region"() ({
        %run_scoped3A = tpu.sem_alloc : memref<!tpu.dma_semaphore, #tpu.memory_space<semaphore_mem>>
        %dma_start3A = arith.constant 0 : i32
        %dma_start3A_88 = arith.constant 0 : i32
        %dma_start3A_89 = tpu.memref_slice %arg19[%dma_start3A, %dma_start3A_88] : memref<128x128xf32, #tpu.memory_space<vmem>> -> memref<128x128xf32, #tpu.memory_space<vmem>>
        %dma_start3A_90 = arith.constant 0 : i32
        %dma_start3A_91 = tpu.memref_slice %arg14[%add3A_73, %dma_start3A_90] : memref<10112x128xf32, #tpu.memory_space<vmem_shared>> -> memref<128x128xf32, #tpu.memory_space<vmem_shared>>
        %dma_start3A_92 = arith.constant 0 : i32
        %dma_start3A_93 = arith.constant 0 : i32
        %dma_start3A_94 = tpu.memref_slice %arg19[%dma_start3A_92, %dma_start3A_93] : memref<128x128xf32, #tpu.memory_space<vmem>> -> memref<128x128xf32, #tpu.memory_space<vmem>>
        %dma_start3A_95 = arith.constant 0 : i32
        %dma_start3A_96 = tpu.memref_slice %arg14[%add3A_73, %dma_start3A_95] : memref<10112x128xf32, #tpu.memory_space<vmem_shared>> -> memref<128x128xf32, #tpu.memory_space<vmem_shared>>
        tpu.enqueue_dma source(%dma_start3A_96 : memref<128x128xf32, #tpu.memory_space<vmem_shared>>) target(%dma_start3A_94 : memref<128x128xf32, #tpu.memory_space<vmem>>) target_semaphore(%run_scoped3A : memref<!tpu.dma_semaphore, #tpu.memory_space<semaphore_mem>>)
        %dma_wait3A_97 = arith.constant 0 : i32
        %dma_wait3A_98 = arith.constant 0 : i32
        %dma_wait3A_99 = tpu.memref_slice %arg19[%dma_wait3A_97, %dma_wait3A_98] : memref<128x128xf32, #tpu.memory_space<vmem>> -> memref<128x128xf32, #tpu.memory_space<vmem>>
        %dma_wait3A_100 = arith.constant 0 : i32
        %dma_wait3A_101 = tpu.memref_slice %arg14[%add3A_73, %dma_wait3A_100] : memref<10112x128xf32, #tpu.memory_space<vmem_shared>> -> memref<128x128xf32, #tpu.memory_space<vmem_shared>>
        %dma_wait3A_102 = arith.constant 0 : i32
        %dma_wait3A_103 = arith.constant 0 : i32
        %dma_wait3A_104 = tpu.memref_slice %arg19[%dma_wait3A_102, %dma_wait3A_103] : memref<128x128xf32, #tpu.memory_space<vmem>> -> memref<128x128xf32, #tpu.memory_space<vmem>>
        %dma_wait3A_105 = arith.constant 0 : i32
        %dma_wait3A_106 = tpu.memref_slice %arg14[%add3A_73, %dma_wait3A_105] : memref<10112x128xf32, #tpu.memory_space<vmem_shared>> -> memref<128x128xf32, #tpu.memory_space<vmem_shared>>
        tpu.wait_dma2 semaphore(%run_scoped3A : memref<!tpu.dma_semaphore, #tpu.memory_space<semaphore_mem>>) src(%dma_wait3A_106 : memref<128x128xf32, #tpu.memory_space<vmem_shared>>) dst(%dma_wait3A_104 : memref<128x128xf32, #tpu.memory_space<vmem>>)
        tpu.yield
      }) : () -> ()
      %add3A_74 = arith.constant 128 : i32
      %add3A_75 = arith.addi %mul3A_0, %add3A_74 : i32
      "tpu.region"() ({
        %run_scoped3A = tpu.sem_alloc : memref<!tpu.dma_semaphore, #tpu.memory_space<semaphore_mem>>
        %dma_start3A = arith.constant 0 : i32
        %dma_start3A_88 = arith.constant 0 : i32
        %dma_start3A_89 = tpu.memref_slice %arg19[%dma_start3A, %dma_start3A_88] : memref<128x128xf32, #tpu.memory_space<vmem>> -> memref<128x128xf32, #tpu.memory_space<vmem>>
        %dma_start3A_90 = arith.constant 0 : i32
        %dma_start3A_91 = tpu.memref_slice %arg11[%add3A_75, %dma_start3A_90] : memref<10112x128xf32, #tpu.memory_space<hbm>> -> memref<128x128xf32, #tpu.memory_space<hbm>>
        %dma_start3A_92 = arith.constant 0 : i32
        %dma_start3A_93 = tpu.memref_slice %arg11[%add3A_75, %dma_start3A_92] : memref<10112x128xf32, #tpu.memory_space<hbm>> -> memref<128x128xf32, #tpu.memory_space<hbm>>
        %dma_start3A_94 = arith.constant 0 : i32
        %dma_start3A_95 = arith.constant 0 : i32
        %dma_start3A_96 = tpu.memref_slice %arg19[%dma_start3A_94, %dma_start3A_95] : memref<128x128xf32, #tpu.memory_space<vmem>> -> memref<128x128xf32, #tpu.memory_space<vmem>>
        tpu.enqueue_dma source(%dma_start3A_96 : memref<128x128xf32, #tpu.memory_space<vmem>>) target(%dma_start3A_93 : memref<128x128xf32, #tpu.memory_space<hbm>>) target_semaphore(%run_scoped3A : memref<!tpu.dma_semaphore, #tpu.memory_space<semaphore_mem>>)
        %dma_wait3A_97 = arith.constant 0 : i32
        %dma_wait3A_98 = arith.constant 0 : i32
        %dma_wait3A_99 = tpu.memref_slice %arg19[%dma_wait3A_97, %dma_wait3A_98] : memref<128x128xf32, #tpu.memory_space<vmem>> -> memref<128x128xf32, #tpu.memory_space<vmem>>
        %dma_wait3A_100 = arith.constant 0 : i32
        %dma_wait3A_101 = tpu.memref_slice %arg11[%add3A_75, %dma_wait3A_100] : memref<10112x128xf32, #tpu.memory_space<hbm>> -> memref<128x128xf32, #tpu.memory_space<hbm>>
        %dma_wait3A_102 = arith.constant 0 : i32
        %dma_wait3A_103 = tpu.memref_slice %arg11[%add3A_75, %dma_wait3A_102] : memref<10112x128xf32, #tpu.memory_space<hbm>> -> memref<128x128xf32, #tpu.memory_space<hbm>>
        %dma_wait3A_104 = arith.constant 0 : i32
        %dma_wait3A_105 = arith.constant 0 : i32
        %dma_wait3A_106 = tpu.memref_slice %arg19[%dma_wait3A_104, %dma_wait3A_105] : memref<128x128xf32, #tpu.memory_space<vmem>> -> memref<128x128xf32, #tpu.memory_space<vmem>>
        tpu.wait_dma2 semaphore(%run_scoped3A : memref<!tpu.dma_semaphore, #tpu.memory_space<semaphore_mem>>) src(%dma_wait3A_106 : memref<128x128xf32, #tpu.memory_space<vmem>>) dst(%dma_wait3A_103 : memref<128x128xf32, #tpu.memory_space<hbm>>)
        tpu.yield
      }) : () -> ()
      %add3A_76 = arith.constant 256 : i32
      %add3A_77 = arith.addi %mul3A_0, %add3A_76 : i32
      "tpu.region"() ({
        %run_scoped3A = tpu.sem_alloc : memref<!tpu.dma_semaphore, #tpu.memory_space<semaphore_mem>>
        %dma_start3A = arith.constant 0 : i32
        %dma_start3A_88 = arith.constant 0 : i32
        %dma_start3A_89 = tpu.memref_slice %arg19[%dma_start3A, %dma_start3A_88] : memref<128x128xf32, #tpu.memory_space<vmem>> -> memref<128x128xf32, #tpu.memory_space<vmem>>
        %dma_start3A_90 = arith.constant 0 : i32
        %dma_start3A_91 = tpu.memref_slice %arg14[%add3A_77, %dma_start3A_90] : memref<10112x128xf32, #tpu.memory_space<vmem_shared>> -> memref<128x128xf32, #tpu.memory_space<vmem_shared>>
        %dma_start3A_92 = arith.constant 0 : i32
        %dma_start3A_93 = arith.constant 0 : i32
        %dma_start3A_94 = tpu.memref_slice %arg19[%dma_start3A_92, %dma_start3A_93] : memref<128x128xf32, #tpu.memory_space<vmem>> -> memref<128x128xf32, #tpu.memory_space<vmem>>
        %dma_start3A_95 = arith.constant 0 : i32
        %dma_start3A_96 = tpu.memref_slice %arg14[%add3A_77, %dma_start3A_95] : memref<10112x128xf32, #tpu.memory_space<vmem_shared>> -> memref<128x128xf32, #tpu.memory_space<vmem_shared>>
        tpu.enqueue_dma source(%dma_start3A_96 : memref<128x128xf32, #tpu.memory_space<vmem_shared>>) target(%dma_start3A_94 : memref<128x128xf32, #tpu.memory_space<vmem>>) target_semaphore(%run_scoped3A : memref<!tpu.dma_semaphore, #tpu.memory_space<semaphore_mem>>)
        %dma_wait3A_97 = arith.constant 0 : i32
        %dma_wait3A_98 = arith.constant 0 : i32
        %dma_wait3A_99 = tpu.memref_slice %arg19[%dma_wait3A_97, %dma_wait3A_98] : memref<128x128xf32, #tpu.memory_space<vmem>> -> memref<128x128xf32, #tpu.memory_space<vmem>>
        %dma_wait3A_100 = arith.constant 0 : i32
        %dma_wait3A_101 = tpu.memref_slice %arg14[%add3A_77, %dma_wait3A_100] : memref<10112x128xf32, #tpu.memory_space<vmem_shared>> -> memref<128x128xf32, #tpu.memory_space<vmem_shared>>
        %dma_wait3A_102 = arith.constant 0 : i32
        %dma_wait3A_103 = arith.constant 0 : i32
        %dma_wait3A_104 = tpu.memref_slice %arg19[%dma_wait3A_102, %dma_wait3A_103] : memref<128x128xf32, #tpu.memory_space<vmem>> -> memref<128x128xf32, #tpu.memory_space<vmem>>
        %dma_wait3A_105 = arith.constant 0 : i32
        %dma_wait3A_106 = tpu.memref_slice %arg14[%add3A_77, %dma_wait3A_105] : memref<10112x128xf32, #tpu.memory_space<vmem_shared>> -> memref<128x128xf32, #tpu.memory_space<vmem_shared>>
        tpu.wait_dma2 semaphore(%run_scoped3A : memref<!tpu.dma_semaphore, #tpu.memory_space<semaphore_mem>>) src(%dma_wait3A_106 : memref<128x128xf32, #tpu.memory_space<vmem_shared>>) dst(%dma_wait3A_104 : memref<128x128xf32, #tpu.memory_space<vmem>>)
        tpu.yield
      }) : () -> ()
      %add3A_78 = arith.constant 256 : i32
      %add3A_79 = arith.addi %mul3A_0, %add3A_78 : i32
      "tpu.region"() ({
        %run_scoped3A = tpu.sem_alloc : memref<!tpu.dma_semaphore, #tpu.memory_space<semaphore_mem>>
        %dma_start3A = arith.constant 0 : i32
        %dma_start3A_88 = arith.constant 0 : i32
        %dma_start3A_89 = tpu.memref_slice %arg19[%dma_start3A, %dma_start3A_88] : memref<128x128xf32, #tpu.memory_space<vmem>> -> memref<128x128xf32, #tpu.memory_space<vmem>>
        %dma_start3A_90 = arith.constant 0 : i32
        %dma_start3A_91 = tpu.memref_slice %arg11[%add3A_79, %dma_start3A_90] : memref<10112x128xf32, #tpu.memory_space<hbm>> -> memref<128x128xf32, #tpu.memory_space<hbm>>
        %dma_start3A_92 = arith.constant 0 : i32
        %dma_start3A_93 = tpu.memref_slice %arg11[%add3A_79, %dma_start3A_92] : memref<10112x128xf32, #tpu.memory_space<hbm>> -> memref<128x128xf32, #tpu.memory_space<hbm>>
        %dma_start3A_94 = arith.constant 0 : i32
        %dma_start3A_95 = arith.constant 0 : i32
        %dma_start3A_96 = tpu.memref_slice %arg19[%dma_start3A_94, %dma_start3A_95] : memref<128x128xf32, #tpu.memory_space<vmem>> -> memref<128x128xf32, #tpu.memory_space<vmem>>
        tpu.enqueue_dma source(%dma_start3A_96 : memref<128x128xf32, #tpu.memory_space<vmem>>) target(%dma_start3A_93 : memref<128x128xf32, #tpu.memory_space<hbm>>) target_semaphore(%run_scoped3A : memref<!tpu.dma_semaphore, #tpu.memory_space<semaphore_mem>>)
        %dma_wait3A_97 = arith.constant 0 : i32
        %dma_wait3A_98 = arith.constant 0 : i32
        %dma_wait3A_99 = tpu.memref_slice %arg19[%dma_wait3A_97, %dma_wait3A_98] : memref<128x128xf32, #tpu.memory_space<vmem>> -> memref<128x128xf32, #tpu.memory_space<vmem>>
        %dma_wait3A_100 = arith.constant 0 : i32
        %dma_wait3A_101 = tpu.memref_slice %arg11[%add3A_79, %dma_wait3A_100] : memref<10112x128xf32, #tpu.memory_space<hbm>> -> memref<128x128xf32, #tpu.memory_space<hbm>>
        %dma_wait3A_102 = arith.constant 0 : i32
        %dma_wait3A_103 = tpu.memref_slice %arg11[%add3A_79, %dma_wait3A_102] : memref<10112x128xf32, #tpu.memory_space<hbm>> -> memref<128x128xf32, #tpu.memory_space<hbm>>
        %dma_wait3A_104 = arith.constant 0 : i32
        %dma_wait3A_105 = arith.constant 0 : i32
        %dma_wait3A_106 = tpu.memref_slice %arg19[%dma_wait3A_104, %dma_wait3A_105] : memref<128x128xf32, #tpu.memory_space<vmem>> -> memref<128x128xf32, #tpu.memory_space<vmem>>
        tpu.wait_dma2 semaphore(%run_scoped3A : memref<!tpu.dma_semaphore, #tpu.memory_space<semaphore_mem>>) src(%dma_wait3A_106 : memref<128x128xf32, #tpu.memory_space<vmem>>) dst(%dma_wait3A_103 : memref<128x128xf32, #tpu.memory_space<hbm>>)
        tpu.yield
      }) : () -> ()
      %add3A_80 = arith.constant 384 : i32
      %add3A_81 = arith.addi %mul3A_0, %add3A_80 : i32
      "tpu.region"() ({
        %run_scoped3A = tpu.sem_alloc : memref<!tpu.dma_semaphore, #tpu.memory_space<semaphore_mem>>
        %dma_start3A = arith.constant 0 : i32
        %dma_start3A_88 = arith.constant 0 : i32
        %dma_start3A_89 = tpu.memref_slice %arg19[%dma_start3A, %dma_start3A_88] : memref<128x128xf32, #tpu.memory_space<vmem>> -> memref<128x128xf32, #tpu.memory_space<vmem>>
        %dma_start3A_90 = arith.constant 0 : i32
        %dma_start3A_91 = tpu.memref_slice %arg14[%add3A_81, %dma_start3A_90] : memref<10112x128xf32, #tpu.memory_space<vmem_shared>> -> memref<128x128xf32, #tpu.memory_space<vmem_shared>>
        %dma_start3A_92 = arith.constant 0 : i32
        %dma_start3A_93 = arith.constant 0 : i32
        %dma_start3A_94 = tpu.memref_slice %arg19[%dma_start3A_92, %dma_start3A_93] : memref<128x128xf32, #tpu.memory_space<vmem>> -> memref<128x128xf32, #tpu.memory_space<vmem>>
        %dma_start3A_95 = arith.constant 0 : i32
        %dma_start3A_96 = tpu.memref_slice %arg14[%add3A_81, %dma_start3A_95] : memref<10112x128xf32, #tpu.memory_space<vmem_shared>> -> memref<128x128xf32, #tpu.memory_space<vmem_shared>>
        tpu.enqueue_dma source(%dma_start3A_96 : memref<128x128xf32, #tpu.memory_space<vmem_shared>>) target(%dma_start3A_94 : memref<128x128xf32, #tpu.memory_space<vmem>>) target_semaphore(%run_scoped3A : memref<!tpu.dma_semaphore, #tpu.memory_space<semaphore_mem>>)
        %dma_wait3A_97 = arith.constant 0 : i32
        %dma_wait3A_98 = arith.constant 0 : i32
        %dma_wait3A_99 = tpu.memref_slice %arg19[%dma_wait3A_97, %dma_wait3A_98] : memref<128x128xf32, #tpu.memory_space<vmem>> -> memref<128x128xf32, #tpu.memory_space<vmem>>
        %dma_wait3A_100 = arith.constant 0 : i32
        %dma_wait3A_101 = tpu.memref_slice %arg14[%add3A_81, %dma_wait3A_100] : memref<10112x128xf32, #tpu.memory_space<vmem_shared>> -> memref<128x128xf32, #tpu.memory_space<vmem_shared>>
        %dma_wait3A_102 = arith.constant 0 : i32
        %dma_wait3A_103 = arith.constant 0 : i32
        %dma_wait3A_104 = tpu.memref_slice %arg19[%dma_wait3A_102, %dma_wait3A_103] : memref<128x128xf32, #tpu.memory_space<vmem>> -> memref<128x128xf32, #tpu.memory_space<vmem>>
        %dma_wait3A_105 = arith.constant 0 : i32
        %dma_wait3A_106 = tpu.memref_slice %arg14[%add3A_81, %dma_wait3A_105] : memref<10112x128xf32, #tpu.memory_space<vmem_shared>> -> memref<128x128xf32, #tpu.memory_space<vmem_shared>>
        tpu.wait_dma2 semaphore(%run_scoped3A : memref<!tpu.dma_semaphore, #tpu.memory_space<semaphore_mem>>) src(%dma_wait3A_106 : memref<128x128xf32, #tpu.memory_space<vmem_shared>>) dst(%dma_wait3A_104 : memref<128x128xf32, #tpu.memory_space<vmem>>)
        tpu.yield
      }) : () -> ()
      %add3A_82 = arith.constant 384 : i32
      %add3A_83 = arith.addi %mul3A_0, %add3A_82 : i32
      "tpu.region"() ({
        %run_scoped3A = tpu.sem_alloc : memref<!tpu.dma_semaphore, #tpu.memory_space<semaphore_mem>>
        %dma_start3A = arith.constant 0 : i32
        %dma_start3A_88 = arith.constant 0 : i32
        %dma_start3A_89 = tpu.memref_slice %arg19[%dma_start3A, %dma_start3A_88] : memref<128x128xf32, #tpu.memory_space<vmem>> -> memref<128x128xf32, #tpu.memory_space<vmem>>
        %dma_start3A_90 = arith.constant 0 : i32
        %dma_start3A_91 = tpu.memref_slice %arg11[%add3A_83, %dma_start3A_90] : memref<10112x128xf32, #tpu.memory_space<hbm>> -> memref<128x128xf32, #tpu.memory_space<hbm>>
        %dma_start3A_92 = arith.constant 0 : i32
        %dma_start3A_93 = tpu.memref_slice %arg11[%add3A_83, %dma_start3A_92] : memref<10112x128xf32, #tpu.memory_space<hbm>> -> memref<128x128xf32, #tpu.memory_space<hbm>>
        %dma_start3A_94 = arith.constant 0 : i32
        %dma_start3A_95 = arith.constant 0 : i32
        %dma_start3A_96 = tpu.memref_slice %arg19[%dma_start3A_94, %dma_start3A_95] : memref<128x128xf32, #tpu.memory_space<vmem>> -> memref<128x128xf32, #tpu.memory_space<vmem>>
        tpu.enqueue_dma source(%dma_start3A_96 : memref<128x128xf32, #tpu.memory_space<vmem>>) target(%dma_start3A_93 : memref<128x128xf32, #tpu.memory_space<hbm>>) target_semaphore(%run_scoped3A : memref<!tpu.dma_semaphore, #tpu.memory_space<semaphore_mem>>)
        %dma_wait3A_97 = arith.constant 0 : i32
        %dma_wait3A_98 = arith.constant 0 : i32
        %dma_wait3A_99 = tpu.memref_slice %arg19[%dma_wait3A_97, %dma_wait3A_98] : memref<128x128xf32, #tpu.memory_space<vmem>> -> memref<128x128xf32, #tpu.memory_space<vmem>>
        %dma_wait3A_100 = arith.constant 0 : i32
        %dma_wait3A_101 = tpu.memref_slice %arg11[%add3A_83, %dma_wait3A_100] : memref<10112x128xf32, #tpu.memory_space<hbm>> -> memref<128x128xf32, #tpu.memory_space<hbm>>
        %dma_wait3A_102 = arith.constant 0 : i32
        %dma_wait3A_103 = tpu.memref_slice %arg11[%add3A_83, %dma_wait3A_102] : memref<10112x128xf32, #tpu.memory_space<hbm>> -> memref<128x128xf32, #tpu.memory_space<hbm>>
        %dma_wait3A_104 = arith.constant 0 : i32
        %dma_wait3A_105 = arith.constant 0 : i32
        %dma_wait3A_106 = tpu.memref_slice %arg19[%dma_wait3A_104, %dma_wait3A_105] : memref<128x128xf32, #tpu.memory_space<vmem>> -> memref<128x128xf32, #tpu.memory_space<vmem>>
        tpu.wait_dma2 semaphore(%run_scoped3A : memref<!tpu.dma_semaphore, #tpu.memory_space<semaphore_mem>>) src(%dma_wait3A_106 : memref<128x128xf32, #tpu.memory_space<vmem>>) dst(%dma_wait3A_103 : memref<128x128xf32, #tpu.memory_space<hbm>>)
        tpu.yield
      }) : () -> ()
      %add3A_84 = arith.constant 512 : i32
      %add3A_85 = arith.addi %mul3A_0, %add3A_84 : i32
      "tpu.region"() ({
        %run_scoped3A = tpu.sem_alloc : memref<!tpu.dma_semaphore, #tpu.memory_space<semaphore_mem>>
        %dma_start3A = arith.constant 0 : i32
        %dma_start3A_88 = arith.constant 0 : i32
        %dma_start3A_89 = tpu.memref_slice %arg19[%dma_start3A, %dma_start3A_88] : memref<128x128xf32, #tpu.memory_space<vmem>> -> memref<120x128xf32, #tpu.memory_space<vmem>>
        %dma_start3A_90 = arith.constant 0 : i32
        %dma_start3A_91 = tpu.memref_slice %arg14[%add3A_85, %dma_start3A_90] : memref<10112x128xf32, #tpu.memory_space<vmem_shared>> -> memref<120x128xf32, #tpu.memory_space<vmem_shared>>
        %dma_start3A_92 = arith.constant 0 : i32
        %dma_start3A_93 = arith.constant 0 : i32
        %dma_start3A_94 = tpu.memref_slice %arg19[%dma_start3A_92, %dma_start3A_93] : memref<128x128xf32, #tpu.memory_space<vmem>> -> memref<120x128xf32, #tpu.memory_space<vmem>>
        %dma_start3A_95 = arith.constant 0 : i32
        %dma_start3A_96 = tpu.memref_slice %arg14[%add3A_85, %dma_start3A_95] : memref<10112x128xf32, #tpu.memory_space<vmem_shared>> -> memref<120x128xf32, #tpu.memory_space<vmem_shared>>
        tpu.enqueue_dma source(%dma_start3A_96 : memref<120x128xf32, #tpu.memory_space<vmem_shared>>) target(%dma_start3A_94 : memref<120x128xf32, #tpu.memory_space<vmem>>) target_semaphore(%run_scoped3A : memref<!tpu.dma_semaphore, #tpu.memory_space<semaphore_mem>>)
        %dma_wait3A_97 = arith.constant 0 : i32
        %dma_wait3A_98 = arith.constant 0 : i32
        %dma_wait3A_99 = tpu.memref_slice %arg19[%dma_wait3A_97, %dma_wait3A_98] : memref<128x128xf32, #tpu.memory_space<vmem>> -> memref<120x128xf32, #tpu.memory_space<vmem>>
        %dma_wait3A_100 = arith.constant 0 : i32
        %dma_wait3A_101 = tpu.memref_slice %arg14[%add3A_85, %dma_wait3A_100] : memref<10112x128xf32, #tpu.memory_space<vmem_shared>> -> memref<120x128xf32, #tpu.memory_space<vmem_shared>>
        %dma_wait3A_102 = arith.constant 0 : i32
        %dma_wait3A_103 = arith.constant 0 : i32
        %dma_wait3A_104 = tpu.memref_slice %arg19[%dma_wait3A_102, %dma_wait3A_103] : memref<128x128xf32, #tpu.memory_space<vmem>> -> memref<120x128xf32, #tpu.memory_space<vmem>>
        %dma_wait3A_105 = arith.constant 0 : i32
        %dma_wait3A_106 = tpu.memref_slice %arg14[%add3A_85, %dma_wait3A_105] : memref<10112x128xf32, #tpu.memory_space<vmem_shared>> -> memref<120x128xf32, #tpu.memory_space<vmem_shared>>
        tpu.wait_dma2 semaphore(%run_scoped3A : memref<!tpu.dma_semaphore, #tpu.memory_space<semaphore_mem>>) src(%dma_wait3A_106 : memref<120x128xf32, #tpu.memory_space<vmem_shared>>) dst(%dma_wait3A_104 : memref<120x128xf32, #tpu.memory_space<vmem>>)
        tpu.yield
      }) : () -> ()
      %add3A_86 = arith.constant 512 : i32
      %add3A_87 = arith.addi %mul3A_0, %add3A_86 : i32
      "tpu.region"() ({
        %run_scoped3A = tpu.sem_alloc : memref<!tpu.dma_semaphore, #tpu.memory_space<semaphore_mem>>
        %dma_start3A = arith.constant 0 : i32
        %dma_start3A_88 = arith.constant 0 : i32
        %dma_start3A_89 = tpu.memref_slice %arg19[%dma_start3A, %dma_start3A_88] : memref<128x128xf32, #tpu.memory_space<vmem>> -> memref<120x128xf32, #tpu.memory_space<vmem>>
        %dma_start3A_90 = arith.constant 0 : i32
        %dma_start3A_91 = tpu.memref_slice %arg11[%add3A_87, %dma_start3A_90] : memref<10112x128xf32, #tpu.memory_space<hbm>> -> memref<120x128xf32, #tpu.memory_space<hbm>>
        %dma_start3A_92 = arith.constant 0 : i32
        %dma_start3A_93 = tpu.memref_slice %arg11[%add3A_87, %dma_start3A_92] : memref<10112x128xf32, #tpu.memory_space<hbm>> -> memref<120x128xf32, #tpu.memory_space<hbm>>
        %dma_start3A_94 = arith.constant 0 : i32
        %dma_start3A_95 = arith.constant 0 : i32
        %dma_start3A_96 = tpu.memref_slice %arg19[%dma_start3A_94, %dma_start3A_95] : memref<128x128xf32, #tpu.memory_space<vmem>> -> memref<120x128xf32, #tpu.memory_space<vmem>>
        tpu.enqueue_dma source(%dma_start3A_96 : memref<120x128xf32, #tpu.memory_space<vmem>>) target(%dma_start3A_93 : memref<120x128xf32, #tpu.memory_space<hbm>>) target_semaphore(%run_scoped3A : memref<!tpu.dma_semaphore, #tpu.memory_space<semaphore_mem>>)
        %dma_wait3A_97 = arith.constant 0 : i32
        %dma_wait3A_98 = arith.constant 0 : i32
        %dma_wait3A_99 = tpu.memref_slice %arg19[%dma_wait3A_97, %dma_wait3A_98] : memref<128x128xf32, #tpu.memory_space<vmem>> -> memref<120x128xf32, #tpu.memory_space<vmem>>
        %dma_wait3A_100 = arith.constant 0 : i32
        %dma_wait3A_101 = tpu.memref_slice %arg11[%add3A_87, %dma_wait3A_100] : memref<10112x128xf32, #tpu.memory_space<hbm>> -> memref<120x128xf32, #tpu.memory_space<hbm>>
        %dma_wait3A_102 = arith.constant 0 : i32
        %dma_wait3A_103 = tpu.memref_slice %arg11[%add3A_87, %dma_wait3A_102] : memref<10112x128xf32, #tpu.memory_space<hbm>> -> memref<120x128xf32, #tpu.memory_space<hbm>>
        %dma_wait3A_104 = arith.constant 0 : i32
        %dma_wait3A_105 = arith.constant 0 : i32
        %dma_wait3A_106 = tpu.memref_slice %arg19[%dma_wait3A_104, %dma_wait3A_105] : memref<128x128xf32, #tpu.memory_space<vmem>> -> memref<120x128xf32, #tpu.memory_space<vmem>>
        tpu.wait_dma2 semaphore(%run_scoped3A : memref<!tpu.dma_semaphore, #tpu.memory_space<semaphore_mem>>) src(%dma_wait3A_106 : memref<120x128xf32, #tpu.memory_space<vmem>>) dst(%dma_wait3A_103 : memref<120x128xf32, #tpu.memory_space<hbm>>)
        tpu.yield
      }) : () -> ()
    } else {
    }
    %eq3A_63 = arith.constant 1 : i32
    %eq3A_64 = arith.cmpi eq, %arg0, %eq3A_63 : i32
    %convert_element_type3A_65 = arith.extui %eq3A_64 : i1 to i32
    %cond3A_66 = arith.constant 0 : i32
    %cond3A_67 = arith.cmpi ne, %convert_element_type3A_65, %cond3A_66 : i32
    scf.if %cond3A_67 {
      %add3A_68 = arith.constant 0 : i32
      %add3A_69 = arith.addi %mul3A_0, %add3A_68 : i32
      "tpu.region"() ({
        %run_scoped3A = tpu.sem_alloc : memref<!tpu.dma_semaphore, #tpu.memory_space<semaphore_mem>>
        %dma_start3A = arith.constant 0 : i32
        %dma_start3A_88 = arith.constant 0 : i32
        %dma_start3A_89 = tpu.memref_slice %arg19[%dma_start3A, %dma_start3A_88] : memref<128x128xf32, #tpu.memory_space<vmem>> -> memref<128x128xf32, #tpu.memory_space<vmem>>
        %dma_start3A_90 = arith.constant 0 : i32
        %dma_start3A_91 = tpu.memref_slice %arg14[%add3A_69, %dma_start3A_90] : memref<10112x128xf32, #tpu.memory_space<vmem_shared>> -> memref<128x128xf32, #tpu.memory_space<vmem_shared>>
        %dma_start3A_92 = arith.constant 0 : i32
        %dma_start3A_93 = arith.constant 0 : i32
        %dma_start3A_94 = tpu.memref_slice %arg19[%dma_start3A_92, %dma_start3A_93] : memref<128x128xf32, #tpu.memory_space<vmem>> -> memref<128x128xf32, #tpu.memory_space<vmem>>
        %dma_start3A_95 = arith.constant 0 : i32
        %dma_start3A_96 = tpu.memref_slice %arg14[%add3A_69, %dma_start3A_95] : memref<10112x128xf32, #tpu.memory_space<vmem_shared>> -> memref<128x128xf32, #tpu.memory_space<vmem_shared>>
        tpu.enqueue_dma source(%dma_start3A_96 : memref<128x128xf32, #tpu.memory_space<vmem_shared>>) target(%dma_start3A_94 : memref<128x128xf32, #tpu.memory_space<vmem>>) target_semaphore(%run_scoped3A : memref<!tpu.dma_semaphore, #tpu.memory_space<semaphore_mem>>)
        %dma_wait3A_97 = arith.constant 0 : i32
        %dma_wait3A_98 = arith.constant 0 : i32
        %dma_wait3A_99 = tpu.memref_slice %arg19[%dma_wait3A_97, %dma_wait3A_98] : memref<128x128xf32, #tpu.memory_space<vmem>> -> memref<128x128xf32, #tpu.memory_space<vmem>>
        %dma_wait3A_100 = arith.constant 0 : i32
        %dma_wait3A_101 = tpu.memref_slice %arg14[%add3A_69, %dma_wait3A_100] : memref<10112x128xf32, #tpu.memory_space<vmem_shared>> -> memref<128x128xf32, #tpu.memory_space<vmem_shared>>
        %dma_wait3A_102 = arith.constant 0 : i32
        %dma_wait3A_103 = arith.constant 0 : i32
        %dma_wait3A_104 = tpu.memref_slice %arg19[%dma_wait3A_102, %dma_wait3A_103] : memref<128x128xf32, #tpu.memory_space<vmem>> -> memref<128x128xf32, #tpu.memory_space<vmem>>
        %dma_wait3A_105 = arith.constant 0 : i32
        %dma_wait3A_106 = tpu.memref_slice %arg14[%add3A_69, %dma_wait3A_105] : memref<10112x128xf32, #tpu.memory_space<vmem_shared>> -> memref<128x128xf32, #tpu.memory_space<vmem_shared>>
        tpu.wait_dma2 semaphore(%run_scoped3A : memref<!tpu.dma_semaphore, #tpu.memory_space<semaphore_mem>>) src(%dma_wait3A_106 : memref<128x128xf32, #tpu.memory_space<vmem_shared>>) dst(%dma_wait3A_104 : memref<128x128xf32, #tpu.memory_space<vmem>>)
        tpu.yield
      }) : () -> ()
      %add3A_70 = arith.constant 0 : i32
      %add3A_71 = arith.addi %mul3A_0, %add3A_70 : i32
      "tpu.region"() ({
        %run_scoped3A = tpu.sem_alloc : memref<!tpu.dma_semaphore, #tpu.memory_space<semaphore_mem>>
        %dma_start3A = arith.constant 0 : i32
        %dma_start3A_88 = arith.constant 0 : i32
        %dma_start3A_89 = tpu.memref_slice %arg19[%dma_start3A, %dma_start3A_88] : memref<128x128xf32, #tpu.memory_space<vmem>> -> memref<128x128xf32, #tpu.memory_space<vmem>>
        %dma_start3A_90 = arith.constant 0 : i32
        %dma_start3A_91 = tpu.memref_slice %arg13[%add3A_71, %dma_start3A_90] : memref<10112x128xf32, #tpu.memory_space<hbm>> -> memref<128x128xf32, #tpu.memory_space<hbm>>
        %dma_start3A_92 = arith.constant 0 : i32
        %dma_start3A_93 = tpu.memref_slice %arg13[%add3A_71, %dma_start3A_92] : memref<10112x128xf32, #tpu.memory_space<hbm>> -> memref<128x128xf32, #tpu.memory_space<hbm>>
        %dma_start3A_94 = arith.constant 0 : i32
        %dma_start3A_95 = arith.constant 0 : i32
        %dma_start3A_96 = tpu.memref_slice %arg19[%dma_start3A_94, %dma_start3A_95] : memref<128x128xf32, #tpu.memory_space<vmem>> -> memref<128x128xf32, #tpu.memory_space<vmem>>
        tpu.enqueue_dma source(%dma_start3A_96 : memref<128x128xf32, #tpu.memory_space<vmem>>) target(%dma_start3A_93 : memref<128x128xf32, #tpu.memory_space<hbm>>) target_semaphore(%run_scoped3A : memref<!tpu.dma_semaphore, #tpu.memory_space<semaphore_mem>>)
        %dma_wait3A_97 = arith.constant 0 : i32
        %dma_wait3A_98 = arith.constant 0 : i32
        %dma_wait3A_99 = tpu.memref_slice %arg19[%dma_wait3A_97, %dma_wait3A_98] : memref<128x128xf32, #tpu.memory_space<vmem>> -> memref<128x128xf32, #tpu.memory_space<vmem>>
        %dma_wait3A_100 = arith.constant 0 : i32
        %dma_wait3A_101 = tpu.memref_slice %arg13[%add3A_71, %dma_wait3A_100] : memref<10112x128xf32, #tpu.memory_space<hbm>> -> memref<128x128xf32, #tpu.memory_space<hbm>>
        %dma_wait3A_102 = arith.constant 0 : i32
        %dma_wait3A_103 = tpu.memref_slice %arg13[%add3A_71, %dma_wait3A_102] : memref<10112x128xf32, #tpu.memory_space<hbm>> -> memref<128x128xf32, #tpu.memory_space<hbm>>
        %dma_wait3A_104 = arith.constant 0 : i32
        %dma_wait3A_105 = arith.constant 0 : i32
        %dma_wait3A_106 = tpu.memref_slice %arg19[%dma_wait3A_104, %dma_wait3A_105] : memref<128x128xf32, #tpu.memory_space<vmem>> -> memref<128x128xf32, #tpu.memory_space<vmem>>
        tpu.wait_dma2 semaphore(%run_scoped3A : memref<!tpu.dma_semaphore, #tpu.memory_space<semaphore_mem>>) src(%dma_wait3A_106 : memref<128x128xf32, #tpu.memory_space<vmem>>) dst(%dma_wait3A_103 : memref<128x128xf32, #tpu.memory_space<hbm>>)
        tpu.yield
      }) : () -> ()
      %add3A_72 = arith.constant 128 : i32
      %add3A_73 = arith.addi %mul3A_0, %add3A_72 : i32
      "tpu.region"() ({
        %run_scoped3A = tpu.sem_alloc : memref<!tpu.dma_semaphore, #tpu.memory_space<semaphore_mem>>
        %dma_start3A = arith.constant 0 : i32
        %dma_start3A_88 = arith.constant 0 : i32
        %dma_start3A_89 = tpu.memref_slice %arg19[%dma_start3A, %dma_start3A_88] : memref<128x128xf32, #tpu.memory_space<vmem>> -> memref<128x128xf32, #tpu.memory_space<vmem>>
        %dma_start3A_90 = arith.constant 0 : i32
        %dma_start3A_91 = tpu.memref_slice %arg14[%add3A_73, %dma_start3A_90] : memref<10112x128xf32, #tpu.memory_space<vmem_shared>> -> memref<128x128xf32, #tpu.memory_space<vmem_shared>>
        %dma_start3A_92 = arith.constant 0 : i32
        %dma_start3A_93 = arith.constant 0 : i32
        %dma_start3A_94 = tpu.memref_slice %arg19[%dma_start3A_92, %dma_start3A_93] : memref<128x128xf32, #tpu.memory_space<vmem>> -> memref<128x128xf32, #tpu.memory_space<vmem>>
        %dma_start3A_95 = arith.constant 0 : i32
        %dma_start3A_96 = tpu.memref_slice %arg14[%add3A_73, %dma_start3A_95] : memref<10112x128xf32, #tpu.memory_space<vmem_shared>> -> memref<128x128xf32, #tpu.memory_space<vmem_shared>>
        tpu.enqueue_dma source(%dma_start3A_96 : memref<128x128xf32, #tpu.memory_space<vmem_shared>>) target(%dma_start3A_94 : memref<128x128xf32, #tpu.memory_space<vmem>>) target_semaphore(%run_scoped3A : memref<!tpu.dma_semaphore, #tpu.memory_space<semaphore_mem>>)
        %dma_wait3A_97 = arith.constant 0 : i32
        %dma_wait3A_98 = arith.constant 0 : i32
        %dma_wait3A_99 = tpu.memref_slice %arg19[%dma_wait3A_97, %dma_wait3A_98] : memref<128x128xf32, #tpu.memory_space<vmem>> -> memref<128x128xf32, #tpu.memory_space<vmem>>
        %dma_wait3A_100 = arith.constant 0 : i32
        %dma_wait3A_101 = tpu.memref_slice %arg14[%add3A_73, %dma_wait3A_100] : memref<10112x128xf32, #tpu.memory_space<vmem_shared>> -> memref<128x128xf32, #tpu.memory_space<vmem_shared>>
        %dma_wait3A_102 = arith.constant 0 : i32
        %dma_wait3A_103 = arith.constant 0 : i32
        %dma_wait3A_104 = tpu.memref_slice %arg19[%dma_wait3A_102, %dma_wait3A_103] : memref<128x128xf32, #tpu.memory_space<vmem>> -> memref<128x128xf32, #tpu.memory_space<vmem>>
        %dma_wait3A_105 = arith.constant 0 : i32
        %dma_wait3A_106 = tpu.memref_slice %arg14[%add3A_73, %dma_wait3A_105] : memref<10112x128xf32, #tpu.memory_space<vmem_shared>> -> memref<128x128xf32, #tpu.memory_space<vmem_shared>>
        tpu.wait_dma2 semaphore(%run_scoped3A : memref<!tpu.dma_semaphore, #tpu.memory_space<semaphore_mem>>) src(%dma_wait3A_106 : memref<128x128xf32, #tpu.memory_space<vmem_shared>>) dst(%dma_wait3A_104 : memref<128x128xf32, #tpu.memory_space<vmem>>)
        tpu.yield
      }) : () -> ()
      %add3A_74 = arith.constant 128 : i32
      %add3A_75 = arith.addi %mul3A_0, %add3A_74 : i32
      "tpu.region"() ({
        %run_scoped3A = tpu.sem_alloc : memref<!tpu.dma_semaphore, #tpu.memory_space<semaphore_mem>>
        %dma_start3A = arith.constant 0 : i32
        %dma_start3A_88 = arith.constant 0 : i32
        %dma_start3A_89 = tpu.memref_slice %arg19[%dma_start3A, %dma_start3A_88] : memref<128x128xf32, #tpu.memory_space<vmem>> -> memref<128x128xf32, #tpu.memory_space<vmem>>
        %dma_start3A_90 = arith.constant 0 : i32
        %dma_start3A_91 = tpu.memref_slice %arg13[%add3A_75, %dma_start3A_90] : memref<10112x128xf32, #tpu.memory_space<hbm>> -> memref<128x128xf32, #tpu.memory_space<hbm>>
        %dma_start3A_92 = arith.constant 0 : i32
        %dma_start3A_93 = tpu.memref_slice %arg13[%add3A_75, %dma_start3A_92] : memref<10112x128xf32, #tpu.memory_space<hbm>> -> memref<128x128xf32, #tpu.memory_space<hbm>>
        %dma_start3A_94 = arith.constant 0 : i32
        %dma_start3A_95 = arith.constant 0 : i32
        %dma_start3A_96 = tpu.memref_slice %arg19[%dma_start3A_94, %dma_start3A_95] : memref<128x128xf32, #tpu.memory_space<vmem>> -> memref<128x128xf32, #tpu.memory_space<vmem>>
        tpu.enqueue_dma source(%dma_start3A_96 : memref<128x128xf32, #tpu.memory_space<vmem>>) target(%dma_start3A_93 : memref<128x128xf32, #tpu.memory_space<hbm>>) target_semaphore(%run_scoped3A : memref<!tpu.dma_semaphore, #tpu.memory_space<semaphore_mem>>)
        %dma_wait3A_97 = arith.constant 0 : i32
        %dma_wait3A_98 = arith.constant 0 : i32
        %dma_wait3A_99 = tpu.memref_slice %arg19[%dma_wait3A_97, %dma_wait3A_98] : memref<128x128xf32, #tpu.memory_space<vmem>> -> memref<128x128xf32, #tpu.memory_space<vmem>>
        %dma_wait3A_100 = arith.constant 0 : i32
        %dma_wait3A_101 = tpu.memref_slice %arg13[%add3A_75, %dma_wait3A_100] : memref<10112x128xf32, #tpu.memory_space<hbm>> -> memref<128x128xf32, #tpu.memory_space<hbm>>
        %dma_wait3A_102 = arith.constant 0 : i32
        %dma_wait3A_103 = tpu.memref_slice %arg13[%add3A_75, %dma_wait3A_102] : memref<10112x128xf32, #tpu.memory_space<hbm>> -> memref<128x128xf32, #tpu.memory_space<hbm>>
        %dma_wait3A_104 = arith.constant 0 : i32
        %dma_wait3A_105 = arith.constant 0 : i32
        %dma_wait3A_106 = tpu.memref_slice %arg19[%dma_wait3A_104, %dma_wait3A_105] : memref<128x128xf32, #tpu.memory_space<vmem>> -> memref<128x128xf32, #tpu.memory_space<vmem>>
        tpu.wait_dma2 semaphore(%run_scoped3A : memref<!tpu.dma_semaphore, #tpu.memory_space<semaphore_mem>>) src(%dma_wait3A_106 : memref<128x128xf32, #tpu.memory_space<vmem>>) dst(%dma_wait3A_103 : memref<128x128xf32, #tpu.memory_space<hbm>>)
        tpu.yield
      }) : () -> ()
      %add3A_76 = arith.constant 256 : i32
      %add3A_77 = arith.addi %mul3A_0, %add3A_76 : i32
      "tpu.region"() ({
        %run_scoped3A = tpu.sem_alloc : memref<!tpu.dma_semaphore, #tpu.memory_space<semaphore_mem>>
        %dma_start3A = arith.constant 0 : i32
        %dma_start3A_88 = arith.constant 0 : i32
        %dma_start3A_89 = tpu.memref_slice %arg19[%dma_start3A, %dma_start3A_88] : memref<128x128xf32, #tpu.memory_space<vmem>> -> memref<128x128xf32, #tpu.memory_space<vmem>>
        %dma_start3A_90 = arith.constant 0 : i32
        %dma_start3A_91 = tpu.memref_slice %arg14[%add3A_77, %dma_start3A_90] : memref<10112x128xf32, #tpu.memory_space<vmem_shared>> -> memref<128x128xf32, #tpu.memory_space<vmem_shared>>
        %dma_start3A_92 = arith.constant 0 : i32
        %dma_start3A_93 = arith.constant 0 : i32
        %dma_start3A_94 = tpu.memref_slice %arg19[%dma_start3A_92, %dma_start3A_93] : memref<128x128xf32, #tpu.memory_space<vmem>> -> memref<128x128xf32, #tpu.memory_space<vmem>>
        %dma_start3A_95 = arith.constant 0 : i32
        %dma_start3A_96 = tpu.memref_slice %arg14[%add3A_77, %dma_start3A_95] : memref<10112x128xf32, #tpu.memory_space<vmem_shared>> -> memref<128x128xf32, #tpu.memory_space<vmem_shared>>
        tpu.enqueue_dma source(%dma_start3A_96 : memref<128x128xf32, #tpu.memory_space<vmem_shared>>) target(%dma_start3A_94 : memref<128x128xf32, #tpu.memory_space<vmem>>) target_semaphore(%run_scoped3A : memref<!tpu.dma_semaphore, #tpu.memory_space<semaphore_mem>>)
        %dma_wait3A_97 = arith.constant 0 : i32
        %dma_wait3A_98 = arith.constant 0 : i32
        %dma_wait3A_99 = tpu.memref_slice %arg19[%dma_wait3A_97, %dma_wait3A_98] : memref<128x128xf32, #tpu.memory_space<vmem>> -> memref<128x128xf32, #tpu.memory_space<vmem>>
        %dma_wait3A_100 = arith.constant 0 : i32
        %dma_wait3A_101 = tpu.memref_slice %arg14[%add3A_77, %dma_wait3A_100] : memref<10112x128xf32, #tpu.memory_space<vmem_shared>> -> memref<128x128xf32, #tpu.memory_space<vmem_shared>>
        %dma_wait3A_102 = arith.constant 0 : i32
        %dma_wait3A_103 = arith.constant 0 : i32
        %dma_wait3A_104 = tpu.memref_slice %arg19[%dma_wait3A_102, %dma_wait3A_103] : memref<128x128xf32, #tpu.memory_space<vmem>> -> memref<128x128xf32, #tpu.memory_space<vmem>>
        %dma_wait3A_105 = arith.constant 0 : i32
        %dma_wait3A_106 = tpu.memref_slice %arg14[%add3A_77, %dma_wait3A_105] : memref<10112x128xf32, #tpu.memory_space<vmem_shared>> -> memref<128x128xf32, #tpu.memory_space<vmem_shared>>
        tpu.wait_dma2 semaphore(%run_scoped3A : memref<!tpu.dma_semaphore, #tpu.memory_space<semaphore_mem>>) src(%dma_wait3A_106 : memref<128x128xf32, #tpu.memory_space<vmem_shared>>) dst(%dma_wait3A_104 : memref<128x128xf32, #tpu.memory_space<vmem>>)
        tpu.yield
      }) : () -> ()
      %add3A_78 = arith.constant 256 : i32
      %add3A_79 = arith.addi %mul3A_0, %add3A_78 : i32
      "tpu.region"() ({
        %run_scoped3A = tpu.sem_alloc : memref<!tpu.dma_semaphore, #tpu.memory_space<semaphore_mem>>
        %dma_start3A = arith.constant 0 : i32
        %dma_start3A_88 = arith.constant 0 : i32
        %dma_start3A_89 = tpu.memref_slice %arg19[%dma_start3A, %dma_start3A_88] : memref<128x128xf32, #tpu.memory_space<vmem>> -> memref<128x128xf32, #tpu.memory_space<vmem>>
        %dma_start3A_90 = arith.constant 0 : i32
        %dma_start3A_91 = tpu.memref_slice %arg13[%add3A_79, %dma_start3A_90] : memref<10112x128xf32, #tpu.memory_space<hbm>> -> memref<128x128xf32, #tpu.memory_space<hbm>>
        %dma_start3A_92 = arith.constant 0 : i32
        %dma_start3A_93 = tpu.memref_slice %arg13[%add3A_79, %dma_start3A_92] : memref<10112x128xf32, #tpu.memory_space<hbm>> -> memref<128x128xf32, #tpu.memory_space<hbm>>
        %dma_start3A_94 = arith.constant 0 : i32
        %dma_start3A_95 = arith.constant 0 : i32
        %dma_start3A_96 = tpu.memref_slice %arg19[%dma_start3A_94, %dma_start3A_95] : memref<128x128xf32, #tpu.memory_space<vmem>> -> memref<128x128xf32, #tpu.memory_space<vmem>>
        tpu.enqueue_dma source(%dma_start3A_96 : memref<128x128xf32, #tpu.memory_space<vmem>>) target(%dma_start3A_93 : memref<128x128xf32, #tpu.memory_space<hbm>>) target_semaphore(%run_scoped3A : memref<!tpu.dma_semaphore, #tpu.memory_space<semaphore_mem>>)
        %dma_wait3A_97 = arith.constant 0 : i32
        %dma_wait3A_98 = arith.constant 0 : i32
        %dma_wait3A_99 = tpu.memref_slice %arg19[%dma_wait3A_97, %dma_wait3A_98] : memref<128x128xf32, #tpu.memory_space<vmem>> -> memref<128x128xf32, #tpu.memory_space<vmem>>
        %dma_wait3A_100 = arith.constant 0 : i32
        %dma_wait3A_101 = tpu.memref_slice %arg13[%add3A_79, %dma_wait3A_100] : memref<10112x128xf32, #tpu.memory_space<hbm>> -> memref<128x128xf32, #tpu.memory_space<hbm>>
        %dma_wait3A_102 = arith.constant 0 : i32
        %dma_wait3A_103 = tpu.memref_slice %arg13[%add3A_79, %dma_wait3A_102] : memref<10112x128xf32, #tpu.memory_space<hbm>> -> memref<128x128xf32, #tpu.memory_space<hbm>>
        %dma_wait3A_104 = arith.constant 0 : i32
        %dma_wait3A_105 = arith.constant 0 : i32
        %dma_wait3A_106 = tpu.memref_slice %arg19[%dma_wait3A_104, %dma_wait3A_105] : memref<128x128xf32, #tpu.memory_space<vmem>> -> memref<128x128xf32, #tpu.memory_space<vmem>>
        tpu.wait_dma2 semaphore(%run_scoped3A : memref<!tpu.dma_semaphore, #tpu.memory_space<semaphore_mem>>) src(%dma_wait3A_106 : memref<128x128xf32, #tpu.memory_space<vmem>>) dst(%dma_wait3A_103 : memref<128x128xf32, #tpu.memory_space<hbm>>)
        tpu.yield
      }) : () -> ()
      %add3A_80 = arith.constant 384 : i32
      %add3A_81 = arith.addi %mul3A_0, %add3A_80 : i32
      "tpu.region"() ({
        %run_scoped3A = tpu.sem_alloc : memref<!tpu.dma_semaphore, #tpu.memory_space<semaphore_mem>>
        %dma_start3A = arith.constant 0 : i32
        %dma_start3A_88 = arith.constant 0 : i32
        %dma_start3A_89 = tpu.memref_slice %arg19[%dma_start3A, %dma_start3A_88] : memref<128x128xf32, #tpu.memory_space<vmem>> -> memref<128x128xf32, #tpu.memory_space<vmem>>
        %dma_start3A_90 = arith.constant 0 : i32
        %dma_start3A_91 = tpu.memref_slice %arg14[%add3A_81, %dma_start3A_90] : memref<10112x128xf32, #tpu.memory_space<vmem_shared>> -> memref<128x128xf32, #tpu.memory_space<vmem_shared>>
        %dma_start3A_92 = arith.constant 0 : i32
        %dma_start3A_93 = arith.constant 0 : i32
        %dma_start3A_94 = tpu.memref_slice %arg19[%dma_start3A_92, %dma_start3A_93] : memref<128x128xf32, #tpu.memory_space<vmem>> -> memref<128x128xf32, #tpu.memory_space<vmem>>
        %dma_start3A_95 = arith.constant 0 : i32
        %dma_start3A_96 = tpu.memref_slice %arg14[%add3A_81, %dma_start3A_95] : memref<10112x128xf32, #tpu.memory_space<vmem_shared>> -> memref<128x128xf32, #tpu.memory_space<vmem_shared>>
        tpu.enqueue_dma source(%dma_start3A_96 : memref<128x128xf32, #tpu.memory_space<vmem_shared>>) target(%dma_start3A_94 : memref<128x128xf32, #tpu.memory_space<vmem>>) target_semaphore(%run_scoped3A : memref<!tpu.dma_semaphore, #tpu.memory_space<semaphore_mem>>)
        %dma_wait3A_97 = arith.constant 0 : i32
        %dma_wait3A_98 = arith.constant 0 : i32
        %dma_wait3A_99 = tpu.memref_slice %arg19[%dma_wait3A_97, %dma_wait3A_98] : memref<128x128xf32, #tpu.memory_space<vmem>> -> memref<128x128xf32, #tpu.memory_space<vmem>>
        %dma_wait3A_100 = arith.constant 0 : i32
        %dma_wait3A_101 = tpu.memref_slice %arg14[%add3A_81, %dma_wait3A_100] : memref<10112x128xf32, #tpu.memory_space<vmem_shared>> -> memref<128x128xf32, #tpu.memory_space<vmem_shared>>
        %dma_wait3A_102 = arith.constant 0 : i32
        %dma_wait3A_103 = arith.constant 0 : i32
        %dma_wait3A_104 = tpu.memref_slice %arg19[%dma_wait3A_102, %dma_wait3A_103] : memref<128x128xf32, #tpu.memory_space<vmem>> -> memref<128x128xf32, #tpu.memory_space<vmem>>
        %dma_wait3A_105 = arith.constant 0 : i32
        %dma_wait3A_106 = tpu.memref_slice %arg14[%add3A_81, %dma_wait3A_105] : memref<10112x128xf32, #tpu.memory_space<vmem_shared>> -> memref<128x128xf32, #tpu.memory_space<vmem_shared>>
        tpu.wait_dma2 semaphore(%run_scoped3A : memref<!tpu.dma_semaphore, #tpu.memory_space<semaphore_mem>>) src(%dma_wait3A_106 : memref<128x128xf32, #tpu.memory_space<vmem_shared>>) dst(%dma_wait3A_104 : memref<128x128xf32, #tpu.memory_space<vmem>>)
        tpu.yield
      }) : () -> ()
      %add3A_82 = arith.constant 384 : i32
      %add3A_83 = arith.addi %mul3A_0, %add3A_82 : i32
      "tpu.region"() ({
        %run_scoped3A = tpu.sem_alloc : memref<!tpu.dma_semaphore, #tpu.memory_space<semaphore_mem>>
        %dma_start3A = arith.constant 0 : i32
        %dma_start3A_88 = arith.constant 0 : i32
        %dma_start3A_89 = tpu.memref_slice %arg19[%dma_start3A, %dma_start3A_88] : memref<128x128xf32, #tpu.memory_space<vmem>> -> memref<128x128xf32, #tpu.memory_space<vmem>>
        %dma_start3A_90 = arith.constant 0 : i32
        %dma_start3A_91 = tpu.memref_slice %arg13[%add3A_83, %dma_start3A_90] : memref<10112x128xf32, #tpu.memory_space<hbm>> -> memref<128x128xf32, #tpu.memory_space<hbm>>
        %dma_start3A_92 = arith.constant 0 : i32
        %dma_start3A_93 = tpu.memref_slice %arg13[%add3A_83, %dma_start3A_92] : memref<10112x128xf32, #tpu.memory_space<hbm>> -> memref<128x128xf32, #tpu.memory_space<hbm>>
        %dma_start3A_94 = arith.constant 0 : i32
        %dma_start3A_95 = arith.constant 0 : i32
        %dma_start3A_96 = tpu.memref_slice %arg19[%dma_start3A_94, %dma_start3A_95] : memref<128x128xf32, #tpu.memory_space<vmem>> -> memref<128x128xf32, #tpu.memory_space<vmem>>
        tpu.enqueue_dma source(%dma_start3A_96 : memref<128x128xf32, #tpu.memory_space<vmem>>) target(%dma_start3A_93 : memref<128x128xf32, #tpu.memory_space<hbm>>) target_semaphore(%run_scoped3A : memref<!tpu.dma_semaphore, #tpu.memory_space<semaphore_mem>>)
        %dma_wait3A_97 = arith.constant 0 : i32
        %dma_wait3A_98 = arith.constant 0 : i32
        %dma_wait3A_99 = tpu.memref_slice %arg19[%dma_wait3A_97, %dma_wait3A_98] : memref<128x128xf32, #tpu.memory_space<vmem>> -> memref<128x128xf32, #tpu.memory_space<vmem>>
        %dma_wait3A_100 = arith.constant 0 : i32
        %dma_wait3A_101 = tpu.memref_slice %arg13[%add3A_83, %dma_wait3A_100] : memref<10112x128xf32, #tpu.memory_space<hbm>> -> memref<128x128xf32, #tpu.memory_space<hbm>>
        %dma_wait3A_102 = arith.constant 0 : i32
        %dma_wait3A_103 = tpu.memref_slice %arg13[%add3A_83, %dma_wait3A_102] : memref<10112x128xf32, #tpu.memory_space<hbm>> -> memref<128x128xf32, #tpu.memory_space<hbm>>
        %dma_wait3A_104 = arith.constant 0 : i32
        %dma_wait3A_105 = arith.constant 0 : i32
        %dma_wait3A_106 = tpu.memref_slice %arg19[%dma_wait3A_104, %dma_wait3A_105] : memref<128x128xf32, #tpu.memory_space<vmem>> -> memref<128x128xf32, #tpu.memory_space<vmem>>
        tpu.wait_dma2 semaphore(%run_scoped3A : memref<!tpu.dma_semaphore, #tpu.memory_space<semaphore_mem>>) src(%dma_wait3A_106 : memref<128x128xf32, #tpu.memory_space<vmem>>) dst(%dma_wait3A_103 : memref<128x128xf32, #tpu.memory_space<hbm>>)
        tpu.yield
      }) : () -> ()
      %add3A_84 = arith.constant 512 : i32
      %add3A_85 = arith.addi %mul3A_0, %add3A_84 : i32
      "tpu.region"() ({
        %run_scoped3A = tpu.sem_alloc : memref<!tpu.dma_semaphore, #tpu.memory_space<semaphore_mem>>
        %dma_start3A = arith.constant 0 : i32
        %dma_start3A_88 = arith.constant 0 : i32
        %dma_start3A_89 = tpu.memref_slice %arg19[%dma_start3A, %dma_start3A_88] : memref<128x128xf32, #tpu.memory_space<vmem>> -> memref<120x128xf32, #tpu.memory_space<vmem>>
        %dma_start3A_90 = arith.constant 0 : i32
        %dma_start3A_91 = tpu.memref_slice %arg14[%add3A_85, %dma_start3A_90] : memref<10112x128xf32, #tpu.memory_space<vmem_shared>> -> memref<120x128xf32, #tpu.memory_space<vmem_shared>>
        %dma_start3A_92 = arith.constant 0 : i32
        %dma_start3A_93 = arith.constant 0 : i32
        %dma_start3A_94 = tpu.memref_slice %arg19[%dma_start3A_92, %dma_start3A_93] : memref<128x128xf32, #tpu.memory_space<vmem>> -> memref<120x128xf32, #tpu.memory_space<vmem>>
        %dma_start3A_95 = arith.constant 0 : i32
        %dma_start3A_96 = tpu.memref_slice %arg14[%add3A_85, %dma_start3A_95] : memref<10112x128xf32, #tpu.memory_space<vmem_shared>> -> memref<120x128xf32, #tpu.memory_space<vmem_shared>>
        tpu.enqueue_dma source(%dma_start3A_96 : memref<120x128xf32, #tpu.memory_space<vmem_shared>>) target(%dma_start3A_94 : memref<120x128xf32, #tpu.memory_space<vmem>>) target_semaphore(%run_scoped3A : memref<!tpu.dma_semaphore, #tpu.memory_space<semaphore_mem>>)
        %dma_wait3A_97 = arith.constant 0 : i32
        %dma_wait3A_98 = arith.constant 0 : i32
        %dma_wait3A_99 = tpu.memref_slice %arg19[%dma_wait3A_97, %dma_wait3A_98] : memref<128x128xf32, #tpu.memory_space<vmem>> -> memref<120x128xf32, #tpu.memory_space<vmem>>
        %dma_wait3A_100 = arith.constant 0 : i32
        %dma_wait3A_101 = tpu.memref_slice %arg14[%add3A_85, %dma_wait3A_100] : memref<10112x128xf32, #tpu.memory_space<vmem_shared>> -> memref<120x128xf32, #tpu.memory_space<vmem_shared>>
        %dma_wait3A_102 = arith.constant 0 : i32
        %dma_wait3A_103 = arith.constant 0 : i32
        %dma_wait3A_104 = tpu.memref_slice %arg19[%dma_wait3A_102, %dma_wait3A_103] : memref<128x128xf32, #tpu.memory_space<vmem>> -> memref<120x128xf32, #tpu.memory_space<vmem>>
        %dma_wait3A_105 = arith.constant 0 : i32
        %dma_wait3A_106 = tpu.memref_slice %arg14[%add3A_85, %dma_wait3A_105] : memref<10112x128xf32, #tpu.memory_space<vmem_shared>> -> memref<120x128xf32, #tpu.memory_space<vmem_shared>>
        tpu.wait_dma2 semaphore(%run_scoped3A : memref<!tpu.dma_semaphore, #tpu.memory_space<semaphore_mem>>) src(%dma_wait3A_106 : memref<120x128xf32, #tpu.memory_space<vmem_shared>>) dst(%dma_wait3A_104 : memref<120x128xf32, #tpu.memory_space<vmem>>)
        tpu.yield
      }) : () -> ()
      %add3A_86 = arith.constant 512 : i32
      %add3A_87 = arith.addi %mul3A_0, %add3A_86 : i32
      "tpu.region"() ({
        %run_scoped3A = tpu.sem_alloc : memref<!tpu.dma_semaphore, #tpu.memory_space<semaphore_mem>>
        %dma_start3A = arith.constant 0 : i32
        %dma_start3A_88 = arith.constant 0 : i32
        %dma_start3A_89 = tpu.memref_slice %arg19[%dma_start3A, %dma_start3A_88] : memref<128x128xf32, #tpu.memory_space<vmem>> -> memref<120x128xf32, #tpu.memory_space<vmem>>
        %dma_start3A_90 = arith.constant 0 : i32
        %dma_start3A_91 = tpu.memref_slice %arg13[%add3A_87, %dma_start3A_90] : memref<10112x128xf32, #tpu.memory_space<hbm>> -> memref<120x128xf32, #tpu.memory_space<hbm>>
        %dma_start3A_92 = arith.constant 0 : i32
        %dma_start3A_93 = tpu.memref_slice %arg13[%add3A_87, %dma_start3A_92] : memref<10112x128xf32, #tpu.memory_space<hbm>> -> memref<120x128xf32, #tpu.memory_space<hbm>>
        %dma_start3A_94 = arith.constant 0 : i32
        %dma_start3A_95 = arith.constant 0 : i32
        %dma_start3A_96 = tpu.memref_slice %arg19[%dma_start3A_94, %dma_start3A_95] : memref<128x128xf32, #tpu.memory_space<vmem>> -> memref<120x128xf32, #tpu.memory_space<vmem>>
        tpu.enqueue_dma source(%dma_start3A_96 : memref<120x128xf32, #tpu.memory_space<vmem>>) target(%dma_start3A_93 : memref<120x128xf32, #tpu.memory_space<hbm>>) target_semaphore(%run_scoped3A : memref<!tpu.dma_semaphore, #tpu.memory_space<semaphore_mem>>)
        %dma_wait3A_97 = arith.constant 0 : i32
        %dma_wait3A_98 = arith.constant 0 : i32
        %dma_wait3A_99 = tpu.memref_slice %arg19[%dma_wait3A_97, %dma_wait3A_98] : memref<128x128xf32, #tpu.memory_space<vmem>> -> memref<120x128xf32, #tpu.memory_space<vmem>>
        %dma_wait3A_100 = arith.constant 0 : i32
        %dma_wait3A_101 = tpu.memref_slice %arg13[%add3A_87, %dma_wait3A_100] : memref<10112x128xf32, #tpu.memory_space<hbm>> -> memref<120x128xf32, #tpu.memory_space<hbm>>
        %dma_wait3A_102 = arith.constant 0 : i32
        %dma_wait3A_103 = tpu.memref_slice %arg13[%add3A_87, %dma_wait3A_102] : memref<10112x128xf32, #tpu.memory_space<hbm>> -> memref<120x128xf32, #tpu.memory_space<hbm>>
        %dma_wait3A_104 = arith.constant 0 : i32
        %dma_wait3A_105 = arith.constant 0 : i32
        %dma_wait3A_106 = tpu.memref_slice %arg19[%dma_wait3A_104, %dma_wait3A_105] : memref<128x128xf32, #tpu.memory_space<vmem>> -> memref<120x128xf32, #tpu.memory_space<vmem>>
        tpu.wait_dma2 semaphore(%run_scoped3A : memref<!tpu.dma_semaphore, #tpu.memory_space<semaphore_mem>>) src(%dma_wait3A_106 : memref<120x128xf32, #tpu.memory_space<vmem>>) dst(%dma_wait3A_103 : memref<120x128xf32, #tpu.memory_space<hbm>>)
        tpu.yield
      }) : () -> ()
    } else {
    }
    return
  }
}

module attributes {stable_mosaic.version = 14 : i64} {
  func.func @_dense_body(%arg0: i32, %arg1: memref<1000x128xf32, #tpu.memory_space<vmem>>, %arg2: memref<1000x128xf32, #tpu.memory_space<vmem>>, %arg3: memref<1000x128xf32, #tpu.memory_space<vmem>>, %arg4: memref<128x128xf32, #tpu.memory_space<vmem>>, %arg5: memref<1x128xf32, #tpu.memory_space<vmem>>, %arg6: memref<128x128xf32, #tpu.memory_space<vmem>>, %arg7: memref<1x128xf32, #tpu.memory_space<vmem>>, %arg8: memref<1x128xf32, #tpu.memory_space<vmem>>, %arg9: memref<1000x128xf32, #tpu.memory_space<vmem>>) attributes {dimension_semantics = [#tpu.dimension_semantics<arbitrary>], iteration_bounds = array<i64: 10>, scalar_prefetch = 0 : i64, scratch_operands = 0 : i64, tpu.core_type = #tpu.core_type<tc>, window_params = [{transform_indices = @transform_0, window_bounds = array<i64: 1000, 128>}, {transform_indices = @transform_1, window_bounds = array<i64: 1000, 128>}, {transform_indices = @transform_2, window_bounds = array<i64: 1000, 128>}, {pipeline_mode = #tpu.pipeline_mode<synchronous>, transform_indices = @transform_3, window_bounds = array<i64: 128, 128>}, {pipeline_mode = #tpu.pipeline_mode<synchronous>, transform_indices = @transform_4, window_bounds = array<i64: 1, 128>}, {pipeline_mode = #tpu.pipeline_mode<synchronous>, transform_indices = @transform_5, window_bounds = array<i64: 128, 128>}, {pipeline_mode = #tpu.pipeline_mode<synchronous>, transform_indices = @transform_6, window_bounds = array<i64: 1, 128>}, {pipeline_mode = #tpu.pipeline_mode<synchronous>, transform_indices = @transform_7, window_bounds = array<i64: 1, 128>}, {transform_indices = @transform_8, window_bounds = array<i64: 1000, 128>}]} {
    %get3A = arith.constant 0 : index
    %get3A_0 = arith.constant 0 : index
    %get3A_1 = vector.load %arg2[%get3A, %get3A_0] : memref<1000x128xf32, #tpu.memory_space<vmem>>, vector<1000x1xf32>
    %get3A_2 = arith.constant 0 : index
    %get3A_3 = arith.constant 0 : index
    %get3A_4 = vector.load %arg1[%get3A_2, %get3A_3] : memref<1000x128xf32, #tpu.memory_space<vmem>>, vector<1000x128xf32>
    %max3A = arith.constant 1.000000e+00 : f32
    %max3A_5 = vector.broadcast %max3A : f32 to vector<1000x1xf32>
    %max3A_6 = arith.maximumf %get3A_1, %max3A_5 : vector<1000x1xf32>
    %div3A = vector.broadcast %max3A_6 : vector<1000x1xf32> to vector<1000x128xf32>
    %div3A_7 = arith.divf %get3A_4, %div3A : vector<1000x128xf32>
    %get3A_8 = arith.constant 0 : index
    %get3A_9 = arith.constant 0 : index
    %get3A_10 = vector.load %arg4[%get3A_8, %get3A_9] : memref<128x128xf32, #tpu.memory_space<vmem>>, vector<128x128xf32>
    %dot_general3A = arith.constant dense<0.000000e+00> : vector<1000x128xf32>
    %dot_general3A_11 = tpu.matmul %div3A_7, %get3A_10, %dot_general3A {dimension_numbers = #tpu.dot_dimension_numbers<[1], [1], [0], [0], [0, 0, 1, 0], [], []>, transpose_lhs_hint = false} : vector<1000x128xf32>, vector<128x128xf32>, vector<1000x128xf32> -> vector<1000x128xf32>
    %get3A_12 = arith.constant 0 : index
    %get3A_13 = arith.constant 0 : index
    %get3A_14 = vector.load %arg3[%get3A_12, %get3A_13] : memref<1000x128xf32, #tpu.memory_space<vmem>>, vector<1000x128xf32>
    %get3A_15 = arith.constant 0 : index
    %get3A_16 = arith.constant 0 : index
    %get3A_17 = vector.load %arg6[%get3A_15, %get3A_16] : memref<128x128xf32, #tpu.memory_space<vmem>>, vector<128x128xf32>
    %dot_general3A_18 = arith.constant dense<0.000000e+00> : vector<1000x128xf32>
    %dot_general3A_19 = tpu.matmul %get3A_14, %get3A_17, %dot_general3A_18 {dimension_numbers = #tpu.dot_dimension_numbers<[1], [1], [0], [0], [0, 0, 1, 0], [], []>, transpose_lhs_hint = false} : vector<1000x128xf32>, vector<128x128xf32>, vector<1000x128xf32> -> vector<1000x128xf32>
    %add3A = arith.addf %dot_general3A_11, %dot_general3A_19 : vector<1000x128xf32>
    %get3A_20 = arith.constant 0 : index
    %get3A_21 = arith.constant 0 : index
    %get3A_22 = vector.load %arg5[%get3A_20, %get3A_21] : memref<1x128xf32, #tpu.memory_space<vmem>>, vector<1x128xf32>
    %add3A_23 = vector.broadcast %get3A_22 : vector<1x128xf32> to vector<1000x128xf32>
    %add3A_24 = arith.addf %add3A, %add3A_23 : vector<1000x128xf32>
    %mul3A = arith.mulf %add3A_24, %add3A_24 : vector<1000x128xf32>
    %reduce_sum3A = arith.constant dense<0.000000e+00> : vector<1000xf32>
    %reduce_sum3A_25 = vector.multi_reduction <add>, %mul3A, %reduce_sum3A [1] : vector<1000x128xf32> to vector<1000xf32>
    %broadcast_in_dim3A = vector.shape_cast %reduce_sum3A_25 : vector<1000xf32> to vector<1000x1xf32>
    %sqrt3A = math.sqrt %broadcast_in_dim3A : vector<1000x1xf32>
    %max3A_26 = arith.constant 9.99999996E-13 : f32
    %max3A_27 = vector.broadcast %max3A_26 : f32 to vector<1000x1xf32>
    %max3A_28 = arith.maximumf %sqrt3A, %max3A_27 : vector<1000x1xf32>
    %div3A_29 = vector.broadcast %max3A_28 : vector<1000x1xf32> to vector<1000x128xf32>
    %div3A_30 = arith.divf %add3A_24, %div3A_29 : vector<1000x128xf32>
    %get3A_31 = arith.constant 0 : index
    %get3A_32 = arith.constant 0 : index
    %get3A_33 = vector.load %arg3[%get3A_31, %get3A_32] : memref<1000x128xf32, #tpu.memory_space<vmem>>, vector<1000x128xf32>
    %add3A_34 = arith.addf %div3A_30, %get3A_33 : vector<1000x128xf32>
    %reduce_sum3A_35 = arith.constant dense<0.000000e+00> : vector<1000xf32>
    %reduce_sum3A_36 = vector.multi_reduction <add>, %add3A_34, %reduce_sum3A_35 [1] : vector<1000x128xf32> to vector<1000xf32>
    %broadcast_in_dim3A_37 = vector.shape_cast %reduce_sum3A_36 : vector<1000xf32> to vector<1000x1xf32>
    %div3A_38 = arith.constant 1.280000e+02 : f32
    %div3A_39 = vector.broadcast %div3A_38 : f32 to vector<1000x1xf32>
    %div3A_40 = arith.divf %broadcast_in_dim3A_37, %div3A_39 : vector<1000x1xf32>
    %sub3A = vector.broadcast %div3A_40 : vector<1000x1xf32> to vector<1000x128xf32>
    %sub3A_41 = arith.subf %add3A_34, %sub3A : vector<1000x128xf32>
    %integer_pow3A = arith.mulf %sub3A_41, %sub3A_41 : vector<1000x128xf32>
    %reduce_sum3A_42 = arith.constant dense<0.000000e+00> : vector<1000xf32>
    %reduce_sum3A_43 = vector.multi_reduction <add>, %integer_pow3A, %reduce_sum3A_42 [1] : vector<1000x128xf32> to vector<1000xf32>
    %broadcast_in_dim3A_44 = vector.shape_cast %reduce_sum3A_43 : vector<1000xf32> to vector<1000x1xf32>
    %div3A_45 = arith.constant 1.280000e+02 : f32
    %div3A_46 = vector.broadcast %div3A_45 : f32 to vector<1000x1xf32>
    %div3A_47 = arith.divf %broadcast_in_dim3A_44, %div3A_46 : vector<1000x1xf32>
    %sub3A_48 = vector.broadcast %div3A_40 : vector<1000x1xf32> to vector<1000x128xf32>
    %sub3A_49 = arith.subf %add3A_34, %sub3A_48 : vector<1000x128xf32>
    %add3A_50 = arith.constant 9.99999974E-6 : f32
    %add3A_51 = vector.broadcast %add3A_50 : f32 to vector<1000x1xf32>
    %add3A_52 = arith.addf %div3A_47, %add3A_51 : vector<1000x1xf32>
    %rsqrt3A = math.rsqrt %add3A_52 : vector<1000x1xf32>
    %mul3A_53 = vector.broadcast %rsqrt3A : vector<1000x1xf32> to vector<1000x128xf32>
    %mul3A_54 = arith.mulf %sub3A_49, %mul3A_53 : vector<1000x128xf32>
    %get3A_55 = arith.constant 0 : index
    %get3A_56 = arith.constant 0 : index
    %get3A_57 = vector.load %arg7[%get3A_55, %get3A_56] : memref<1x128xf32, #tpu.memory_space<vmem>>, vector<1x128xf32>
    %mul3A_58 = vector.broadcast %get3A_57 : vector<1x128xf32> to vector<1000x128xf32>
    %mul3A_59 = arith.mulf %mul3A_54, %mul3A_58 : vector<1000x128xf32>
    %get3A_60 = arith.constant 0 : index
    %get3A_61 = arith.constant 0 : index
    %get3A_62 = vector.load %arg8[%get3A_60, %get3A_61] : memref<1x128xf32, #tpu.memory_space<vmem>>, vector<1x128xf32>
    %add3A_63 = vector.broadcast %get3A_62 : vector<1x128xf32> to vector<1000x128xf32>
    %add3A_64 = arith.addf %mul3A_59, %add3A_63 : vector<1000x128xf32>
    %max3A_65 = arith.constant 0.000000e+00 : f32
    %max3A_66 = vector.broadcast %max3A_65 : f32 to vector<1000x128xf32>
    %max3A_67 = arith.maximumf %add3A_64, %max3A_66 : vector<1000x128xf32>
    %swap3A = arith.constant 0 : index
    %swap3A_68 = arith.constant 0 : index
    %swap3A_69 = vector.load %arg9[%swap3A, %swap3A_68] : memref<1000x128xf32, #tpu.memory_space<vmem>>, vector<1000x128xf32>
    tpu.vector_store %arg9[%swap3A, %swap3A_68], %max3A_67 {strides = array<i32>} : memref<1000x128xf32, #tpu.memory_space<vmem>>, vector<1000x128xf32>,
    return
  }
  func.func @transform_0(%arg0: i32) -> (i32, i32) {
    %c0_i32 = arith.constant 0 : i32
    %c0_i32_0 = arith.constant 0 : i32
    return %arg0, %c0_i32 : i32, i32
  }
  func.func @transform_1(%arg0: i32) -> (i32, i32) {
    %c0_i32 = arith.constant 0 : i32
    %c0_i32_0 = arith.constant 0 : i32
    return %arg0, %c0_i32 : i32, i32
  }
  func.func @transform_2(%arg0: i32) -> (i32, i32) {
    %c0_i32 = arith.constant 0 : i32
    %c0_i32_0 = arith.constant 0 : i32
    return %arg0, %c0_i32 : i32, i32
  }
  func.func @transform_3(%arg0: i32) -> (i32, i32) {
    %c0_i32 = arith.constant 0 : i32
    %c0_i32_0 = arith.constant 0 : i32
    %c0_i32_1 = arith.constant 0 : i32
    return %c0_i32, %c0_i32_0 : i32, i32
  }
  func.func @transform_4(%arg0: i32) -> (i32, i32) {
    %c0_i32 = arith.constant 0 : i32
    %c0_i32_0 = arith.constant 0 : i32
    %c0_i32_1 = arith.constant 0 : i32
    return %c0_i32, %c0_i32_0 : i32, i32
  }
  func.func @transform_5(%arg0: i32) -> (i32, i32) {
    %c0_i32 = arith.constant 0 : i32
    %c0_i32_0 = arith.constant 0 : i32
    %c0_i32_1 = arith.constant 0 : i32
    return %c0_i32, %c0_i32_0 : i32, i32
  }
  func.func @transform_6(%arg0: i32) -> (i32, i32) {
    %c0_i32 = arith.constant 0 : i32
    %c0_i32_0 = arith.constant 0 : i32
    %c0_i32_1 = arith.constant 0 : i32
    return %c0_i32, %c0_i32_0 : i32, i32
  }
  func.func @transform_7(%arg0: i32) -> (i32, i32) {
    %c0_i32 = arith.constant 0 : i32
    %c0_i32_0 = arith.constant 0 : i32
    %c0_i32_1 = arith.constant 0 : i32
    return %c0_i32, %c0_i32_0 : i32, i32
  }
  func.func @transform_8(%arg0: i32) -> (i32, i32) {
    %c0_i32 = arith.constant 0 : i32
    %c0_i32_0 = arith.constant 0 : i32
    return %arg0, %c0_i32 : i32, i32
  }
}

</mosaic_0001>

<sc_bundles>
// kernel: kernel.5.cloned.1.call-start
scs
__scs_entry_jumppad:
0x0: {  	(pc) =	sbr.rel $0x88, $3  }
0x1: {  	(tag) =	ssettag $0x0;
	lr =	simm.s32 $0x1  }
0x2: {  	[smem:$0x3F93] =	sst lr;
	_ =	strace $0xD0000000  }
0x3: {  	_ = 	snop  }
0x4: {  	_ = 	snop  }
0x5: {  	_ = 	snop  }
0x6: {  	_ = 	snop  }
0x7: {  	_ = 	snop  }
__scs_overlays_trampoline_lowered:
0x8: {  	[smem:$0x3FA2] =	sst s0  }
0x9: {  	[smem:$0x3FA3] =	sst s1  }
0xa: {  	[smem:$0x3FA4] =	sst s2  }
0xb: {  	[smem:$0x3FA5] =	sst s3  }
0xc: {  	[smem:$0x3FA6] =	sst s4  }
0xd: {  	[smem:$0x3FA7] =	sst s5  }
0xe: {  	[smem:$0x3FA8] =	sst s6  }
0xf: {  	[smem:$0x3FA9] =	sst s7  }
0x10: {  	[smem:$0x3FAA] =	sst s8  }
0x11: {  	[smem:$0x3FAB] =	sst s9;
	s0 =	simm.s32 @!p0 $0x0  }
0x12: {  	s1 =	sld [smem:$0x3F91];
	s0 =	simm.s32 @p0 $0x1  }
0x13: {  	[smem:$0x3FAC] =	sst s0;
	s0 =	simm.s32 @!p1 $0x0  }
0x14: {  	s2 =	sld [smem:$0x3F90];
	s0 =	simm.s32 @p1 $0x1  }
0x15: {  	[smem:$0x3FAD] =	sst s0;
	s0 =	simm.s32 @!p2 $0x0  }
0x16: {  	s3 =	sld [smem:$0x3FDB];
	s0 =	simm.s32 @p2 $0x1  }
0x17: {  	s4 =	simm.s32 $0x1BF5;
	[smem:$0x3FAF] =	sst s0  }
0x18: {  	s0 =	sld [smem:$0x3F92];
	_ =	swait.ge [sflag:s4], $0x0  }
0x19: {  	s7 =	sld [smem:$0x3F93]  }
0x1a: {  	s8 =	sadd.s32 $0xFFFFE003, lr  }
0x1b: {  	s9 =	sadd.s32 $0xFFFFFEF7, lr;
	s5 =	simm.s32 $0xFFFFFFFF;
	p2 =	slt.u32 s8, $0xFFFFF086  }
0x1c: {  	p1 =	slt.u32 s9, $0xF7A;
	s5 =	simm.s32 @!p2 $0x0  }
0x1d: {  	s5 =	simm.s32 @p1 $0x1;
	p0 =	seq.s32 s7, s2  }
0x1e: {  	s7 =	smul.u32 @!p0 $0xF7A, s2;
	p2 =	seq.s32 @!p0 s5, $0x0  }
0x1f: {  	s9 =	smul.u32 $0xF7A, s1;
	s8 =	simm.s32 @!p0 $0x1BF5;
	p2 =	por !p2, p0  }
0x20: {  	[sflag:s8] =	ssyncset.s32 @!p0 $0xFFFFF086;
	s6 =	sadd.s32 @!p0 s3, s7;
	s7 =	simm.s32 @!p0 $0x108  }
0x21: {  	s3 =	sadd.s32 s3, s9;
	s6 =	sadd.s32 @!p0 $0x88, s6;
	s7 =	simm.s32 @p2 $0x1082  }
0x22: {  	[simem:s7], [sflag:s8] =	dma.local @!p0 [hbm:s6], $0xF7A  }
0x23: {  	s9 =	sor.u32 $0xD0000000, s2;
	s6 =	simm.s32 $0x108;
	_ =	swait.ge @!p0 [sflag:s8], $0x0  }
0x24: {  	s3 =	sadd.s32 $0x88, s3;
	s6 =	simm.s32 @!p1 $0x1082;
	[sflag:s4] =	ssyncset.s32 $0xFFFFF086  }
0x25: {  	[simem:s6], [sflag:s4] =	dma.local [hbm:s3], $0xF7A  }
0x26: {  	[smem:$0x3F93] =	sst s1;
	(tag) =	ssettag s2;
	_ =	strace s9  }
0x27: {  	s1 =	sld [smem:$0x3FA3]  }
0x28: {  	s2 =	sld [smem:$0x3FA4]  }
0x29: {  	s4 =	sld [smem:$0x3FA6]  }
0x2a: {  	p0 =	seq.s32 s5, $0x0;
	s5 =	sld [smem:$0x3FA7]  }
0x2b: {  	s6 =	sld [smem:$0x3FA8]  }
0x2c: {  	s7 =	sld [smem:$0x3FA9]  }
0x2d: {  	s3 =	simm.s32 $0x108;
	s8 =	sld [smem:$0x3FAA]  }
0x2e: {  	s3 =	simm.s32 @!p0 $0x1082;
	s9 =	sld [smem:$0x3FAB]  }
0x2f: {  	lr =	sadd.s32 s0, s3;
	s0 =	sld [smem:$0x3FA2]  }
0x30: {  	s3 =	sld [smem:$0x3FA5]  }
0x31: {  	[smem:$0x3FAE] =	sst s10  }
0x32: {  	s10 =	sld [smem:$0x3FAC];
	_ =	sdelay $0x3  }
0x33: {  	p0 =	seq.s32 s10, $0x1;
	s10 =	sld [smem:$0x3FAE];
	_ =	sdelay $0x3  }
0x34: {  	[smem:$0x3FAE] =	sst s10  }
0x35: {  	s10 =	sld [smem:$0x3FAD];
	_ =	sdelay $0x3  }
0x36: {  	p1 =	seq.s32 s10, $0x1;
	s10 =	sld [smem:$0x3FAE];
	_ =	sdelay $0x3  }
0x37: {  	[smem:$0x3FAE] =	sst s10  }
0x38: {  	s10 =	sld [smem:$0x3FAF]  }
0x39: {  	_ = 	snop;
	(pc) =	sbr.ind lr, $3  }
0x3a: {  	_ = 	snop  }
0x3b: {  	_ = 	snop  }
0x3c: {  	p2 =	seq.s32 s10, $0x1;
	s10 =	sld [smem:$0x3FAE]  }
0x3d: {  	_ =	shalt  }
0x3e: {  	_ =	shalt  }
0x3f: {  	_ =	shalt  }
0x40: {  	_ =	shalt  }
0x41: {  	_ =	shalt  }
0x42: {  	_ =	shalt  }
0x43: {  	_ =	shalt  }
0x44: {  	_ =	shalt  }
0x45: {  	_ =	shalt  }
0x46: {  	_ =	shalt  }
0x47: {  	_ =	shalt  }
0x48: {  	_ =	shalt  }
0x49: {  	_ =	shalt  }
0x4a: {  	_ =	shalt  }
0x4b: {  	_ =	shalt  }
0x4c: {  	_ =	shalt  }
0x4d: {  	_ =	shalt  }
0x4e: {  	_ =	shalt  }
0x4f: {  	_ =	shalt  }
0x50: {  	_ =	shalt  }
0x51: {  	_ =	shalt  }
0x52: {  	_ =	shalt  }
0x53: {  	_ =	shalt  }
0x54: {  	_ =	shalt  }
0x55: {  	_ =	shalt  }
0x56: {  	_ =	shalt  }
0x57: {  	_ =	shalt  }
0x58: {  	_ =	shalt  }
0x59: {  	_ =	shalt  }
0x5a: {  	_ =	shalt  }
0x5b: {  	_ =	shalt  }
0x5c: {  	_ =	shalt  }
0x5d: {  	_ =	shalt  }
0x5e: {  	_ =	shalt  }
0x5f: {  	_ =	shalt  }
0x60: {  	_ =	shalt  }
0x61: {  	_ =	shalt  }
0x62: {  	_ =	shalt  }
0x63: {  	_ =	shalt  }
0x64: {  	_ =	shalt  }
0x65: {  	_ =	shalt  }
0x66: {  	_ =	shalt  }
0x67: {  	_ =	shalt  }
0x68: {  	_ =	shalt  }
0x69: {  	_ =	shalt  }
0x6a: {  	_ =	shalt  }
0x6b: {  	_ =	shalt  }
0x6c: {  	_ =	shalt  }
0x6d: {  	_ =	shalt  }
0x6e: {  	_ =	shalt  }
0x6f: {  	_ =	shalt  }
0x70: {  	_ =	shalt  }
0x71: {  	_ =	shalt  }
0x72: {  	_ =	shalt  }
0x73: {  	_ =	shalt  }
0x74: {  	_ =	shalt  }
0x75: {  	_ =	shalt  }
0x76: {  	_ =	shalt  }
0x77: {  	_ =	shalt  }
0x78: {  	_ =	shalt  }
0x79: {  	_ =	shalt  }
0x7a: {  	_ =	shalt  }
0x7b: {  	_ =	shalt  }
0x7c: {  	_ =	shalt  }
0x7d: {  	_ =	shalt  }
0x7e: {  	_ =	shalt  }
0x7f: {  	_ =	shalt  }
0x80: {  	_ =	shalt  }
0x81: {  	_ =	shalt  }
0x82: {  	_ =	shalt  }
0x83: {  	_ =	shalt  }
0x84: {  	_ =	shalt  }
0x85: {  	_ =	shalt  }
0x86: {  	_ =	shalt  }
0x87: {  	_ =	shalt  }
.Lfunc_end0:
.L_simem_size_0:
called_computation_lowered:
.L_overlay_start_0:
0x88: {  	s2 =	sld [smem:$0x3FD9]  }
0x89: {  	s3 =	sld [smem:$0x3FFE];
	_ =	sdelay $0x1  }
0x8a: {  	s1 =	srdreg.scid  }
0x8b: {  	s0 =	sand.u32 $0x1, s1  }
0x8c: {  	s14 =	sshll.u32 s0, $0xA;
	s2 =	sadd.s32 s3, s2  }
0x8d: {  	s2 =	sadd.s32 s2, s14  }
0x8e: {  	[smem:$0x3FBA] =	sst s2  }
0x8f: {  	_ = 	snop  }
0x90: {  	s2 =	sld [smem:$0x3FD0];
	_ =	sdelay $0x1  }
0x91: {  	s15 =	sld [smem:$0x3FC9]  }
0x92: {  	s5 =	simm.s32 $0xA;
	s6 =	simm.s32 $0x10;
	s4 =	sld [smem:$0x3FC8]  }
0x93: {  	[smem:s6], [sflag:s5] =	dma.local [hbm:s2], $0x1  }
0x94: {  	_ =	swait.eq [sflag:s5], $0x1  }
0x95: {  	[sflag:s5] =	ssyncset.done $0x0  }
0x96: {  	s16 =	sld [smem:$0x10];
	[sflag:s5] =	ssyncadd.s32 $0xFFFFFFFF  }
0x97: {  	s17 =	sld [smem:$0x11];
	(tm) =	ssettm $0x1  }
0x98: {  	s18 =	sld [smem:$0x3FFB];
	_ =	sdelay $0x3  }
0x99: {  	_ =	strace s18  }
0x9a: {  	s6 =	sld [smem:$0x3FFC];
	_ =	sdelay $0x3  }
0x9b: {  	_ =	strace s6  }
0x9c: {  	s6 =	sld [smem:$0x3FFD];
	_ =	sdelay $0x3  }
0x9d: {  	_ =	strace s6  }
0x9e: {  	_ =	strace $0x8FFFFFFF  }
0x9f: {  	s19 =	sld [smem:$0x3FDB];
	_ =	sdelay $0x1  }
0xa0: {  	s7 =	simm.s32 $_scs_section_size  }
0xa1: {  	s8 =	simm.s32 $_size__tile_overlayer_lowered;
	s9 =	simm.s32 $_tile_overlayer_lowered  }
0xa2: {  	s22 =	simm.s32 $0x1BFF;
	s21 =	sshll.u32 s9, $0x1;
	s6 =	sadd.s32 s7, s19  }
0xa3: {  	s10 =	simm.s32 $0x0;
	s20 =	sshll.u32 s8, $0x1;
	s8 =	sadd.s32 s21, s6  }
0xa4: {  	[timem:s10], [sflag:s22] =	dma.local [hbm:s8], s20  }
0xa5: {  	_ =	swait.ge [sflag:s22], s20  }
0xa6: {  	s7 =	ssub.s32 $0x0, s20;
	[sflag:s22] =	ssyncset.done $0x0  }
0xa7: {  	[sflag:s22] =	ssyncadd.s32 s7;
	_ =	sdelay $0x1  }
0xa8: {  	s23 =	simm.s32 $0x1B8B  }
0xa9: {  	_ =	swait.ge [sflag:s23], $0x1  }
0xaa: {  	[sflag:s23] =	ssyncset.done $0x0  }
0xab: {  	s25 =	simm.s32 $0x1B8E;
	s24 =	sld [smem:$0x3FFE];
	[sflag:s23] =	ssyncadd.s32 $0xFFFFFFFF  }
0xac: {  	s26 =	simm.s32 $execute0_lowered;
	[smem:$0x3FD2] =	sst s25  }
0xad: {  	s8 =	sshll.u32 s26, $0x1;
	_ =	strace $0x80000046;
	[dreg:$0x1] =	wrdreg $0xFFFFFFFF  }
0xae: {  	s28 =	simm.s32 $_size_execute0_lowered;
	s6 =	sadd.s32 s6, s8;
	[dreg:$0x0] =	wrdreg $0x0  }
0xaf: {  	s8 =	sshll.u32 s28, $0x1;
	[dreg:$0x2] =	wrdreg s6  }
0xb0: {  	[dreg:$0x3] =	wrdreg s8  }
0xb1: {  	[dreg:$0x4] =	wrdreg $0xC0  }
0xb2: {  	_ =	task [dreg:s10], $0x5FFFF  }
0xb3: {  	[dreg:$0x1] =	wrdreg $0xFFFFFFFF  }
0xb4: {  	[dreg:$0x0] =	wrdreg $0x60  }
0xb5: {  	[dreg:$0x2] =	wrdreg s15  }
0xb6: {  	[dreg:$0x3] =	wrdreg s4  }
0xb7: {  	[dreg:$0x4] =	wrdreg s24  }
0xb8: {  	[dreg:$0x5] =	wrdreg s16  }
0xb9: {  	[dreg:$0x6] =	wrdreg s17  }
0xba: {  	[dreg:$0x7] =	wrdreg $0x0  }
0xbb: {  	[dreg:$0x8] =	wrdreg $0x9  }
0xbc: {  	_ =	task.clear_ibuf [dreg:s10], $0x9FFFF;
	_ =	strace $0x90000046  }
0xbd: {  	s29 =	simm.s32 $0x9;
	_ =	strace $0x80000048  }
0xbe: {  	_ =	swait.ge [sflag:s29], $0x1  }
0xbf: {  	[sflag:s29] =	ssyncadd.s32 $0xFFFFFFFF  }
0xc0: {  	_ =	strace $0x90000048  }
0xc1: {  	_ =	sfence  }
0xc2: {  	s30 =	sld [smem:$0x0];
	_ =	sdelay $0x2  }
0xc3: {  	s31 =	sshll.u32 s1, $0xD;
	s1 =	sshrl.u32 s1, $0x2  }
0xc4: {  	s3 =	sand.u32 $0x4000, s31;
	s1 =	sadd.s32 s1, s30  }
0xc5: {  	s0 =	sor.u32 s3, s0;
	s1 =	sshll.u32 s1, $0x11  }
0xc6: {  	s0 =	sor.u32 s1, s0  }
0xc7: {  	s0 =	sadd.s32 $0x8F2B, s0  }
0xc8: {  	[sflag:s0] =	ssyncadd.remote.s32 $0x1  }
0xc9: {  	_ =	sfence.sel $0xFFFF  }
0xca: {  	[dreg:$0x0] =	wrdreg $0xFFFFFFFF;
	(pc) =	sbr.abs _section_cstart, $3  }
0xcb: {  	[dreg:$0x1] =	wrdreg $0xFFFFFFFF  }
0xcc: {  	_ =	task.clear_ibuf [dreg:s10], $0x2FFFF;
	_ =	strace $0x9FFFFFFF  }
0xcd: {  	(tm) =	ssettm $0x7FFFFFFF  }
tec
execute0_lowered:
.L_overlay_start_1:
0x0: {  	(tag) =	ssettag $0x1  }
0x1: {  	s1 =	rddreg [dreg:$0x0]  }
0x2: {  	s2 =	rddreg [dreg:$0x1]  }
0x3: {  	s0 =	rddreg [dreg:$0x2]  }
0x4: {  	s20 =	rddreg [dreg:$0x3]  }
0x5: {  	s21 =	rddreg [dreg:$0x4]  }
0x6: {  	s5 =	rddreg [dreg:$0x5]  }
0x7: {  	s6 =	simm.s32 $0x0;
	s3 =	srdreg.scid;
	s22 =	stileid.u32  }
0x8: {  	s28 =	simm.s32 $0x16500;
	s29 =	simm.s32 $0x5;
	s30 =	simm.s32 $0x1A500  }
0x9: {  	[smem:$0x7FF] =	sst s6;
	s23 =	sadd.s32 $0x2000, s0;
	s4 =	sadd.s32 $0xC000, s0  }
0xa: {  	s8 =	sadd.s32 $0x5C000, s0;
	_ =	strace $0x80000047;
	[dreg:$0x9] =	wrdreg s4  }
0xb: {  	s24 =	sadd.s32 $0x7000, s0;
	s11 =	sadd.s32 $0xD000, s0;
	[dreg:$0xa] =	wrdreg s8  }
0xc: {  	s10 =	sadd.s32 $0xC800, s0;
	s7 =	smul.u32 $0x278, s22;
	[dreg:$0xb] =	wrdreg s11  }
0xd: {  	s3 =	sand.u32 $0x1, s3;
	s9 =	smul.u32 $0x4F000, s22;
	[dreg:$0x7] =	wrdreg s23  }
0xe: {  	s17 =	ssub.s32 $0x2, s3;
	p0 =	seq.s32 s3, $0x0;
	[dreg:$0x8] =	wrdreg s24  }
0xf: {  	s18 =	sshrl.u32 s17, $0x1;
	s8 =	sadd.s32 $0x80, s7;
	s9 =	sshrl.u32 s9, $0x2  }
0x10: {  	s12 =	sadd.s32 $0x100, s7;
	s26 =	sadd.s32 $0x180, s7;
	s7 =	sadd.s32 $0x200, s7  }
0x11: {  	s4 =	ssub.s32 s17, s18;
	s19 =	sshll.u32 s8, $0x7;
	s14 =	sadd.s32 s9, s5  }
0x12: {  	s25 =	sshll.u32 s12, $0x7;
	s9 =	simm.s32 $0x83800;
	s8 =	sshll.u32 s8, $0x4  }
0x13: {  	s11 =	sshll.u32 s26, $0x4;
	s15 =	sadd.s32 s19, s5;
	s9 =	simm.s32 @!p0 $0x34800  }
0x14: {  	s19 =	sshll.u32 s7, $0x7;
	p0 =	sne.s32 s3, $0x0;
	[dreg:$0xc] =	wrdreg s8  }
0x15: {  	s7 =	sshll.u32 s7, $0x4;
	[dreg:$0xe] =	wrdreg s11;
	s0 =	sadd.s32 s9, s0  }
0x16: {  	s18 =	sadd.s32 s19, s5;
	s9 =	sshll.u32 s12, $0x4;
	[dreg:$0xf] =	wrdreg s7  }
0x17: {  	s19 =	sshll.u32 s22, $0x4;
	s8 =	sadd.s32 s0, s8;
	[dreg:$0xd] =	wrdreg s9  }
0x18: {  	s3 =	sor.u32 $0x100, s19;
	s12 =	sadd.s32 s0, s9;
	[dreg:$0x16] =	wrdreg s8  }
0x19: {  	s16 =	sadd.s32 s25, s5;
	s25 =	sadd.s32 s20, s3;
	[dreg:$0x17] =	wrdreg s12  }
0x1a: {  	s13 =	sshll.u32 s26, $0x7;
	s26 =	sadd.s32 s21, s3;
	[dreg:$0x10] =	wrdreg s25  }
0x1b: {  	s17 =	sadd.s32 s13, s5;
	s13 =	sadd.s32 s23, s3;
	[dreg:$0x11] =	wrdreg s26  }
0x1c: {  	s31 =	simm.s32 $0x6;
	s3 =	sadd.s32 s24, s3;
	[dreg:$0x12] =	wrdreg s13  }
0x1d: {  	p1 =	sgt.u32 s22, $0x1;
	s20 =	sadd.s32 s20, s19;
	[dreg:$0x13] =	wrdreg s3  }
0x1e: {  	s9 =	simm.s32 $0x1;
	s23 =	sadd.s32 s23, s19;
	[dreg:$0x1a] =	wrdreg s20  }
0x1f: {  	s12 =	simm.s32 $0x16400;
	s25 =	smax.u32 s4, $0x1;
	[dreg:$0x1c] =	wrdreg s23  }
0x20: {  	s8 =	simm.s32 $0x80;
	s13 =	sadd.s32 s0, s11;
	[dreg:$0x14] =	wrdreg s25  }
0x21: {  	s26 =	smul.u32 $0x2780, s22;
	s22 =	sadd.s32 s21, s19;
	[dreg:$0x18] =	wrdreg s13  }
0x22: {  	s11 =	simm.s32 $0x4;
	[dreg:$0x1b] =	wrdreg s22;
	s25 =	sadd.s32 s24, s19  }
0x23: {  	s3 =	simm.s32 $0x0;
	s4 =	sadd.s32 s0, s26;
	[dreg:$0x1d] =	wrdreg s25  }
0x24: {  	s24 =	simm.s32 $0x16480;
	s0 =	sadd.s32 s0, s7;
	[dreg:$0x15] =	wrdreg s4  }
0x25: {  	s7 =	simm.s32 $0x2;
	[dreg:$0x19] =	wrdreg s0;
	s0 =	simm.s32 $0x3  }
.LBB2_1:
0x26: {  	[tilespmem:s28], [sflag:$0x5] =	stream.linear.gather [hbm4b:s10+s6], $0x4000, $0x38;
	[tilespmem:$0x1E500] =	vst v63  }
0x27: {  	_ =	swait.ge [sflag:s29], $0x4000  }
0x28: {  	[sflag:s29] =	ssyncset.done $0x0  }
0x29: {  	[sflag:s29] =	ssyncadd.s32 $0xFFFFC000  }
0x2a: {  	[spmem:s14] =	stream.linear.scatter [tilespmem:s28], [sflag:$0x5], $0x4000, $0x38;
	[tilespmem:$0x1E500] =	vst v63  }
0x2b: {  	_ =	swait.ge [sflag:s29], $0x4000  }
0x2c: {  	[sflag:s29] =	ssyncset.done $0x0  }
0x2d: {  	[sflag:s29] =	ssyncadd.s32 $0xFFFFC000  }
0x2e: {  	[spmem:s15] =	stream.linear.scatter [tilespmem:s28], [sflag:$0x5], $0x4000, $0x38;
	[tilespmem:$0x1E500] =	vst v63  }
0x2f: {  	_ =	swait.ge [sflag:s29], $0x4000  }
0x30: {  	[sflag:s29] =	ssyncset.done $0x0  }
0x31: {  	[sflag:s29] =	ssyncadd.s32 $0xFFFFC000  }
0x32: {  	[spmem:s16] =	stream.linear.scatter [tilespmem:s28], [sflag:$0x5], $0x4000, $0x38;
	[tilespmem:$0x1E500] =	vst v63  }
0x33: {  	_ =	swait.ge [sflag:s29], $0x4000  }
0x34: {  	[sflag:s29] =	ssyncset.done $0x0  }
0x35: {  	[sflag:s29] =	ssyncadd.s32 $0xFFFFC000  }
0x36: {  	[spmem:s17] =	stream.linear.scatter [tilespmem:s28], [sflag:$0x5], $0x4000, $0x38;
	[tilespmem:$0x1E500] =	vst v63  }
0x37: {  	_ =	swait.ge [sflag:s29], $0x4000  }
0x38: {  	[sflag:s29] =	ssyncset.done $0x0  }
0x39: {  	[sflag:s29] =	ssyncadd.s32 $0xFFFFC000  }
0x3a: {  	[spmem:s18] =	stream.linear.scatter [tilespmem:s28], [sflag:$0x5], $0x3C00, $0x38;
	[tilespmem:$0x1E500] =	vst v63  }
.Ltmp0:
0x3b: {  	_ =	swait.ge [sflag:s29], $0x3C00;
	(pc) =	sbr.rel @p0 .LBB2_17-.Ltmp0, $4  }
0x3c: {  	[sflag:s29] =	ssyncset.done $0x0  }
0x3d: {  	[sflag:s29] =	ssyncadd.s32 $0xFFFFC400  }
0x3e: {  	[bflag:$0x0] =	sbarrier.arrive $0xFFFF  }
0x3f: {  	s20 =	simm.s32 $0x0  }
0x40: {  	s4 =	rddreg [dreg:$0x1c]  }
0x41: {  	[tilespmem:s12], [sflag:$0x5] =	stream.linear.gather [hbm4b:s4+s20], $0x80, $0x38;
	[tilespmem:$0x1E500] =	vst v63  }
0x42: {  	_ =	swait.ge [sflag:s29], $0x80  }
0x43: {  	[sflag:s29] =	ssyncset.done $0x0  }
0x44: {  	s13 =	simm.s32 $0x13C00;
	s21 =	rddreg [dreg:$0x1d];
	[sflag:s29] =	ssyncadd.s32 $0xFFFFFF80  }
0x45: {  	[tilespmem:s13], [sflag:$0x5] =	stream.linear.gather [hbm4b:s21+s20], $0x80, $0x38;
	[tilespmem:$0x1E500] =	vst v63  }
0x46: {  	_ =	swait.ge [sflag:s29], $0x80  }
0x47: {  	[sflag:s29] =	ssyncset.done $0x0  }
0x48: {  	s22 =	rddreg [dreg:$0x12];
	[sflag:s29] =	ssyncadd.s32 $0xFFFFFF80  }
0x49: {  	[tilespmem:s24], [sflag:$0x4] =	stream.linear.gather [hbm4b:s22+s20], $0x80, $0x38;
	[tilespmem:$0x1E500] =	vst v63  }
.Ltmp1:
0x4a: {  	s23 =	rddreg [dreg:$0x13];
	(pc) =	sbr.rel .LBB2_3-.Ltmp1, $4  }
0x4b: {  	s25 =	simm.s32 $0x13C80;
	s4 =	rddreg [dreg:$0x7]  }
0x4c: {  	[tilespmem:s25], [sflag:$0x4] =	stream.linear.gather [hbm4b:s23+s20], $0x80, $0x38;
	[tilespmem:$0x1E500] =	vst v63  }
0x4d: {  	s21 =	rddreg [dreg:$0x8];
	s22 =	stileid.u32  }
0x4e: {  	[tilespmem:s28], [sflag:$0x1] =	stream.indirect.gather [hbm4b:s1+s8], $0x80, s12, s8, $0xb8;
	[tilespmem:$0x1E500] =	vst v63  }
.LBB2_11:
0x4f: {  	s23 =	sadd.s32 s4, s19  }
0x50: {  	s23 =	sadd.s32 $0x300, s23  }
0x51: {  	[tilespmem:s24], [sflag:$0x4] =	stream.linear.gather [hbm4b:s23+s6], $0x80, $0x38;
	[tilespmem:$0x1E500] =	vst v63  }
0x52: {  	s23 =	sadd.s32 s21, s19  }
0x53: {  	s25 =	sadd.s32 $0x13D80, s13;
	s23 =	sadd.s32 $0x300, s23  }
0x54: {  	[tilespmem:s25], [sflag:$0x4] =	stream.linear.gather [hbm4b:s23+s6], $0x80, $0x38;
	[tilespmem:$0x1E500] =	vst v63  }
.LBB2_13:
0x55: {  	_ =	swait.ge [sflag:s0], $0x80  }
0x56: {  	[sflag:s0] =	ssyncset.done $0x0  }
0x57: {  	[sflag:s0] =	ssyncadd.s32 $0xFFFFFF80  }
0x58: {  	_ =	swait.ge [sflag:s0], $0x80  }
0x59: {  	[sflag:s0] =	ssyncset.done $0x0  }
0x5a: {  	[sflag:s0] =	ssyncadd.s32 $0xFFFFFF80  }
0x5b: {  	[tilespmem:s28], [sflag:$0x1] =	stream.indirect.gather [hbm4b:s1+s8], $0x80, s12, s8, $0xb8;
	[tilespmem:$0x1E500] =	vst v63  }
.LBB2_14:
0x5c: {  	s13 =	sadd.s32 $0x13C80, s13  }
0x5d: {  	[spmem:s5] =	stream.indirect.scatter.add.f32 [tilespmem:s30], [sflag:$0x5], $0x80, s13, s8, $0xb8;
	[tilespmem:$0x1E500] =	vst v63  }
0x5e: {  	_ =	swait.ge [sflag:s29], $0x4000  }
0x5f: {  	[sflag:s29] =	ssyncset.done $0x0  }
0x60: {  	[sflag:s29] =	ssyncadd.s32 $0xFFFFC000  }
.LBB2_15:
0x61: {  	s20 =	sadd.s32 $0x400, s20  }
0x62: {  	p2 =	seq.s32 s20, $0xA000  }
.Ltmp2:
0x63: {  	_ = 	snop;
	(pc) =	sbr.rel @p2 .LBB2_16-.Ltmp2, $2  }
0x64: {  	_ =	sdelay $0x2  }
0x65: {  	s22 =	sadd.s32 $0x20, s22;
	s21 =	sadd.s32 $0x200, s21;
	s4 =	sadd.s32 $0x200, s4  }
.LBB2_3:
0x66: {  	p2 =	sgt.u32 s22, $0x4E1  }
.Ltmp3:
0x67: {  	_ = 	snop;
	(pc) =	sbr.rel @p2 .LBB2_9-.Ltmp3, $1  }
0x68: {  	_ =	sdelay $0x3  }
0x69: {  	p2 =	sgt.u32 s22, $0x4C1  }
.Ltmp4:
0x6a: {  	_ = 	snop;
	(pc) =	sbr.rel @p2 .LBB2_6-.Ltmp4, $4  }
0x6b: {  	_ = 	snop  }
0x6c: {  	_ =	swait.ge [sflag:s9], $0x4000  }
0x6d: {  	[sflag:s9] =	ssyncset.done $0x0  }
0x6e: {  	[sflag:s9] =	ssyncadd.s32 $0xFFFFC000  }
.Ltmp5:
0x6f: {  	s13 =	sadd.s32 s4, s19;
	(pc) =	sbr.rel .LBB2_7-.Ltmp5, $4  }
0x70: {  	s25 =	sshra.s32 s20, $0x2;
	s23 =	sadd.s32 s21, s19;
	s13 =	sadd.s32 $0x200, s13  }
0x71: {  	[tilespmem:s12], [sflag:$0x3] =	stream.linear.gather [hbm4b:s13+s6], $0x80, $0x38;
	[tilespmem:$0x1E500] =	vst v63  }
0x72: {  	s23 =	sadd.s32 $0x200, s23;
	s13 =	sadd.s32 $0x13D00, s25  }
0x73: {  	[tilespmem:s13], [sflag:$0x3] =	stream.linear.gather [hbm4b:s23+s6], $0x80, $0x38;
	[tilespmem:$0x1E500] =	vst v63  }
.LBB2_6:
0x74: {  	p2 =	sgt.u32 s22, $0x4D1  }
.Ltmp6:
0x75: {  	_ = 	snop;
	(pc) =	sbr.rel @p2 .LBB2_8-.Ltmp6, $1  }
0x76: {  	_ =	sdelay $0x3  }
.LBB2_7:
0x77: {  	_ =	swait.ge [sflag:s11], $0x80  }
0x78: {  	[sflag:s11] =	ssyncset.done $0x0  }
0x79: {  	[sflag:s11] =	ssyncadd.s32 $0xFFFFFF80  }
0x7a: {  	_ =	swait.ge [sflag:s11], $0x80  }
0x7b: {  	[sflag:s11] =	ssyncset.done $0x0  }
0x7c: {  	[sflag:s11] =	ssyncadd.s32 $0xFFFFFF80  }
0x7d: {  	[tilespmem:s30], [sflag:$0x1] =	stream.indirect.gather [hbm4b:s1+s8], $0x80, s24, s8, $0xb8;
	[tilespmem:$0x1E500] =	vst v63  }
.LBB2_8:
0x7e: {  	s13 =	sshra.s32 s20, $0x2  }
0x7f: {  	s13 =	sadd.s32 $0x13C00, s13  }
0x80: {  	[spmem:s5] =	stream.indirect.scatter.add.f32 [tilespmem:s28], [sflag:$0x6], $0x80, s13, s8, $0xb8;
	[tilespmem:$0x1E500] =	vst v63  }
0x81: {  	_ =	swait.ge [sflag:s31], $0x4000  }
0x82: {  	[sflag:s31] =	ssyncset.done $0x0  }
0x83: {  	[sflag:s31] =	ssyncadd.s32 $0xFFFFC000  }
.LBB2_9:
0x84: {  	s23 =	sadd.s32 $0x10, s22  }
0x85: {  	p2 =	sgt.u32 s23, $0x4E1  }
.Ltmp7:
0x86: {  	_ = 	snop;
	(pc) =	sbr.rel @p2 .LBB2_15-.Ltmp7, $1  }
0x87: {  	_ =	sdelay $0x3  }
0x88: {  	p2 =	sgt.u32 s23, $0x4C1  }
.Ltmp8:
0x89: {  	_ = 	snop;
	(pc) =	sbr.rel @!p2 .LBB2_11-.Ltmp8, $4  }
0x8a: {  	_ = 	snop  }
0x8b: {  	_ =	swait.ge [sflag:s9], $0x4000  }
0x8c: {  	[sflag:s9] =	ssyncset.done $0x0  }
0x8d: {  	s13 =	sshra.s32 s20, $0x2;
	[sflag:s9] =	ssyncadd.s32 $0xFFFFC000  }
0x8e: {  	p2 =	sgt.u32 s23, $0x4D1  }
.Ltmp9:
0x8f: {  	_ = 	snop;
	(pc) =	sbr.rel @p2 .LBB2_14-.Ltmp9, $4  }
.Ltmp10:
0x90: {  	_ = 	snop;
	(pc) =	sbr.rel @!p2 .LBB2_13-.Ltmp10, $4  }
0x91: {  	_ = 	snop  }
0x92: {  	_ = 	snop  }
0x93: {  	_ = 	snop  }
0x94: {  	_ = 	snop  }
.LBB2_17:
0x95: {  	s4 =	rddreg [dreg:$0x1a]  }
0x96: {  	[tilespmem:s12], [sflag:$0x5] =	stream.linear.gather [hbm4b:s4+s20], $0x80, $0x38;
	[tilespmem:$0x1E500] =	vst v63  }
0x97: {  	_ =	swait.ge [sflag:s29], $0x80  }
0x98: {  	[sflag:s29] =	ssyncset.done $0x0  }
0x99: {  	s13 =	simm.s32 $0x13C00;
	s21 =	rddreg [dreg:$0x1b];
	[sflag:s29] =	ssyncadd.s32 $0xFFFFFF80  }
0x9a: {  	[tilespmem:s13], [sflag:$0x5] =	stream.linear.gather [hbm4b:s21+s20], $0x80, $0x38;
	[tilespmem:$0x1E500] =	vst v63  }
0x9b: {  	_ =	swait.ge [sflag:s29], $0x80  }
0x9c: {  	[sflag:s29] =	ssyncset.done $0x0  }
0x9d: {  	s22 =	rddreg [dreg:$0x10];
	[sflag:s29] =	ssyncadd.s32 $0xFFFFFF80  }
0x9e: {  	[tilespmem:s24], [sflag:$0x4] =	stream.linear.gather [hbm4b:s22+s20], $0x80, $0x38;
	[tilespmem:$0x1E500] =	vst v63  }
.Ltmp11:
0x9f: {  	s23 =	rddreg [dreg:$0x11];
	(pc) =	sbr.rel .LBB2_18-.Ltmp11, $4  }
0xa0: {  	s25 =	simm.s32 $0x13C80;
	s4 =	rddreg [dreg:$0x3]  }
0xa1: {  	[tilespmem:s25], [sflag:$0x4] =	stream.linear.gather [hbm4b:s23+s20], $0x80, $0x38;
	[tilespmem:$0x1E500] =	vst v63  }
0xa2: {  	s21 =	rddreg [dreg:$0x4];
	s22 =	stileid.u32  }
0xa3: {  	[tilespmem:s28], [sflag:$0x1] =	stream.indirect.gather [hbm4b:s2+s8], $0x80, s12, s8, $0xb8;
	[tilespmem:$0x1E500] =	vst v63  }
.LBB2_26:
0xa4: {  	s23 =	sadd.s32 s4, s19  }
0xa5: {  	s23 =	sadd.s32 $0x300, s23  }
0xa6: {  	[tilespmem:s24], [sflag:$0x4] =	stream.linear.gather [hbm4b:s23+s6], $0x80, $0x38;
	[tilespmem:$0x1E500] =	vst v63  }
0xa7: {  	s23 =	sadd.s32 s21, s19  }
0xa8: {  	s25 =	sadd.s32 $0x13D80, s13;
	s23 =	sadd.s32 $0x300, s23  }
0xa9: {  	[tilespmem:s25], [sflag:$0x4] =	stream.linear.gather [hbm4b:s23+s6], $0x80, $0x38;
	[tilespmem:$0x1E500] =	vst v63  }
.LBB2_28:
0xaa: {  	_ =	swait.ge [sflag:s0], $0x80  }
0xab: {  	[sflag:s0] =	ssyncset.done $0x0  }
0xac: {  	[sflag:s0] =	ssyncadd.s32 $0xFFFFFF80  }
0xad: {  	_ =	swait.ge [sflag:s0], $0x80  }
0xae: {  	[sflag:s0] =	ssyncset.done $0x0  }
0xaf: {  	[sflag:s0] =	ssyncadd.s32 $0xFFFFFF80  }
0xb0: {  	[tilespmem:s28], [sflag:$0x1] =	stream.indirect.gather [hbm4b:s2+s8], $0x80, s12, s8, $0xb8;
	[tilespmem:$0x1E500] =	vst v63  }
.LBB2_29:
0xb1: {  	s13 =	sadd.s32 $0x13C80, s13  }
0xb2: {  	[spmem:s5] =	stream.indirect.scatter.add.f32 [tilespmem:s30], [sflag:$0x5], $0x80, s13, s8, $0xb8;
	[tilespmem:$0x1E500] =	vst v63  }
0xb3: {  	_ =	swait.ge [sflag:s29], $0x4000  }
0xb4: {  	[sflag:s29] =	ssyncset.done $0x0  }
0xb5: {  	[sflag:s29] =	ssyncadd.s32 $0xFFFFC000  }
.LBB2_30:
0xb6: {  	s20 =	sadd.s32 $0x400, s20  }
0xb7: {  	p2 =	sne.s32 s20, $0xA000  }
.Ltmp12:
0xb8: {  	_ = 	snop;
	(pc) =	sbr.rel @!p2 .LBB2_31-.Ltmp12, $2  }
0xb9: {  	_ =	sdelay $0x2  }
0xba: {  	s22 =	sadd.s32 $0x20, s22;
	s21 =	sadd.s32 $0x200, s21;
	s4 =	sadd.s32 $0x200, s4  }
.LBB2_18:
0xbb: {  	p2 =	sgt.u32 s22, $0x4E1  }
.Ltmp13:
0xbc: {  	_ = 	snop;
	(pc) =	sbr.rel @p2 .LBB2_24-.Ltmp13, $1  }
0xbd: {  	_ =	sdelay $0x3  }
0xbe: {  	p2 =	sgt.u32 s22, $0x4C1  }
.Ltmp14:
0xbf: {  	_ = 	snop;
	(pc) =	sbr.rel @p2 .LBB2_21-.Ltmp14, $4  }
0xc0: {  	_ = 	snop  }
0xc1: {  	_ =	swait.ge [sflag:s9], $0x4000  }
0xc2: {  	[sflag:s9] =	ssyncset.done $0x0  }
0xc3: {  	[sflag:s9] =	ssyncadd.s32 $0xFFFFC000  }
.Ltmp15:
0xc4: {  	s13 =	sadd.s32 s4, s19;
	(pc) =	sbr.rel .LBB2_22-.Ltmp15, $4  }
0xc5: {  	s25 =	sshra.s32 s20, $0x2;
	s23 =	sadd.s32 s21, s19;
	s13 =	sadd.s32 $0x200, s13  }
0xc6: {  	[tilespmem:s12], [sflag:$0x3] =	stream.linear.gather [hbm4b:s13+s6], $0x80, $0x38;
	[tilespmem:$0x1E500] =	vst v63  }
0xc7: {  	s23 =	sadd.s32 $0x200, s23;
	s13 =	sadd.s32 $0x13D00, s25  }
0xc8: {  	[tilespmem:s13], [sflag:$0x3] =	stream.linear.gather [hbm4b:s23+s6], $0x80, $0x38;
	[tilespmem:$0x1E500] =	vst v63  }
.LBB2_21:
0xc9: {  	p2 =	sgt.u32 s22, $0x4D1  }
.Ltmp16:
0xca: {  	_ = 	snop;
	(pc) =	sbr.rel @p2 .LBB2_23-.Ltmp16, $1  }
0xcb: {  	_ =	sdelay $0x3  }
.LBB2_22:
0xcc: {  	_ =	swait.ge [sflag:s11], $0x80  }
0xcd: {  	[sflag:s11] =	ssyncset.done $0x0  }
0xce: {  	[sflag:s11] =	ssyncadd.s32 $0xFFFFFF80  }
0xcf: {  	_ =	swait.ge [sflag:s11], $0x80  }
0xd0: {  	[sflag:s11] =	ssyncset.done $0x0  }
0xd1: {  	[sflag:s11] =	ssyncadd.s32 $0xFFFFFF80  }
0xd2: {  	[tilespmem:s30], [sflag:$0x1] =	stream.indirect.gather [hbm4b:s2+s8], $0x80, s24, s8, $0xb8;
	[tilespmem:$0x1E500] =	vst v63  }
.LBB2_23:
0xd3: {  	s13 =	sshra.s32 s20, $0x2  }
0xd4: {  	s13 =	sadd.s32 $0x13C00, s13  }
0xd5: {  	[spmem:s5] =	stream.indirect.scatter.add.f32 [tilespmem:s28], [sflag:$0x6], $0x80, s13, s8, $0xb8;
	[tilespmem:$0x1E500] =	vst v63  }
0xd6: {  	_ =	swait.ge [sflag:s31], $0x4000  }
0xd7: {  	[sflag:s31] =	ssyncset.done $0x0  }
0xd8: {  	[sflag:s31] =	ssyncadd.s32 $0xFFFFC000  }
.LBB2_24:
0xd9: {  	s23 =	sadd.s32 $0x10, s22  }
0xda: {  	p2 =	sgt.u32 s23, $0x4E1  }
.Ltmp17:
0xdb: {  	_ = 	snop;
	(pc) =	sbr.rel @p2 .LBB2_30-.Ltmp17, $1  }
0xdc: {  	_ =	sdelay $0x3  }
0xdd: {  	p2 =	sgt.u32 s23, $0x4C1  }
.Ltmp18:
0xde: {  	_ = 	snop;
	(pc) =	sbr.rel @!p2 .LBB2_26-.Ltmp18, $4  }
0xdf: {  	_ = 	snop  }
0xe0: {  	_ =	swait.ge [sflag:s9], $0x4000  }
0xe1: {  	[sflag:s9] =	ssyncset.done $0x0  }
0xe2: {  	s13 =	sshra.s32 s20, $0x2;
	[sflag:s9] =	ssyncadd.s32 $0xFFFFC000  }
0xe3: {  	p2 =	sgt.u32 s23, $0x4D1  }
.Ltmp19:
0xe4: {  	_ = 	snop;
	(pc) =	sbr.rel @p2 .LBB2_29-.Ltmp19, $4  }
.Ltmp20:
0xe5: {  	_ = 	snop;
	(pc) =	sbr.rel @!p2 .LBB2_28-.Ltmp20, $4  }
0xe6: {  	_ = 	snop  }
0xe7: {  	_ = 	snop  }
0xe8: {  	_ = 	snop  }
0xe9: {  	_ = 	snop  }
.LBB2_16:
.Ltmp21:
0xea: {  	(pc) =	sbr.rel .LBB2_32-.Ltmp21, $2  }
0xeb: {  	_ =	sdelay $0x2  }
0xec: {  	s4 =	rddreg [dreg:$0xa]  }
.LBB2_31:
0xed: {  	s4 =	rddreg [dreg:$0xb]  }
.LBB2_32:
0xee: {  	[bflag:$0x0] =	sbarrier.arrive $0xFFFF  }
0xef: {  	[tilespmem:s28], [sflag:$0x5] =	stream.linear.gather [spmem:s14], $0x4000, $0x38;
	[tilespmem:$0x1E500] =	vst v63  }
0xf0: {  	_ =	swait.ge [sflag:s29], $0x4000  }
0xf1: {  	[sflag:s29] =	ssyncset.done $0x0  }
0xf2: {  	s13 =	sadd.s32 s4, s26;
	[sflag:s29] =	ssyncadd.s32 $0xFFFFC000  }
0xf3: {  	[hbm4b:s13+s6] =	stream.linear.scatter [tilespmem:s28], [sflag:$0x5], $0x4000, $0x38;
	[tilespmem:$0x1E500] =	vst v63  }
0xf4: {  	_ =	swait.ge [sflag:s29], $0x4000  }
0xf5: {  	[sflag:s29] =	ssyncset.done $0x0  }
0xf6: {  	[sflag:s29] =	ssyncadd.s32 $0xFFFFC000  }
0xf7: {  	[tilespmem:s28], [sflag:$0x5] =	stream.linear.gather [spmem:s15], $0x4000, $0x38;
	[tilespmem:$0x1E500] =	vst v63  }
0xf8: {  	_ =	swait.ge [sflag:s29], $0x4000  }
0xf9: {  	[sflag:s29] =	ssyncset.done $0x0;
	s21 =	rddreg [dreg:$0xc]  }
0xfa: {  	s13 =	sadd.s32 s4, s21;
	[sflag:s29] =	ssyncadd.s32 $0xFFFFC000  }
0xfb: {  	[hbm4b:s13+s6] =	stream.linear.scatter [tilespmem:s28], [sflag:$0x5], $0x4000, $0x38;
	[tilespmem:$0x1E500] =	vst v63  }
0xfc: {  	_ =	swait.ge [sflag:s29], $0x4000  }
0xfd: {  	[sflag:s29] =	ssyncset.done $0x0  }
0xfe: {  	[sflag:s29] =	ssyncadd.s32 $0xFFFFC000  }
0xff: {  	[tilespmem:s28], [sflag:$0x5] =	stream.linear.gather [spmem:s16], $0x4000, $0x38;
	[tilespmem:$0x1E500] =	vst v63  }
0x100: {  	_ =	swait.ge [sflag:s29], $0x4000  }
0x101: {  	[sflag:s29] =	ssyncset.done $0x0;
	s22 =	rddreg [dreg:$0xd]  }
0x102: {  	s13 =	sadd.s32 s4, s22;
	[sflag:s29] =	ssyncadd.s32 $0xFFFFC000  }
0x103: {  	[hbm4b:s13+s6] =	stream.linear.scatter [tilespmem:s28], [sflag:$0x5], $0x4000, $0x38;
	[tilespmem:$0x1E500] =	vst v63  }
0x104: {  	_ =	swait.ge [sflag:s29], $0x4000  }
0x105: {  	[sflag:s29] =	ssyncset.done $0x0  }
0x106: {  	[sflag:s29] =	ssyncadd.s32 $0xFFFFC000  }
0x107: {  	[tilespmem:s28], [sflag:$0x5] =	stream.linear.gather [spmem:s17], $0x4000, $0x38;
	[tilespmem:$0x1E500] =	vst v63  }
0x108: {  	_ =	swait.ge [sflag:s29], $0x4000  }
0x109: {  	[sflag:s29] =	ssyncset.done $0x0;
	s23 =	rddreg [dreg:$0xe]  }
0x10a: {  	s13 =	sadd.s32 s4, s23;
	[sflag:s29] =	ssyncadd.s32 $0xFFFFC000  }
0x10b: {  	[hbm4b:s13+s6] =	stream.linear.scatter [tilespmem:s28], [sflag:$0x5], $0x4000, $0x38;
	[tilespmem:$0x1E500] =	vst v63  }
0x10c: {  	_ =	swait.ge [sflag:s29], $0x4000  }
0x10d: {  	[sflag:s29] =	ssyncset.done $0x0  }
0x10e: {  	[sflag:s29] =	ssyncadd.s32 $0xFFFFC000  }
0x10f: {  	[tilespmem:s28], [sflag:$0x5] =	stream.linear.gather [spmem:s18], $0x3C00, $0x38;
	[tilespmem:$0x1E500] =	vst v63  }
0x110: {  	_ =	swait.ge [sflag:s29], $0x3C00  }
0x111: {  	[sflag:s29] =	ssyncset.done $0x0;
	s25 =	rddreg [dreg:$0xf]  }
0x112: {  	s13 =	sadd.s32 s4, s25;
	[sflag:s29] =	ssyncadd.s32 $0xFFFFC400  }
0x113: {  	[hbm4b:s13+s6] =	stream.linear.scatter [tilespmem:s28], [sflag:$0x5], $0x3C00, $0x38;
	[tilespmem:$0x1E500] =	vst v63  }
0x114: {  	_ =	swait.ge [sflag:s29], $0x3C00  }
0x115: {  	[sflag:s29] =	ssyncset.done $0x0  }
0x116: {  	[sflag:s29] =	ssyncadd.s32 $0xFFFFC400  }
0x117: {  	[tilespmem:s28], [sflag:$0x5] =	stream.linear.gather [hbm4b:s10+s6], $0x4000, $0x38;
	[tilespmem:$0x1E500] =	vst v63  }
0x118: {  	_ =	swait.ge [sflag:s29], $0x4000  }
0x119: {  	[sflag:s29] =	ssyncset.done $0x0  }
0x11a: {  	[sflag:s29] =	ssyncadd.s32 $0xFFFFC000  }
0x11b: {  	[spmem:s14] =	stream.linear.scatter [tilespmem:s28], [sflag:$0x5], $0x4000, $0x38;
	[tilespmem:$0x1E500] =	vst v63  }
0x11c: {  	_ =	swait.ge [sflag:s29], $0x4000  }
0x11d: {  	[sflag:s29] =	ssyncset.done $0x0  }
0x11e: {  	[sflag:s29] =	ssyncadd.s32 $0xFFFFC000  }
0x11f: {  	[spmem:s15] =	stream.linear.scatter [tilespmem:s28], [sflag:$0x5], $0x4000, $0x38;
	[tilespmem:$0x1E500] =	vst v63  }
0x120: {  	_ =	swait.ge [sflag:s29], $0x4000  }
0x121: {  	[sflag:s29] =	ssyncset.done $0x0  }
0x122: {  	[sflag:s29] =	ssyncadd.s32 $0xFFFFC000  }
0x123: {  	[spmem:s16] =	stream.linear.scatter [tilespmem:s28], [sflag:$0x5], $0x4000, $0x38;
	[tilespmem:$0x1E500] =	vst v63  }
0x124: {  	_ =	swait.ge [sflag:s29], $0x4000  }
0x125: {  	[sflag:s29] =	ssyncset.done $0x0  }
0x126: {  	[sflag:s29] =	ssyncadd.s32 $0xFFFFC000  }
0x127: {  	[spmem:s17] =	stream.linear.scatter [tilespmem:s28], [sflag:$0x5], $0x4000, $0x38;
	[tilespmem:$0x1E500] =	vst v63  }
0x128: {  	_ =	swait.ge [sflag:s29], $0x4000  }
0x129: {  	[sflag:s29] =	ssyncset.done $0x0  }
0x12a: {  	[sflag:s29] =	ssyncadd.s32 $0xFFFFC000  }
0x12b: {  	[spmem:s18] =	stream.linear.scatter [tilespmem:s28], [sflag:$0x5], $0x3C00, $0x38;
	[tilespmem:$0x1E500] =	vst v63  }
0x12c: {  	_ =	swait.ge [sflag:s29], $0x3C00  }
0x12d: {  	[sflag:s29] =	ssyncset.done $0x0  }
0x12e: {  	s20 =	rddreg [dreg:$0x9];
	[sflag:s29] =	ssyncadd.s32 $0xFFFFC400  }
0x12f: {  	[tilespmem:s28], [sflag:$0x5] =	stream.linear.gather [hbm4b:s20+s6], $0x4000, $0x38;
	[tilespmem:$0x1E500] =	vst v63  }
0x130: {  	_ =	swait.ge [sflag:s29], $0x4000  }
0x131: {  	[sflag:s29] =	ssyncset.done $0x0  }
0x132: {  	[sflag:s29] =	ssyncadd.s32 $0xFFFFC000  }
0x133: {  	s21 =	simm.s32 $0x13C00;
	[bflag:$0x0] =	sbarrier.arrive $0xFFFF  }
0x134: {  	[spmem:s5] =	stream.indirect.scatter.add.f32 [tilespmem:s28], [sflag:$0x2], $0x80, s21, s8, $0xb8;
	[tilespmem:$0x1E500] =	vst v63  }
0x135: {  	s22 =	simm.s32 $0x13C80  }
0x136: {  	[spmem:s5] =	stream.indirect.scatter.add.f32 [tilespmem:s28], [sflag:$0x2], $0x80, s22, s8, $0xb8;
	[tilespmem:$0x1E500] =	vst v63  }
0x137: {  	s23 =	simm.s32 $0x13D00  }
0x138: {  	[spmem:s5] =	stream.indirect.scatter.add.f32 [tilespmem:s28], [sflag:$0x2], $0x80, s23, s8, $0xb8;
	[tilespmem:$0x1E500] =	vst v63  }
0x139: {  	_ =	swait.ge [sflag:s7], $0x4000  }
0x13a: {  	[sflag:s7] =	ssyncset.done $0x0  }
0x13b: {  	s25 =	simm.s32 $0x13D80;
	[sflag:s7] =	ssyncadd.s32 $0xFFFFC000  }
0x13c: {  	[spmem:s5] =	stream.indirect.scatter.add.f32 [tilespmem:s28], [sflag:$0x2], $0x80, s25, s8, $0xb8;
	[tilespmem:$0x1E500] =	vst v63  }
0x13d: {  	_ =	swait.ge [sflag:s7], $0x4000  }
0x13e: {  	s4 =	simm.s32 $0xFFFFDB00;
	s13 =	simm.s32 $0xFFFF7000;
	[sflag:s7] =	ssyncset.done $0x0  }
.LBB2_33:
0x13f: {  	s20 =	sadd.s32 $0x16300, s4  }
0x140: {  	[sflag:s7] =	ssyncadd.s32 $0xFFFFC000;
	s21 =	smov.u32 s13;
	s22 =	sadd.s32 $0x400, s13  }
0x141: {  	[spmem:s5] =	stream.indirect.scatter.add.f32 [tilespmem:s28], [sflag:$0x2], $0x80, s20, s8, $0xb8;
	[tilespmem:$0x1E500] =	vst v63  }
0x142: {  	p2 =	sne.s32 s13, $0xFFFFFC00;
	_ =	swait.ge [sflag:s7], $0x4000  }
.Ltmp22:
0x143: {  	[sflag:s7] =	ssyncset.done $0x0;
	(pc) =	sbr.rel @p2 .LBB2_33-.Ltmp22, $4  }
0x144: {  	s4 =	sadd.s32 $0x16380, s4;
	[sflag:s7] =	ssyncadd.s32 $0xFFFFC000  }
0x145: {  	[spmem:s5] =	stream.indirect.scatter.add.f32 [tilespmem:s28], [sflag:$0x2], $0x80, s4, s8, $0xb8;
	[tilespmem:$0x1E500] =	vst v63  }
0x146: {  	_ =	swait.ge [sflag:s7], $0x4000  }
0x147: {  	s13 =	smov.u32 s22;
	s4 =	sshra.s32 s21, $0x2;
	[sflag:s7] =	ssyncset.done $0x0  }
0x148: {  	s13 =	sadd.s32 $0x16300, s4;
	[sflag:s7] =	ssyncadd.s32 $0xFFFFC000  }
0x149: {  	[spmem:s5] =	stream.indirect.scatter.add.f32 [tilespmem:s28], [sflag:$0x2], $0x80, s13, s8, $0xb8;
	[tilespmem:$0x1E500] =	vst v63  }
0x14a: {  	_ =	swait.ge [sflag:s7], $0x4000  }
0x14b: {  	[sflag:s7] =	ssyncset.done $0x0  }
0x14c: {  	s25 =	sadd.s32 $0x16380, s4;
	[sflag:s7] =	ssyncadd.s32 $0xFFFFC000  }
0x14d: {  	[spmem:s5] =	stream.indirect.scatter.add.f32 [tilespmem:s28], [sflag:$0x2], $0x80, s25, s8, $0xb8;
	[tilespmem:$0x1E500] =	vst v63  }
0x14e: {  	_ =	swait.ge [sflag:s7], $0x4000  }
0x14f: {  	s4 =	simm.s32 @!p1 $0x80;
	[sflag:s7] =	ssyncset.done $0x0  }
0x150: {  	s20 =	simm.s32 @!p1 $0x16500;
	s13 =	simm.s32 @!p1 $0x16300;
	[sflag:s7] =	ssyncadd.s32 $0xFFFFC000  }
0x151: {  	[spmem:s5] =	stream.indirect.scatter.add.f32 @!p1 [tilespmem:s20], [sflag:$0x2], $0x80, s13, s4, $0xb8;
	[tilespmem:$0x1E500] =	vst v63  }
0x152: {  	s4 =	simm.s32 @!p1 $0x2  }
0x153: {  	_ =	swait.ge @!p1 [sflag:s4], $0x4000  }
0x154: {  	[sflag:s4] =	ssyncset.done @!p1 $0x0  }
0x155: {  	[sflag:s4] =	ssyncadd.s32 @!p1 $0xFFFFC000  }
0x156: {  	_ =	swait.ge [sflag:s7], $0x4000  }
0x157: {  	[sflag:s7] =	ssyncset.done $0x0  }
0x158: {  	[sflag:s7] =	ssyncadd.s32 $0xFFFFC000  }
0x159: {  	_ =	swait.ge [sflag:s7], $0x4000  }
0x15a: {  	[sflag:s7] =	ssyncset.done $0x0  }
0x15b: {  	[sflag:s7] =	ssyncadd.s32 $0xFFFFC000  }
0x15c: {  	[bflag:$0x0] =	sbarrier.arrive $0xFFFF  }
0x15d: {  	[tilespmem:s30], [sflag:$0x5] =	stream.linear.gather [spmem:s14], $0x4000, $0x38;
	[tilespmem:$0x1E500] =	vst v63  }
0x15e: {  	_ =	swait.ge [sflag:s29], $0x4000  }
0x15f: {  	[sflag:s29] =	ssyncset.done $0x0  }
0x160: {  	s13 =	rddreg [dreg:$0x15];
	[sflag:s29] =	ssyncadd.s32 $0xFFFFC000  }
0x161: {  	[hbm4b:s13+s6] =	stream.linear.scatter [tilespmem:s30], [sflag:$0x5], $0x4000, $0x38;
	[tilespmem:$0x1E500] =	vst v63  }
0x162: {  	_ =	swait.ge [sflag:s29], $0x4000  }
0x163: {  	[sflag:s29] =	ssyncset.done $0x0  }
0x164: {  	[sflag:s29] =	ssyncadd.s32 $0xFFFFC000  }
0x165: {  	[tilespmem:s30], [sflag:$0x5] =	stream.linear.gather [spmem:s15], $0x4000, $0x38;
	[tilespmem:$0x1E500] =	vst v63  }
0x166: {  	_ =	swait.ge [sflag:s29], $0x4000  }
0x167: {  	[sflag:s29] =	ssyncset.done $0x0  }
0x168: {  	s20 =	rddreg [dreg:$0x16];
	[sflag:s29] =	ssyncadd.s32 $0xFFFFC000  }
0x169: {  	[hbm4b:s20+s6] =	stream.linear.scatter [tilespmem:s30], [sflag:$0x5], $0x4000, $0x38;
	[tilespmem:$0x1E500] =	vst v63  }
0x16a: {  	_ =	swait.ge [sflag:s29], $0x4000  }
0x16b: {  	[sflag:s29] =	ssyncset.done $0x0  }
0x16c: {  	[sflag:s29] =	ssyncadd.s32 $0xFFFFC000  }
0x16d: {  	[tilespmem:s30], [sflag:$0x5] =	stream.linear.gather [spmem:s16], $0x4000, $0x38;
	[tilespmem:$0x1E500] =	vst v63  }
0x16e: {  	_ =	swait.ge [sflag:s29], $0x4000  }
0x16f: {  	[sflag:s29] =	ssyncset.done $0x0  }
0x170: {  	s21 =	rddreg [dreg:$0x17];
	[sflag:s29] =	ssyncadd.s32 $0xFFFFC000  }
0x171: {  	[hbm4b:s21+s6] =	stream.linear.scatter [tilespmem:s30], [sflag:$0x5], $0x4000, $0x38;
	[tilespmem:$0x1E500] =	vst v63  }
0x172: {  	_ =	swait.ge [sflag:s29], $0x4000  }
0x173: {  	[sflag:s29] =	ssyncset.done $0x0  }
0x174: {  	[sflag:s29] =	ssyncadd.s32 $0xFFFFC000  }
0x175: {  	[tilespmem:s30], [sflag:$0x5] =	stream.linear.gather [spmem:s17], $0x4000, $0x38;
	[tilespmem:$0x1E500] =	vst v63  }
0x176: {  	_ =	swait.ge [sflag:s29], $0x4000  }
0x177: {  	[sflag:s29] =	ssyncset.done $0x0  }
0x178: {  	s22 =	rddreg [dreg:$0x18];
	[sflag:s29] =	ssyncadd.s32 $0xFFFFC000  }
0x179: {  	[hbm4b:s22+s6] =	stream.linear.scatter [tilespmem:s30], [sflag:$0x5], $0x4000, $0x38;
	[tilespmem:$0x1E500] =	vst v63  }
0x17a: {  	_ =	swait.ge [sflag:s29], $0x4000  }
0x17b: {  	[sflag:s29] =	ssyncset.done $0x0  }
0x17c: {  	[sflag:s29] =	ssyncadd.s32 $0xFFFFC000  }
0x17d: {  	[tilespmem:s30], [sflag:$0x5] =	stream.linear.gather [spmem:s18], $0x3C00, $0x38;
	[tilespmem:$0x1E500] =	vst v63  }
0x17e: {  	_ =	swait.ge [sflag:s29], $0x3C00  }
0x17f: {  	[sflag:s29] =	ssyncset.done $0x0  }
0x180: {  	s23 =	rddreg [dreg:$0x19];
	[sflag:s29] =	ssyncadd.s32 $0xFFFFC400  }
0x181: {  	[hbm4b:s23+s6] =	stream.linear.scatter [tilespmem:s30], [sflag:$0x5], $0x3C00, $0x38;
	[tilespmem:$0x1E500] =	vst v63  }
0x182: {  	_ =	swait.ge [sflag:s29], $0x3C00  }
0x183: {  	s3 =	sadd.s32 $0x1, s3;
	s25 =	rddreg [dreg:$0x14]  }
0x184: {  	p2 =	sne.s32 s3, s25  }
.Ltmp23:
0x185: {  	_ = 	snop;
	(pc) =	sbr.rel @p2 .LBB2_1-.Ltmp23, $3  }
0x186: {  	_ =	sdelay $0x1  }
0x187: {  	[sflag:s29] =	ssyncset.done $0x0  }
0x188: {  	[sflag:s29] =	ssyncadd.s32 $0xFFFFC400  }
0x189: {  	_ =	sfence.sel $0x180000  }
0x18a: {  	[bflag:$0x0] =	sbarrier.arrive $0xFFFF  }
0x18b: {  	_ =	strace $0x90000047  }
0x18c: {  	s0 =	stileid.u32;
	[bflag:$0x2] =	sbarrier.arrive $0xFFFF  }
0x18d: {  	p0 =	sne.s32 s0, $0x0;
	s0 =	rddreg [dreg:$0x6]  }
0x18e: {  	s0 =	sadd.s32 @!p0 $0x100000, s0  }
0x18f: {  	[sflag:s0] =	ssyncadd.tile.s32 @!p0 $0x1;
	_ =	shalt  }
.Lfunc_end2:
_tile_overlayer_lowered:
.L_overlay_start_2:
0x190: {  	(tag) =	ssettag $0x2  }
0x191: {  	s0 =	rddreg [dreg:$0x0];
	s2 =	stileid.u32  }
0x192: {  	s1 =	rddreg [dreg:$0x1];
	p0 =	sne.s32 s2, $0x0  }
0x193: {  	s3 =	rddreg [dreg:$0x2];
	[bflag:$0x3] =	sbarrier.arrive $0xFFFF;
	s2 =	simm.s32 @!p0 $0x1C05  }
0x194: {  	[timem:s3], [sflag:s2] =	dma.local @!p0 [hbm:s0], s1  }
0x195: {  	s0 =	simm.s32 @!p0 $0x5  }
0x196: {  	_ =	swait.ge @!p0 [sflag:s0], s1  }
0x197: {  	s1 =	ssub.s32 @!p0 $0x0, s1;
	[sflag:s0] =	ssyncset.done @!p0 $0x0  }
0x198: {  	[sflag:s0] =	ssyncadd.s32 @!p0 s1  }
0x199: {  	[bflag:$0x3] =	sbarrier.arrive $0xFFFF  }
0x19a: {  	_ =	shalt  }

</sc_bundles>
